<compile_context>
chip_gen: v7x
topology: tpu7x:2x2x1
jax: 0.10.2.dev20260603
libtpu: 0.0.44.dev20260713+nightly
codegen_flags: <defaults>
</compile_context>

<pallas_src>
import functools

import jax
import jax.numpy as jnp
from jax import lax
from jax.experimental import pallas as pl
from jax.experimental.pallas import tpu as pltpu
from jax.experimental.pallas import tpu_sc as plsc

N = 10000
E = 320000
D = 128
H = 128
G = 64

NC = 2
NS = 16
NW = NC * NS
B = 128
NB = 80
EP = NW * NB * B
NP = 10240
RPS = NP // NS
BM = 1024

@functools.lru_cache(maxsize=None)
def _vector_mesh():
    return plsc.VectorSubcoreMesh(
        core_axis_name="c", subcore_axis_name="s", num_cores=NC, num_subcores=NS
    )


def _hist_body(dst_hbm, ones_hbm, zeros_hbm, out_hbm, acc_sh, dst_v, ones_v):
    c = lax.axis_index("c")
    s = lax.axis_index("s")
    wid = c * NS + s
    pltpu.sync_copy(zeros_hbm, acc_sh.at[pl.ds(s * RPS, RPS)])
    pltpu.sync_copy(ones_hbm, ones_v)
    pltpu.sync_copy(dst_hbm.at[wid], dst_v)
    plsc.subcore_barrier()

    @pl.loop(0, NB)
    def _(j):
        pltpu.sync_copy(ones_v, acc_sh.at[dst_v.at[j]], add=True)

    plsc.subcore_barrier()
    pltpu.sync_copy(
        acc_sh.at[pl.ds(s * RPS, RPS)], out_hbm.at[c, pl.ds(s * RPS, RPS)]
    )


@functools.lru_cache(maxsize=None)
def _hist_kernel_fn():
    return pl.kernel(
        _hist_body,
        out_type=jax.ShapeDtypeStruct((NC, NP, H), jnp.float32),
        mesh=_vector_mesh(),
        scratch_types=[
            pltpu.VMEM_SHARED((NP, H), jnp.float32),
            pltpu.VMEM((NB, B), jnp.int32),
            pltpu.VMEM((B, H), jnp.float32),
        ],
    )


def _hist_kernel(dst_w, ones_rows, zeros_rows):
    return _hist_kernel_fn()(dst_w, ones_rows, zeros_rows)


NBH = NB // 2
NBT = 2 * NB
NB0 = 80
NB1 = 80
NPH0 = NB0 // NBH
NPH1 = NB1 // NBH
assert NB0 + NB1 == NBT


def _agg_body(hs_hbm, src_hbm, dst_hbm, zeros_hbm, out_hbm,
              acc_sh, src_v, dst_v, gbuf0, gbuf1, sem0, sem1):
    c = lax.axis_index("c")
    s = lax.axis_index("s")
    pltpu.sync_copy(zeros_hbm, acc_sh.at[pl.ds(s * RPS, RPS)])
    plsc.subcore_barrier()

    nph = jnp.where(c == 0, NPH0, NPH1)
    base = jnp.where(c == 0, 0, NB0)

    @pl.loop(0, nph)
    def _(p):
        off = base + p * NBH
        pltpu.sync_copy(src_hbm.at[s, pl.ds(off, NBH)], src_v)
        pltpu.sync_copy(dst_hbm.at[s, pl.ds(off, NBH)], dst_v)
        pltpu.async_copy(hs_hbm.at[src_v.at[0]], gbuf0, sem0).wait()

        @pl.loop(0, NBH - 2, step=2)
        def _(j):
            cp1 = pltpu.async_copy(hs_hbm.at[src_v.at[j + 1]], gbuf1, sem1)
            pltpu.sync_copy(gbuf0, acc_sh.at[dst_v.at[j]], add=True)
            cp1.wait()
            cp0 = pltpu.async_copy(hs_hbm.at[src_v.at[j + 2]], gbuf0, sem0)
            pltpu.sync_copy(gbuf1, acc_sh.at[dst_v.at[j + 1]], add=True)
            cp0.wait()

        cp1 = pltpu.async_copy(hs_hbm.at[src_v.at[NBH - 1]], gbuf1, sem1)
        pltpu.sync_copy(gbuf0, acc_sh.at[dst_v.at[NBH - 2]], add=True)
        cp1.wait()
        pltpu.sync_copy(gbuf1, acc_sh.at[dst_v.at[NBH - 1]], add=True)

    plsc.subcore_barrier()
    pltpu.sync_copy(
        acc_sh.at[pl.ds(s * RPS, RPS)], out_hbm.at[c, pl.ds(s * RPS, RPS)]
    )


@functools.lru_cache(maxsize=None)
def _agg_kernel_fn():
    return pl.kernel(
        _agg_body,
        out_type=jax.ShapeDtypeStruct((NC, NP, H), jnp.float32),
        mesh=_vector_mesh(),
        scratch_types=[
            pltpu.VMEM_SHARED((NP, H), jnp.float32),
            pltpu.VMEM((NBH, B), jnp.int32),
            pltpu.VMEM((NBH, B), jnp.int32),
            pltpu.VMEM((B, H), jnp.float32),
            pltpu.VMEM((B, H), jnp.float32),
            pltpu.SemaphoreType.DMA,
            pltpu.SemaphoreType.DMA,
        ],
    )


def _agg_kernel(hs, src_w, dst_w, zerosH):
    return _agg_kernel_fn()(hs, src_w, dst_w, zerosH)


def _stage1_body(x_ref, w_ref, hist_ref, dis_ref, hs_ref):
    hist = hist_ref[...]
    deg = hist[0, :, 0] + hist[1, :, 0] + 1.0
    dis = lax.rsqrt(deg)[:, None]
    dis_ref[...] = dis
    h = jnp.dot(x_ref[...], w_ref[...], preferred_element_type=jnp.float32)
    hs_ref[...] = h * dis


def _stage1(x_p, w1, hist):
    return pl.pallas_call(
        _stage1_body,
        out_shape=(
            jax.ShapeDtypeStruct((NP, 1), jnp.float32),
            jax.ShapeDtypeStruct((NP, H), jnp.float32),
        ),
        grid=(NP // BM,),
        in_specs=[
            pl.BlockSpec((BM, D), lambda i: (i, 0)),
            pl.BlockSpec((D, H), lambda i: (0, 0)),
            pl.BlockSpec((NC, BM, H), lambda i: (0, i, 0)),
        ],
        out_specs=(
            pl.BlockSpec((BM, 1), lambda i: (i, 0)),
            pl.BlockSpec((BM, H), lambda i: (i, 0)),
        ),
    )(x_p, w1, hist)


def _mid_body(p_ref, hs_ref, dis_ref, b_ref, w_ref, out_ref):
    p = p_ref[...]
    dis = dis_ref[...]
    tot = (p[0] + p[1] + hs_ref[...]) * dis + b_ref[...]
    h = jnp.maximum(tot, 0.0)
    rows = pl.program_id(0) * BM + lax.broadcasted_iota(jnp.int32, (BM, 1), 0)
    h = jnp.where(rows < N, h, 0.0)
    out_ref[...] = (
        jnp.dot(h, w_ref[...], preferred_element_type=jnp.float32) * dis
    )


def _mid_stage(partials, hs, dis, b_row, w_next):
    return pl.pallas_call(
        _mid_body,
        out_shape=jax.ShapeDtypeStruct((NP, H), jnp.float32),
        grid=(NP // BM,),
        in_specs=[
            pl.BlockSpec((NC, BM, H), lambda i: (0, i, 0)),
            pl.BlockSpec((BM, H), lambda i: (i, 0)),
            pl.BlockSpec((BM, 1), lambda i: (i, 0)),
            pl.BlockSpec((1, H), lambda i: (0, 0)),
            pl.BlockSpec((H, H), lambda i: (0, 0)),
        ],
        out_specs=pl.BlockSpec((BM, H), lambda i: (i, 0)),
        input_output_aliases={1: 0},
    )(partials, hs, dis, b_row, w_next)


def _final_body(p_ref, hs_ref, dis_ref, b_ref, batch_ref, wl_ref, bl_ref,
                out_ref, pooled_ref):
    i = pl.program_id(0)

    @pl.when(i == 0)
    def _():
        pooled_ref[...] = jnp.zeros_like(pooled_ref)

    p = p_ref[...]
    tot = (p[0] + p[1] + hs_ref[...]) * dis_ref[...] + b_ref[...]
    h = jnp.maximum(tot, 0.0)
    bids = batch_ref[...]
    onehot = (bids == lax.broadcasted_iota(jnp.int32, (1, G), 1)).astype(
        jnp.float32
    )
    pooled_ref[...] += lax.dot_general(
        onehot, h, (((0,), (0,)), ((), ())),
        preferred_element_type=jnp.float32,
    )

    @pl.when(i == pl.num_programs(0) - 1)
    def _():
        out_ref[...] = (
            jnp.dot(pooled_ref[...], wl_ref[...],
                    preferred_element_type=jnp.float32)
            + bl_ref[...]
        )


def _final_stage(partials, hs, dis, b_row, batch_p, wl_pad, bl_pad):
    return pl.pallas_call(
        _final_body,
        out_shape=jax.ShapeDtypeStruct((G, 8), jnp.float32),
        grid=(NP // BM,),
        in_specs=[
            pl.BlockSpec((NC, BM, H), lambda i: (0, i, 0)),
            pl.BlockSpec((BM, H), lambda i: (i, 0)),
            pl.BlockSpec((BM, 1), lambda i: (i, 0)),
            pl.BlockSpec((1, H), lambda i: (0, 0)),
            pl.BlockSpec((BM, 1), lambda i: (i, 0)),
            pl.BlockSpec((H, 8), lambda i: (0, 0)),
            pl.BlockSpec((1, 8), lambda i: (0, 0)),
        ],
        out_specs=pl.BlockSpec((G, 8), lambda i: (0, 0)),
        scratch_shapes=[pltpu.VMEM((G, H), jnp.float32)],
    )(partials, hs, dis, b_row, batch_p, wl_pad, bl_pad)


@jax.jit
def kernel(x, edge_index, batch, W1, b1, W2, b2, W3, b3, Wl, bl):
    f32 = jnp.float32
    x_p = jnp.zeros((NP, D), f32).at[:N].set(x.astype(f32))
    src = edge_index[0].astype(jnp.int32)
    dst = edge_index[1].astype(jnp.int32)
    pad = jnp.full((EP - E,), N, jnp.int32)
    src_w = jnp.concatenate([src, pad]).reshape(NW, NB, B)
    dst_w = jnp.concatenate([dst, pad]).reshape(NW, NB, B)
    src_a = src_w.reshape(NS, NBT, B)
    dst_a = dst_w.reshape(NS, NBT, B)
    batch_p = jnp.concatenate(
        [batch.astype(jnp.int32), jnp.full((NP - N,), G, jnp.int32)]
    ).reshape(NP, 1)
    onesH = jnp.ones((B, H), f32)
    zerosH = jnp.zeros((RPS, H), f32)
    b1r = b1.astype(f32).reshape(1, H)
    b2r = b2.astype(f32).reshape(1, H)
    b3r = b3.astype(f32).reshape(1, H)
    wl_pad = jnp.zeros((H, 8), f32).at[:, :2].set(Wl.astype(f32))
    bl_pad = jnp.zeros((1, 8), f32).at[0, :2].set(bl.astype(f32))

    hist = _hist_kernel(dst_w, onesH, zerosH)

    dis, hs = _stage1(x_p, W1.astype(f32), hist)
    partials = _agg_kernel(hs, src_a, dst_a, zerosH)
    hs = _mid_stage(partials, hs, dis, b1r, W2.astype(f32))
    partials = _agg_kernel(hs, src_a, dst_a, zerosH)
    hs = _mid_stage(partials, hs, dis, b2r, W3.astype(f32))
    partials = _agg_kernel(hs, src_a, dst_a, zerosH)
    out = _final_stage(partials, hs, dis, b3r, batch_p, wl_pad, bl_pad)
    return out[:, :2]

# --- scband reference (transcript-rebuilt; emitter-appended) ---
"""Pipeline reference for scband-synthetic-gcn-39513699123484 (READ-ONLY COPY).

The authoritative reference and input builder live on the scoring server;
editing this copy changes nothing except your own understanding.
"""

import jax, jax.numpy as jnp
import numpy as np

N = 10000
E = 320000
D = 128
H = 128
G = 64


def setup_inputs(seed: int = 0) -> dict:
    key = jax.random.key(seed)
    ks = jax.random.split(key, 12)
    x = jax.random.normal(ks[0], (N, D), dtype=jnp.float32)
    edge_index = jax.random.randint(ks[1], (2, E), 0, N)
    batch = jnp.sort(jax.random.randint(ks[2], (N,), 0, G))
    W1 = jax.random.normal(ks[3], (D, H), dtype=jnp.float32) * (1.0 / np.sqrt(D))
    b1 = jnp.zeros((H,), dtype=jnp.float32)
    W2 = jax.random.normal(ks[4], (H, H), dtype=jnp.float32) * (1.0 / np.sqrt(H))
    b2 = jnp.zeros((H,), dtype=jnp.float32)
    W3 = jax.random.normal(ks[5], (H, H), dtype=jnp.float32) * (1.0 / np.sqrt(H))
    b3 = jnp.zeros((H,), dtype=jnp.float32)
    Wl = jax.random.normal(ks[6], (H, 2), dtype=jnp.float32) * (1.0 / np.sqrt(H))
    bl = jnp.zeros((2,), dtype=jnp.float32)
    return {"x": x, "edge_index": edge_index, "batch": batch,
            "W1": W1, "b1": b1, "W2": W2, "b2": b2, "W3": W3, "b3": b3,
            "Wl": Wl, "bl": bl}


def _gcn_conv(x, edge_index, W, b):
    # PyG GCNConv: linear transform, add self loops, D^-1/2 A D^-1/2 aggregation, bias
    src = edge_index[0]
    dst = edge_index[1]
    loop = jnp.arange(N, dtype=src.dtype)
    src = jnp.concatenate([src, loop])
    dst = jnp.concatenate([dst, loop])
    deg = jnp.zeros((N,), dtype=x.dtype).at[dst].add(1.0)
    deg_inv_sqrt = jnp.where(deg > 0, jax.lax.rsqrt(jnp.maximum(deg, 1e-12)), 0.0)
    norm = deg_inv_sqrt[src] * deg_inv_sqrt[dst]
    h = x @ W
    msg = h[src] * norm[:, None]
    out = jnp.zeros((N, W.shape[1]), dtype=x.dtype).at[dst].add(msg)
    return out + b


def reference(x, edge_index, batch, W1, b1, W2, b2, W3, b3, Wl, bl):
    h = jax.nn.relu(_gcn_conv(x.astype(jnp.float32), edge_index, W1, b1))
    h = jax.nn.relu(_gcn_conv(h, edge_index, W2, b2))
    h = jax.nn.relu(_gcn_conv(h, edge_index, W3, b3))
    pooled = jax.ops.segment_sum(h, batch, num_segments=G)
    return pooled @ Wl + bl

if __name__ == "__main__":
    import jax
    _d = setup_inputs()
    print(jax.jit(kernel)(*tuple(_d.values())))

</pallas_src>

<mosaic_0001>
#map = affine_map<(d0, d1) -> (0, 0)>
#map1 = affine_map<(d0, d1) -> (0, 0, 0)>
module attributes {stable_mosaic.version = 14 : i64} {
  func.func @_agg_body(%arg0: i32, %arg1: i32, %arg2: memref<10240x128xf32, #tpu.memory_space<hbm>>, %arg3: memref<16x160x128xi32, #tpu.memory_space<hbm>>, %arg4: memref<16x160x128xi32, #tpu.memory_space<hbm>>, %arg5: memref<640x128xf32, #tpu.memory_space<hbm>>, %arg6: memref<2x10240x128xf32, #tpu.memory_space<hbm>>, %arg7: memref<10240x128xf32, #tpu.memory_space<vmem_shared>>, %arg8: memref<40x128xi32, #tpu.memory_space<vmem>>, %arg9: memref<40x128xi32, #tpu.memory_space<vmem>>, %arg10: memref<128x128xf32, #tpu.memory_space<vmem>>, %arg11: memref<128x128xf32, #tpu.memory_space<vmem>>, %arg12: memref<!tpu.dma_semaphore, #tpu.memory_space<semaphore_mem>>, %arg13: memref<!tpu.dma_semaphore, #tpu.memory_space<semaphore_mem>>) attributes {dimension_semantics = [#tpu.dimension_semantics<core_parallel>, #tpu.dimension_semantics<subcore_parallel>], iteration_bounds = array<i64: 2, 16>, scalar_prefetch = 0 : i64, scratch_operands = 7 : i64, tpu.core_type = #tpu.core_type<sc_vector_subcore>, window_params = [{transform_indices = #map}, {transform_indices = #map1}, {transform_indices = #map1}, {transform_indices = #map}, {transform_indices = #map1}]} {
    %mul3A = arith.constant 640 : i32
    %mul3A_0 = arith.muli %arg1, %mul3A : i32
    "tpu.region"() ({
      %run_scoped3A = tpu.sem_alloc : memref<!tpu.dma_semaphore, #tpu.memory_space<semaphore_mem>>
      %dma_start3A = arith.constant 0 : i32
      %dma_start3A_28 = tpu.memref_slice %arg7[%mul3A_0, %dma_start3A] : memref<10240x128xf32, #tpu.memory_space<vmem_shared>> -> memref<640x128xf32, #tpu.memory_space<vmem_shared>>
      tpu.enqueue_dma source(%arg5 : memref<640x128xf32, #tpu.memory_space<hbm>>) target(%dma_start3A_28 : memref<640x128xf32, #tpu.memory_space<vmem_shared>>) target_semaphore(%run_scoped3A : memref<!tpu.dma_semaphore, #tpu.memory_space<semaphore_mem>>)
      %dma_wait3A = arith.constant 0 : i32
      %dma_wait3A_29 = tpu.memref_slice %arg7[%mul3A_0, %dma_wait3A] : memref<10240x128xf32, #tpu.memory_space<vmem_shared>> -> memref<640x128xf32, #tpu.memory_space<vmem_shared>>
      tpu.wait_dma2 semaphore(%run_scoped3A : memref<!tpu.dma_semaphore, #tpu.memory_space<semaphore_mem>>) src(%arg5 : memref<640x128xf32, #tpu.memory_space<hbm>>) dst(%dma_wait3A_29 : memref<640x128xf32, #tpu.memory_space<vmem_shared>>)
      tpu.yield
    }) : () -> ()
    %barrier3A = arith.constant 0 : index
    tpu.barrier barrier_id(%barrier3A)
    %eq3A = arith.constant 0 : i32
    %eq3A_1 = arith.cmpi eq, %arg0, %eq3A : i32
    %jit3A = arith.constant 2 : i32
    %jit3A_2 = arith.constant 2 : i32
    %select_n3A = arith.select %eq3A_1, %jit3A, %jit3A_2 : i32
    %eq3A_3 = arith.constant 0 : i32
    %eq3A_4 = arith.cmpi eq, %arg0, %eq3A_3 : i32
    %jit3A_5 = arith.constant 0 : i32
    %jit3A_6 = arith.constant 80 : i32
    %select_n3A_7 = arith.select %eq3A_4, %jit3A_5, %jit3A_6 : i32
    %sub3A = arith.constant 0 : i32
    %sub3A_8 = arith.subi %select_n3A, %sub3A : i32
    %sub3A_9 = arith.constant 1 : i32
    %sub3A_10 = arith.constant 1 : i32
    %sub3A_11 = arith.subi %sub3A_9, %sub3A_10 : i32
    %add3A = arith.addi %sub3A_8, %sub3A_11 : i32
    %div3A = arith.constant 1 : i32
    %div3A_12 = arith.divsi %add3A, %div3A : i32
    %while3A = arith.constant 1 : i32
    %while3A_13 = arith.constant 0 : i32
    %while3A_14 = arith.constant 0 : i32
    %while3A_15 = arith.subi %div3A_12, %while3A_14 : i32
    %while3A_16 = arith.addi %while3A_14, %while3A_15 : i32
    %while3A_17 = arith.constant 1 : i32
    %while3A_18 = arith.divsi %while3A_15, %while3A_17 : i32
    %while3A_19 = arith.muli %while3A_18, %while3A_17 : i32
    %while3A_20 = arith.addi %while3A_14, %while3A_19 : i32
    %while3A_21 = arith.constant 1 : i32
    scf.for %while3A_28 = %while3A_14 to %while3A_20 step %while3A_21  : i32 {
      %mul3A_29 = arith.muli %while3A_28, %while3A : i32
      %add3A_30 = arith.addi %while3A_13, %mul3A_29 : i32
      %mul3A_31 = arith.constant 40 : i32
      %mul3A_32 = arith.muli %add3A_30, %mul3A_31 : i32
      %add3A_33 = arith.addi %select_n3A_7, %mul3A_32 : i32
      "tpu.region"() ({
        %run_scoped3A_65 = tpu.sem_alloc : memref<!tpu.dma_semaphore, #tpu.memory_space<semaphore_mem>>
        %dma_start3A_66 = arith.constant 0 : i32
        %dma_start3A_67 = tpu.memref_slice %arg3[%arg1, %add3A_33, %dma_start3A_66] : memref<16x160x128xi32, #tpu.memory_space<hbm>> -> memref<1x40x128xi32, #tpu.memory_space<hbm>>
        %dma_start3A_68 = tpu.memref_squeeze %dma_start3A_67 : memref<1x40x128xi32, #tpu.memory_space<hbm>> -> memref<40x128xi32, #tpu.memory_space<hbm>>
        %dma_start3A_69 = arith.constant 0 : i32
        %dma_start3A_70 = tpu.memref_slice %arg3[%arg1, %add3A_33, %dma_start3A_69] : memref<16x160x128xi32, #tpu.memory_space<hbm>> -> memref<1x40x128xi32, #tpu.memory_space<hbm>>
        %dma_start3A_71 = tpu.memref_squeeze %dma_start3A_70 : memref<1x40x128xi32, #tpu.memory_space<hbm>> -> memref<40x128xi32, #tpu.memory_space<hbm>>
        tpu.enqueue_dma source(%dma_start3A_71 : memref<40x128xi32, #tpu.memory_space<hbm>>) target(%arg8 : memref<40x128xi32, #tpu.memory_space<vmem>>) target_semaphore(%run_scoped3A_65 : memref<!tpu.dma_semaphore, #tpu.memory_space<semaphore_mem>>)
        %dma_wait3A_72 = arith.constant 0 : i32
        %dma_wait3A_73 = tpu.memref_slice %arg3[%arg1, %add3A_33, %dma_wait3A_72] : memref<16x160x128xi32, #tpu.memory_space<hbm>> -> memref<1x40x128xi32, #tpu.memory_space<hbm>>
        %dma_wait3A_74 = tpu.memref_squeeze %dma_wait3A_73 : memref<1x40x128xi32, #tpu.memory_space<hbm>> -> memref<40x128xi32, #tpu.memory_space<hbm>>
        %dma_wait3A_75 = arith.constant 0 : i32
        %dma_wait3A_76 = tpu.memref_slice %arg3[%arg1, %add3A_33, %dma_wait3A_75] : memref<16x160x128xi32, #tpu.memory_space<hbm>> -> memref<1x40x128xi32, #tpu.memory_space<hbm>>
        %dma_wait3A_77 = tpu.memref_squeeze %dma_wait3A_76 : memref<1x40x128xi32, #tpu.memory_space<hbm>> -> memref<40x128xi32, #tpu.memory_space<hbm>>
        tpu.wait_dma2 semaphore(%run_scoped3A_65 : memref<!tpu.dma_semaphore, #tpu.memory_space<semaphore_mem>>) src(%dma_wait3A_77 : memref<40x128xi32, #tpu.memory_space<hbm>>) dst(%arg8 : memref<40x128xi32, #tpu.memory_space<vmem>>)
        tpu.yield
      }) : () -> ()
      "tpu.region"() ({
        %run_scoped3A_65 = tpu.sem_alloc : memref<!tpu.dma_semaphore, #tpu.memory_space<semaphore_mem>>
        %dma_start3A_66 = arith.constant 0 : i32
        %dma_start3A_67 = tpu.memref_slice %arg4[%arg1, %add3A_33, %dma_start3A_66] : memref<16x160x128xi32, #tpu.memory_space<hbm>> -> memref<1x40x128xi32, #tpu.memory_space<hbm>>
        %dma_start3A_68 = tpu.memref_squeeze %dma_start3A_67 : memref<1x40x128xi32, #tpu.memory_space<hbm>> -> memref<40x128xi32, #tpu.memory_space<hbm>>
        %dma_start3A_69 = arith.constant 0 : i32
        %dma_start3A_70 = tpu.memref_slice %arg4[%arg1, %add3A_33, %dma_start3A_69] : memref<16x160x128xi32, #tpu.memory_space<hbm>> -> memref<1x40x128xi32, #tpu.memory_space<hbm>>
        %dma_start3A_71 = tpu.memref_squeeze %dma_start3A_70 : memref<1x40x128xi32, #tpu.memory_space<hbm>> -> memref<40x128xi32, #tpu.memory_space<hbm>>
        tpu.enqueue_dma source(%dma_start3A_71 : memref<40x128xi32, #tpu.memory_space<hbm>>) target(%arg9 : memref<40x128xi32, #tpu.memory_space<vmem>>) target_semaphore(%run_scoped3A_65 : memref<!tpu.dma_semaphore, #tpu.memory_space<semaphore_mem>>)
        %dma_wait3A_72 = arith.constant 0 : i32
        %dma_wait3A_73 = tpu.memref_slice %arg4[%arg1, %add3A_33, %dma_wait3A_72] : memref<16x160x128xi32, #tpu.memory_space<hbm>> -> memref<1x40x128xi32, #tpu.memory_space<hbm>>
        %dma_wait3A_74 = tpu.memref_squeeze %dma_wait3A_73 : memref<1x40x128xi32, #tpu.memory_space<hbm>> -> memref<40x128xi32, #tpu.memory_space<hbm>>
        %dma_wait3A_75 = arith.constant 0 : i32
        %dma_wait3A_76 = tpu.memref_slice %arg4[%arg1, %add3A_33, %dma_wait3A_75] : memref<16x160x128xi32, #tpu.memory_space<hbm>> -> memref<1x40x128xi32, #tpu.memory_space<hbm>>
        %dma_wait3A_77 = tpu.memref_squeeze %dma_wait3A_76 : memref<1x40x128xi32, #tpu.memory_space<hbm>> -> memref<40x128xi32, #tpu.memory_space<hbm>>
        tpu.wait_dma2 semaphore(%run_scoped3A_65 : memref<!tpu.dma_semaphore, #tpu.memory_space<semaphore_mem>>) src(%dma_wait3A_77 : memref<40x128xi32, #tpu.memory_space<hbm>>) dst(%arg9 : memref<40x128xi32, #tpu.memory_space<vmem>>)
        tpu.yield
      }) : () -> ()
      %dma_start3A = arith.constant 0 : i32
      %dma_start3A_34 = arith.constant 0 : i32
      %dma_start3A_35 = tpu.memref_slice %arg8[%dma_start3A, %dma_start3A_34] : memref<40x128xi32, #tpu.memory_space<vmem>> -> memref<1x128xi32, #tpu.memory_space<vmem>>
      %dma_start3A_36 = tpu.memref_squeeze %dma_start3A_35 : memref<1x128xi32, #tpu.memory_space<vmem>> -> memref<128xi32, #tpu.memory_space<vmem>>
      %dma_start3A_37 = arith.constant 0 : i32
      %dma_start3A_38 = arith.constant 0 : i32
      %dma_start3A_39 = tpu.memref_slice %arg2[%dma_start3A_37, %dma_start3A_38] : memref<10240x128xf32, #tpu.memory_space<hbm>> -> memref<10240x128xf32, #tpu.memory_space<hbm>>
      tpu.enqueue_indirect_dma source(%dma_start3A_39 : memref<10240x128xf32, #tpu.memory_space<hbm>>) target(%arg10 : memref<128x128xf32, #tpu.memory_space<vmem>>) offsets(%dma_start3A_36 : memref<128xi32, #tpu.memory_space<vmem>>) semaphore(%arg12 : memref<!tpu.dma_semaphore, #tpu.memory_space<semaphore_mem>>)
      %dma_wait3A = arith.constant 0 : i32
      %dma_wait3A_40 = arith.constant 0 : i32
      %dma_wait3A_41 = tpu.memref_slice %arg8[%dma_wait3A, %dma_wait3A_40] : memref<40x128xi32, #tpu.memory_space<vmem>> -> memref<1x128xi32, #tpu.memory_space<vmem>>
      %dma_wait3A_42 = tpu.memref_squeeze %dma_wait3A_41 : memref<1x128xi32, #tpu.memory_space<vmem>> -> memref<128xi32, #tpu.memory_space<vmem>>
      %dma_wait3A_43 = arith.constant 0 : i32
      %dma_wait3A_44 = arith.constant 0 : i32
      %dma_wait3A_45 = tpu.memref_slice %arg2[%dma_wait3A_43, %dma_wait3A_44] : memref<10240x128xf32, #tpu.memory_space<hbm>> -> memref<10240x128xf32, #tpu.memory_space<hbm>>
      tpu.wait_indirect_dma semaphore(%arg12 : memref<!tpu.dma_semaphore, #tpu.memory_space<semaphore_mem>>) src(%dma_wait3A_45 : memref<10240x128xf32, #tpu.memory_space<hbm>>) dst(%arg10 : memref<128x128xf32, #tpu.memory_space<vmem>>)
      %scan3A = arith.constant 0 : i32
      %scan3A_46 = arith.constant 19 : i32
      %scan3A_47 = arith.addi %scan3A, %scan3A_46 : i32
      %scan3A_48 = arith.constant 1 : i32
      scf.for %scan3A_65 = %scan3A to %scan3A_47 step %scan3A_48  : i32 {
        %mul3A_66 = arith.constant 2 : i32
        %mul3A_67 = arith.muli %scan3A_65, %mul3A_66 : i32
        %add3A_68 = arith.constant 0 : i32
        %add3A_69 = arith.addi %add3A_68, %mul3A_67 : i32
        %add3A_70 = arith.constant 1 : i32
        %add3A_71 = arith.addi %add3A_69, %add3A_70 : i32
        %dma_start3A_72 = arith.constant 0 : i32
        %dma_start3A_73 = tpu.memref_slice %arg8[%add3A_71, %dma_start3A_72] : memref<40x128xi32, #tpu.memory_space<vmem>> -> memref<1x128xi32, #tpu.memory_space<vmem>>
        %dma_start3A_74 = tpu.memref_squeeze %dma_start3A_73 : memref<1x128xi32, #tpu.memory_space<vmem>> -> memref<128xi32, #tpu.memory_space<vmem>>
        %dma_start3A_75 = arith.constant 0 : i32
        %dma_start3A_76 = arith.constant 0 : i32
        %dma_start3A_77 = tpu.memref_slice %arg2[%dma_start3A_75, %dma_start3A_76] : memref<10240x128xf32, #tpu.memory_space<hbm>> -> memref<10240x128xf32, #tpu.memory_space<hbm>>
        tpu.enqueue_indirect_dma source(%dma_start3A_77 : memref<10240x128xf32, #tpu.memory_space<hbm>>) target(%arg11 : memref<128x128xf32, #tpu.memory_space<vmem>>) offsets(%dma_start3A_74 : memref<128xi32, #tpu.memory_space<vmem>>) semaphore(%arg13 : memref<!tpu.dma_semaphore, #tpu.memory_space<semaphore_mem>>)
        "tpu.region"() ({
          %run_scoped3A_100 = tpu.sem_alloc : memref<!tpu.dma_semaphore, #tpu.memory_space<semaphore_mem>>
          %dma_start3A_101 = arith.constant 0 : i32
          %dma_start3A_102 = tpu.memref_slice %arg9[%add3A_69, %dma_start3A_101] : memref<40x128xi32, #tpu.memory_space<vmem>> -> memref<1x128xi32, #tpu.memory_space<vmem>>
          %dma_start3A_103 = tpu.memref_squeeze %dma_start3A_102 : memref<1x128xi32, #tpu.memory_space<vmem>> -> memref<128xi32, #tpu.memory_space<vmem>>
          %dma_start3A_104 = arith.constant 0 : i32
          %dma_start3A_105 = arith.constant 0 : i32
          %dma_start3A_106 = tpu.memref_slice %arg7[%dma_start3A_104, %dma_start3A_105] : memref<10240x128xf32, #tpu.memory_space<vmem_shared>> -> memref<10240x128xf32, #tpu.memory_space<vmem_shared>>
          tpu.enqueue_indirect_dma source(%arg10 : memref<128x128xf32, #tpu.memory_space<vmem>>) target(%dma_start3A_106 : memref<10240x128xf32, #tpu.memory_space<vmem_shared>>) offsets(%dma_start3A_103 : memref<128xi32, #tpu.memory_space<vmem>>) semaphore(%run_scoped3A_100 : memref<!tpu.dma_semaphore, #tpu.memory_space<semaphore_mem>>) {add = true}
          %dma_wait3A_107 = arith.constant 0 : i32
          %dma_wait3A_108 = tpu.memref_slice %arg9[%add3A_69, %dma_wait3A_107] : memref<40x128xi32, #tpu.memory_space<vmem>> -> memref<1x128xi32, #tpu.memory_space<vmem>>
          %dma_wait3A_109 = tpu.memref_squeeze %dma_wait3A_108 : memref<1x128xi32, #tpu.memory_space<vmem>> -> memref<128xi32, #tpu.memory_space<vmem>>
          %dma_wait3A_110 = arith.constant 0 : i32
          %dma_wait3A_111 = arith.constant 0 : i32
          %dma_wait3A_112 = tpu.memref_slice %arg7[%dma_wait3A_110, %dma_wait3A_111] : memref<10240x128xf32, #tpu.memory_space<vmem_shared>> -> memref<10240x128xf32, #tpu.memory_space<vmem_shared>>
          tpu.wait_indirect_dma semaphore(%run_scoped3A_100 : memref<!tpu.dma_semaphore, #tpu.memory_space<semaphore_mem>>) src(%arg10 : memref<128x128xf32, #tpu.memory_space<vmem>>) dst(%dma_wait3A_112 : memref<10240x128xf32, #tpu.memory_space<vmem_shared>>)
          tpu.yield
        }) : () -> ()
        %dma_wait3A_78 = arith.constant 0 : i32
        %dma_wait3A_79 = tpu.memref_slice %arg8[%add3A_71, %dma_wait3A_78] : memref<40x128xi32, #tpu.memory_space<vmem>> -> memref<1x128xi32, #tpu.memory_space<vmem>>
        %dma_wait3A_80 = tpu.memref_squeeze %dma_wait3A_79 : memref<1x128xi32, #tpu.memory_space<vmem>> -> memref<128xi32, #tpu.memory_space<vmem>>
        %dma_wait3A_81 = arith.constant 0 : i32
        %dma_wait3A_82 = arith.constant 0 : i32
        %dma_wait3A_83 = tpu.memref_slice %arg2[%dma_wait3A_81, %dma_wait3A_82] : memref<10240x128xf32, #tpu.memory_space<hbm>> -> memref<10240x128xf32, #tpu.memory_space<hbm>>
        tpu.wait_indirect_dma semaphore(%arg13 : memref<!tpu.dma_semaphore, #tpu.memory_space<semaphore_mem>>) src(%dma_wait3A_83 : memref<10240x128xf32, #tpu.memory_space<hbm>>) dst(%arg11 : memref<128x128xf32, #tpu.memory_space<vmem>>)
        %add3A_84 = arith.constant 2 : i32
        %add3A_85 = arith.addi %add3A_69, %add3A_84 : i32
        %dma_start3A_86 = arith.constant 0 : i32
        %dma_start3A_87 = tpu.memref_slice %arg8[%add3A_85, %dma_start3A_86] : memref<40x128xi32, #tpu.memory_space<vmem>> -> memref<1x128xi32, #tpu.memory_space<vmem>>
        %dma_start3A_88 = tpu.memref_squeeze %dma_start3A_87 : memref<1x128xi32, #tpu.memory_space<vmem>> -> memref<128xi32, #tpu.memory_space<vmem>>
        %dma_start3A_89 = arith.constant 0 : i32
        %dma_start3A_90 = arith.constant 0 : i32
        %dma_start3A_91 = tpu.memref_slice %arg2[%dma_start3A_89, %dma_start3A_90] : memref<10240x128xf32, #tpu.memory_space<hbm>> -> memref<10240x128xf32, #tpu.memory_space<hbm>>
        tpu.enqueue_indirect_dma source(%dma_start3A_91 : memref<10240x128xf32, #tpu.memory_space<hbm>>) target(%arg10 : memref<128x128xf32, #tpu.memory_space<vmem>>) offsets(%dma_start3A_88 : memref<128xi32, #tpu.memory_space<vmem>>) semaphore(%arg12 : memref<!tpu.dma_semaphore, #tpu.memory_space<semaphore_mem>>)
        %add3A_92 = arith.constant 1 : i32
        %add3A_93 = arith.addi %add3A_69, %add3A_92 : i32
        "tpu.region"() ({
          %run_scoped3A_100 = tpu.sem_alloc : memref<!tpu.dma_semaphore, #tpu.memory_space<semaphore_mem>>
          %dma_start3A_101 = arith.constant 0 : i32
          %dma_start3A_102 = tpu.memref_slice %arg9[%add3A_93, %dma_start3A_101] : memref<40x128xi32, #tpu.memory_space<vmem>> -> memref<1x128xi32, #tpu.memory_space<vmem>>
          %dma_start3A_103 = tpu.memref_squeeze %dma_start3A_102 : memref<1x128xi32, #tpu.memory_space<vmem>> -> memref<128xi32, #tpu.memory_space<vmem>>
          %dma_start3A_104 = arith.constant 0 : i32
          %dma_start3A_105 = arith.constant 0 : i32
          %dma_start3A_106 = tpu.memref_slice %arg7[%dma_start3A_104, %dma_start3A_105] : memref<10240x128xf32, #tpu.memory_space<vmem_shared>> -> memref<10240x128xf32, #tpu.memory_space<vmem_shared>>
          tpu.enqueue_indirect_dma source(%arg11 : memref<128x128xf32, #tpu.memory_space<vmem>>) target(%dma_start3A_106 : memref<10240x128xf32, #tpu.memory_space<vmem_shared>>) offsets(%dma_start3A_103 : memref<128xi32, #tpu.memory_space<vmem>>) semaphore(%run_scoped3A_100 : memref<!tpu.dma_semaphore, #tpu.memory_space<semaphore_mem>>) {add = true}
          %dma_wait3A_107 = arith.constant 0 : i32
          %dma_wait3A_108 = tpu.memref_slice %arg9[%add3A_93, %dma_wait3A_107] : memref<40x128xi32, #tpu.memory_space<vmem>> -> memref<1x128xi32, #tpu.memory_space<vmem>>
          %dma_wait3A_109 = tpu.memref_squeeze %dma_wait3A_108 : memref<1x128xi32, #tpu.memory_space<vmem>> -> memref<128xi32, #tpu.memory_space<vmem>>
          %dma_wait3A_110 = arith.constant 0 : i32
          %dma_wait3A_111 = arith.constant 0 : i32
          %dma_wait3A_112 = tpu.memref_slice %arg7[%dma_wait3A_110, %dma_wait3A_111] : memref<10240x128xf32, #tpu.memory_space<vmem_shared>> -> memref<10240x128xf32, #tpu.memory_space<vmem_shared>>
          tpu.wait_indirect_dma semaphore(%run_scoped3A_100 : memref<!tpu.dma_semaphore, #tpu.memory_space<semaphore_mem>>) src(%arg11 : memref<128x128xf32, #tpu.memory_space<vmem>>) dst(%dma_wait3A_112 : memref<10240x128xf32, #tpu.memory_space<vmem_shared>>)
          tpu.yield
        }) : () -> ()
        %dma_wait3A_94 = arith.constant 0 : i32
        %dma_wait3A_95 = tpu.memref_slice %arg8[%add3A_85, %dma_wait3A_94] : memref<40x128xi32, #tpu.memory_space<vmem>> -> memref<1x128xi32, #tpu.memory_space<vmem>>
        %dma_wait3A_96 = tpu.memref_squeeze %dma_wait3A_95 : memref<1x128xi32, #tpu.memory_space<vmem>> -> memref<128xi32, #tpu.memory_space<vmem>>
        %dma_wait3A_97 = arith.constant 0 : i32
        %dma_wait3A_98 = arith.constant 0 : i32
        %dma_wait3A_99 = tpu.memref_slice %arg2[%dma_wait3A_97, %dma_wait3A_98] : memref<10240x128xf32, #tpu.memory_space<hbm>> -> memref<10240x128xf32, #tpu.memory_space<hbm>>
        tpu.wait_indirect_dma semaphore(%arg12 : memref<!tpu.dma_semaphore, #tpu.memory_space<semaphore_mem>>) src(%dma_wait3A_99 : memref<10240x128xf32, #tpu.memory_space<hbm>>) dst(%arg10 : memref<128x128xf32, #tpu.memory_space<vmem>>)
      }
      %scan3A_49 = arith.constant 19 : i32
      %dma_start3A_50 = arith.constant 39 : i32
      %dma_start3A_51 = arith.constant 0 : i32
      %dma_start3A_52 = tpu.memref_slice %arg8[%dma_start3A_50, %dma_start3A_51] : memref<40x128xi32, #tpu.memory_space<vmem>> -> memref<1x128xi32, #tpu.memory_space<vmem>>
      %dma_start3A_53 = tpu.memref_squeeze %dma_start3A_52 : memref<1x128xi32, #tpu.memory_space<vmem>> -> memref<128xi32, #tpu.memory_space<vmem>>
      %dma_start3A_54 = arith.constant 0 : i32
      %dma_start3A_55 = arith.constant 0 : i32
      %dma_start3A_56 = tpu.memref_slice %arg2[%dma_start3A_54, %dma_start3A_55] : memref<10240x128xf32, #tpu.memory_space<hbm>> -> memref<10240x128xf32, #tpu.memory_space<hbm>>
      tpu.enqueue_indirect_dma source(%dma_start3A_56 : memref<10240x128xf32, #tpu.memory_space<hbm>>) target(%arg11 : memref<128x128xf32, #tpu.memory_space<vmem>>) offsets(%dma_start3A_53 : memref<128xi32, #tpu.memory_space<vmem>>) semaphore(%arg13 : memref<!tpu.dma_semaphore, #tpu.memory_space<semaphore_mem>>)
      %run_scoped3A = arith.constant 38 : i32
      "tpu.region"() ({
        %run_scoped3A_65 = tpu.sem_alloc : memref<!tpu.dma_semaphore, #tpu.memory_space<semaphore_mem>>
        %dma_start3A_66 = arith.constant 0 : i32
        %dma_start3A_67 = tpu.memref_slice %arg9[%run_scoped3A, %dma_start3A_66] : memref<40x128xi32, #tpu.memory_space<vmem>> -> memref<1x128xi32, #tpu.memory_space<vmem>>
        %dma_start3A_68 = tpu.memref_squeeze %dma_start3A_67 : memref<1x128xi32, #tpu.memory_space<vmem>> -> memref<128xi32, #tpu.memory_space<vmem>>
        %dma_start3A_69 = arith.constant 0 : i32
        %dma_start3A_70 = arith.constant 0 : i32
        %dma_start3A_71 = tpu.memref_slice %arg7[%dma_start3A_69, %dma_start3A_70] : memref<10240x128xf32, #tpu.memory_space<vmem_shared>> -> memref<10240x128xf32, #tpu.memory_space<vmem_shared>>
        tpu.enqueue_indirect_dma source(%arg10 : memref<128x128xf32, #tpu.memory_space<vmem>>) target(%dma_start3A_71 : memref<10240x128xf32, #tpu.memory_space<vmem_shared>>) offsets(%dma_start3A_68 : memref<128xi32, #tpu.memory_space<vmem>>) semaphore(%run_scoped3A_65 : memref<!tpu.dma_semaphore, #tpu.memory_space<semaphore_mem>>) {add = true}
        %dma_wait3A_72 = arith.constant 0 : i32
        %dma_wait3A_73 = tpu.memref_slice %arg9[%run_scoped3A, %dma_wait3A_72] : memref<40x128xi32, #tpu.memory_space<vmem>> -> memref<1x128xi32, #tpu.memory_space<vmem>>
        %dma_wait3A_74 = tpu.memref_squeeze %dma_wait3A_73 : memref<1x128xi32, #tpu.memory_space<vmem>> -> memref<128xi32, #tpu.memory_space<vmem>>
        %dma_wait3A_75 = arith.constant 0 : i32
        %dma_wait3A_76 = arith.constant 0 : i32
        %dma_wait3A_77 = tpu.memref_slice %arg7[%dma_wait3A_75, %dma_wait3A_76] : memref<10240x128xf32, #tpu.memory_space<vmem_shared>> -> memref<10240x128xf32, #tpu.memory_space<vmem_shared>>
        tpu.wait_indirect_dma semaphore(%run_scoped3A_65 : memref<!tpu.dma_semaphore, #tpu.memory_space<semaphore_mem>>) src(%arg10 : memref<128x128xf32, #tpu.memory_space<vmem>>) dst(%dma_wait3A_77 : memref<10240x128xf32, #tpu.memory_space<vmem_shared>>)
        tpu.yield
      }) : () -> ()
      %dma_wait3A_57 = arith.constant 39 : i32
      %dma_wait3A_58 = arith.constant 0 : i32
      %dma_wait3A_59 = tpu.memref_slice %arg8[%dma_wait3A_57, %dma_wait3A_58] : memref<40x128xi32, #tpu.memory_space<vmem>> -> memref<1x128xi32, #tpu.memory_space<vmem>>
      %dma_wait3A_60 = tpu.memref_squeeze %dma_wait3A_59 : memref<1x128xi32, #tpu.memory_space<vmem>> -> memref<128xi32, #tpu.memory_space<vmem>>
      %dma_wait3A_61 = arith.constant 0 : i32
      %dma_wait3A_62 = arith.constant 0 : i32
      %dma_wait3A_63 = tpu.memref_slice %arg2[%dma_wait3A_61, %dma_wait3A_62] : memref<10240x128xf32, #tpu.memory_space<hbm>> -> memref<10240x128xf32, #tpu.memory_space<hbm>>
      tpu.wait_indirect_dma semaphore(%arg13 : memref<!tpu.dma_semaphore, #tpu.memory_space<semaphore_mem>>) src(%dma_wait3A_63 : memref<10240x128xf32, #tpu.memory_space<hbm>>) dst(%arg11 : memref<128x128xf32, #tpu.memory_space<vmem>>)
      %run_scoped3A_64 = arith.constant 39 : i32
      "tpu.region"() ({
        %run_scoped3A_65 = tpu.sem_alloc : memref<!tpu.dma_semaphore, #tpu.memory_space<semaphore_mem>>
        %dma_start3A_66 = arith.constant 0 : i32
        %dma_start3A_67 = tpu.memref_slice %arg9[%run_scoped3A_64, %dma_start3A_66] : memref<40x128xi32, #tpu.memory_space<vmem>> -> memref<1x128xi32, #tpu.memory_space<vmem>>
        %dma_start3A_68 = tpu.memref_squeeze %dma_start3A_67 : memref<1x128xi32, #tpu.memory_space<vmem>> -> memref<128xi32, #tpu.memory_space<vmem>>
        %dma_start3A_69 = arith.constant 0 : i32
        %dma_start3A_70 = arith.constant 0 : i32
        %dma_start3A_71 = tpu.memref_slice %arg7[%dma_start3A_69, %dma_start3A_70] : memref<10240x128xf32, #tpu.memory_space<vmem_shared>> -> memref<10240x128xf32, #tpu.memory_space<vmem_shared>>
        tpu.enqueue_indirect_dma source(%arg11 : memref<128x128xf32, #tpu.memory_space<vmem>>) target(%dma_start3A_71 : memref<10240x128xf32, #tpu.memory_space<vmem_shared>>) offsets(%dma_start3A_68 : memref<128xi32, #tpu.memory_space<vmem>>) semaphore(%run_scoped3A_65 : memref<!tpu.dma_semaphore, #tpu.memory_space<semaphore_mem>>) {add = true}
        %dma_wait3A_72 = arith.constant 0 : i32
        %dma_wait3A_73 = tpu.memref_slice %arg9[%run_scoped3A_64, %dma_wait3A_72] : memref<40x128xi32, #tpu.memory_space<vmem>> -> memref<1x128xi32, #tpu.memory_space<vmem>>
        %dma_wait3A_74 = tpu.memref_squeeze %dma_wait3A_73 : memref<1x128xi32, #tpu.memory_space<vmem>> -> memref<128xi32, #tpu.memory_space<vmem>>
        %dma_wait3A_75 = arith.constant 0 : i32
        %dma_wait3A_76 = arith.constant 0 : i32
        %dma_wait3A_77 = tpu.memref_slice %arg7[%dma_wait3A_75, %dma_wait3A_76] : memref<10240x128xf32, #tpu.memory_space<vmem_shared>> -> memref<10240x128xf32, #tpu.memory_space<vmem_shared>>
        tpu.wait_indirect_dma semaphore(%run_scoped3A_65 : memref<!tpu.dma_semaphore, #tpu.memory_space<semaphore_mem>>) src(%arg11 : memref<128x128xf32, #tpu.memory_space<vmem>>) dst(%dma_wait3A_77 : memref<10240x128xf32, #tpu.memory_space<vmem_shared>>)
        tpu.yield
      }) : () -> ()
    }
    %while3A_22 = arith.constant 1 : i32
    scf.for %while3A_28 = %while3A_20 to %while3A_16 step %while3A_22  : i32 {
      %mul3A_29 = arith.muli %while3A_28, %while3A : i32
      %add3A_30 = arith.addi %while3A_13, %mul3A_29 : i32
      %mul3A_31 = arith.constant 40 : i32
      %mul3A_32 = arith.muli %add3A_30, %mul3A_31 : i32
      %add3A_33 = arith.addi %select_n3A_7, %mul3A_32 : i32
      "tpu.region"() ({
        %run_scoped3A_65 = tpu.sem_alloc : memref<!tpu.dma_semaphore, #tpu.memory_space<semaphore_mem>>
        %dma_start3A_66 = arith.constant 0 : i32
        %dma_start3A_67 = tpu.memref_slice %arg3[%arg1, %add3A_33, %dma_start3A_66] : memref<16x160x128xi32, #tpu.memory_space<hbm>> -> memref<1x40x128xi32, #tpu.memory_space<hbm>>
        %dma_start3A_68 = tpu.memref_squeeze %dma_start3A_67 : memref<1x40x128xi32, #tpu.memory_space<hbm>> -> memref<40x128xi32, #tpu.memory_space<hbm>>
        %dma_start3A_69 = arith.constant 0 : i32
        %dma_start3A_70 = tpu.memref_slice %arg3[%arg1, %add3A_33, %dma_start3A_69] : memref<16x160x128xi32, #tpu.memory_space<hbm>> -> memref<1x40x128xi32, #tpu.memory_space<hbm>>
        %dma_start3A_71 = tpu.memref_squeeze %dma_start3A_70 : memref<1x40x128xi32, #tpu.memory_space<hbm>> -> memref<40x128xi32, #tpu.memory_space<hbm>>
        tpu.enqueue_dma source(%dma_start3A_71 : memref<40x128xi32, #tpu.memory_space<hbm>>) target(%arg8 : memref<40x128xi32, #tpu.memory_space<vmem>>) target_semaphore(%run_scoped3A_65 : memref<!tpu.dma_semaphore, #tpu.memory_space<semaphore_mem>>)
        %dma_wait3A_72 = arith.constant 0 : i32
        %dma_wait3A_73 = tpu.memref_slice %arg3[%arg1, %add3A_33, %dma_wait3A_72] : memref<16x160x128xi32, #tpu.memory_space<hbm>> -> memref<1x40x128xi32, #tpu.memory_space<hbm>>
        %dma_wait3A_74 = tpu.memref_squeeze %dma_wait3A_73 : memref<1x40x128xi32, #tpu.memory_space<hbm>> -> memref<40x128xi32, #tpu.memory_space<hbm>>
        %dma_wait3A_75 = arith.constant 0 : i32
        %dma_wait3A_76 = tpu.memref_slice %arg3[%arg1, %add3A_33, %dma_wait3A_75] : memref<16x160x128xi32, #tpu.memory_space<hbm>> -> memref<1x40x128xi32, #tpu.memory_space<hbm>>
        %dma_wait3A_77 = tpu.memref_squeeze %dma_wait3A_76 : memref<1x40x128xi32, #tpu.memory_space<hbm>> -> memref<40x128xi32, #tpu.memory_space<hbm>>
        tpu.wait_dma2 semaphore(%run_scoped3A_65 : memref<!tpu.dma_semaphore, #tpu.memory_space<semaphore_mem>>) src(%dma_wait3A_77 : memref<40x128xi32, #tpu.memory_space<hbm>>) dst(%arg8 : memref<40x128xi32, #tpu.memory_space<vmem>>)
        tpu.yield
      }) : () -> ()
      "tpu.region"() ({
        %run_scoped3A_65 = tpu.sem_alloc : memref<!tpu.dma_semaphore, #tpu.memory_space<semaphore_mem>>
        %dma_start3A_66 = arith.constant 0 : i32
        %dma_start3A_67 = tpu.memref_slice %arg4[%arg1, %add3A_33, %dma_start3A_66] : memref<16x160x128xi32, #tpu.memory_space<hbm>> -> memref<1x40x128xi32, #tpu.memory_space<hbm>>
        %dma_start3A_68 = tpu.memref_squeeze %dma_start3A_67 : memref<1x40x128xi32, #tpu.memory_space<hbm>> -> memref<40x128xi32, #tpu.memory_space<hbm>>
        %dma_start3A_69 = arith.constant 0 : i32
        %dma_start3A_70 = tpu.memref_slice %arg4[%arg1, %add3A_33, %dma_start3A_69] : memref<16x160x128xi32, #tpu.memory_space<hbm>> -> memref<1x40x128xi32, #tpu.memory_space<hbm>>
        %dma_start3A_71 = tpu.memref_squeeze %dma_start3A_70 : memref<1x40x128xi32, #tpu.memory_space<hbm>> -> memref<40x128xi32, #tpu.memory_space<hbm>>
        tpu.enqueue_dma source(%dma_start3A_71 : memref<40x128xi32, #tpu.memory_space<hbm>>) target(%arg9 : memref<40x128xi32, #tpu.memory_space<vmem>>) target_semaphore(%run_scoped3A_65 : memref<!tpu.dma_semaphore, #tpu.memory_space<semaphore_mem>>)
        %dma_wait3A_72 = arith.constant 0 : i32
        %dma_wait3A_73 = tpu.memref_slice %arg4[%arg1, %add3A_33, %dma_wait3A_72] : memref<16x160x128xi32, #tpu.memory_space<hbm>> -> memref<1x40x128xi32, #tpu.memory_space<hbm>>
        %dma_wait3A_74 = tpu.memref_squeeze %dma_wait3A_73 : memref<1x40x128xi32, #tpu.memory_space<hbm>> -> memref<40x128xi32, #tpu.memory_space<hbm>>
        %dma_wait3A_75 = arith.constant 0 : i32
        %dma_wait3A_76 = tpu.memref_slice %arg4[%arg1, %add3A_33, %dma_wait3A_75] : memref<16x160x128xi32, #tpu.memory_space<hbm>> -> memref<1x40x128xi32, #tpu.memory_space<hbm>>
        %dma_wait3A_77 = tpu.memref_squeeze %dma_wait3A_76 : memref<1x40x128xi32, #tpu.memory_space<hbm>> -> memref<40x128xi32, #tpu.memory_space<hbm>>
        tpu.wait_dma2 semaphore(%run_scoped3A_65 : memref<!tpu.dma_semaphore, #tpu.memory_space<semaphore_mem>>) src(%dma_wait3A_77 : memref<40x128xi32, #tpu.memory_space<hbm>>) dst(%arg9 : memref<40x128xi32, #tpu.memory_space<vmem>>)
        tpu.yield
      }) : () -> ()
      %dma_start3A = arith.constant 0 : i32
      %dma_start3A_34 = arith.constant 0 : i32
      %dma_start3A_35 = tpu.memref_slice %arg8[%dma_start3A, %dma_start3A_34] : memref<40x128xi32, #tpu.memory_space<vmem>> -> memref<1x128xi32, #tpu.memory_space<vmem>>
      %dma_start3A_36 = tpu.memref_squeeze %dma_start3A_35 : memref<1x128xi32, #tpu.memory_space<vmem>> -> memref<128xi32, #tpu.memory_space<vmem>>
      %dma_start3A_37 = arith.constant 0 : i32
      %dma_start3A_38 = arith.constant 0 : i32
      %dma_start3A_39 = tpu.memref_slice %arg2[%dma_start3A_37, %dma_start3A_38] : memref<10240x128xf32, #tpu.memory_space<hbm>> -> memref<10240x128xf32, #tpu.memory_space<hbm>>
      tpu.enqueue_indirect_dma source(%dma_start3A_39 : memref<10240x128xf32, #tpu.memory_space<hbm>>) target(%arg10 : memref<128x128xf32, #tpu.memory_space<vmem>>) offsets(%dma_start3A_36 : memref<128xi32, #tpu.memory_space<vmem>>) semaphore(%arg12 : memref<!tpu.dma_semaphore, #tpu.memory_space<semaphore_mem>>)
      %dma_wait3A = arith.constant 0 : i32
      %dma_wait3A_40 = arith.constant 0 : i32
      %dma_wait3A_41 = tpu.memref_slice %arg8[%dma_wait3A, %dma_wait3A_40] : memref<40x128xi32, #tpu.memory_space<vmem>> -> memref<1x128xi32, #tpu.memory_space<vmem>>
      %dma_wait3A_42 = tpu.memref_squeeze %dma_wait3A_41 : memref<1x128xi32, #tpu.memory_space<vmem>> -> memref<128xi32, #tpu.memory_space<vmem>>
      %dma_wait3A_43 = arith.constant 0 : i32
      %dma_wait3A_44 = arith.constant 0 : i32
      %dma_wait3A_45 = tpu.memref_slice %arg2[%dma_wait3A_43, %dma_wait3A_44] : memref<10240x128xf32, #tpu.memory_space<hbm>> -> memref<10240x128xf32, #tpu.memory_space<hbm>>
      tpu.wait_indirect_dma semaphore(%arg12 : memref<!tpu.dma_semaphore, #tpu.memory_space<semaphore_mem>>) src(%dma_wait3A_45 : memref<10240x128xf32, #tpu.memory_space<hbm>>) dst(%arg10 : memref<128x128xf32, #tpu.memory_space<vmem>>)
      %scan3A = arith.constant 0 : i32
      %scan3A_46 = arith.constant 19 : i32
      %scan3A_47 = arith.addi %scan3A, %scan3A_46 : i32
      %scan3A_48 = arith.constant 1 : i32
      scf.for %scan3A_65 = %scan3A to %scan3A_47 step %scan3A_48  : i32 {
        %mul3A_66 = arith.constant 2 : i32
        %mul3A_67 = arith.muli %scan3A_65, %mul3A_66 : i32
        %add3A_68 = arith.constant 0 : i32
        %add3A_69 = arith.addi %add3A_68, %mul3A_67 : i32
        %add3A_70 = arith.constant 1 : i32
        %add3A_71 = arith.addi %add3A_69, %add3A_70 : i32
        %dma_start3A_72 = arith.constant 0 : i32
        %dma_start3A_73 = tpu.memref_slice %arg8[%add3A_71, %dma_start3A_72] : memref<40x128xi32, #tpu.memory_space<vmem>> -> memref<1x128xi32, #tpu.memory_space<vmem>>
        %dma_start3A_74 = tpu.memref_squeeze %dma_start3A_73 : memref<1x128xi32, #tpu.memory_space<vmem>> -> memref<128xi32, #tpu.memory_space<vmem>>
        %dma_start3A_75 = arith.constant 0 : i32
        %dma_start3A_76 = arith.constant 0 : i32
        %dma_start3A_77 = tpu.memref_slice %arg2[%dma_start3A_75, %dma_start3A_76] : memref<10240x128xf32, #tpu.memory_space<hbm>> -> memref<10240x128xf32, #tpu.memory_space<hbm>>
        tpu.enqueue_indirect_dma source(%dma_start3A_77 : memref<10240x128xf32, #tpu.memory_space<hbm>>) target(%arg11 : memref<128x128xf32, #tpu.memory_space<vmem>>) offsets(%dma_start3A_74 : memref<128xi32, #tpu.memory_space<vmem>>) semaphore(%arg13 : memref<!tpu.dma_semaphore, #tpu.memory_space<semaphore_mem>>)
        "tpu.region"() ({
          %run_scoped3A_100 = tpu.sem_alloc : memref<!tpu.dma_semaphore, #tpu.memory_space<semaphore_mem>>
          %dma_start3A_101 = arith.constant 0 : i32
          %dma_start3A_102 = tpu.memref_slice %arg9[%add3A_69, %dma_start3A_101] : memref<40x128xi32, #tpu.memory_space<vmem>> -> memref<1x128xi32, #tpu.memory_space<vmem>>
          %dma_start3A_103 = tpu.memref_squeeze %dma_start3A_102 : memref<1x128xi32, #tpu.memory_space<vmem>> -> memref<128xi32, #tpu.memory_space<vmem>>
          %dma_start3A_104 = arith.constant 0 : i32
          %dma_start3A_105 = arith.constant 0 : i32
          %dma_start3A_106 = tpu.memref_slice %arg7[%dma_start3A_104, %dma_start3A_105] : memref<10240x128xf32, #tpu.memory_space<vmem_shared>> -> memref<10240x128xf32, #tpu.memory_space<vmem_shared>>
          tpu.enqueue_indirect_dma source(%arg10 : memref<128x128xf32, #tpu.memory_space<vmem>>) target(%dma_start3A_106 : memref<10240x128xf32, #tpu.memory_space<vmem_shared>>) offsets(%dma_start3A_103 : memref<128xi32, #tpu.memory_space<vmem>>) semaphore(%run_scoped3A_100 : memref<!tpu.dma_semaphore, #tpu.memory_space<semaphore_mem>>) {add = true}
          %dma_wait3A_107 = arith.constant 0 : i32
          %dma_wait3A_108 = tpu.memref_slice %arg9[%add3A_69, %dma_wait3A_107] : memref<40x128xi32, #tpu.memory_space<vmem>> -> memref<1x128xi32, #tpu.memory_space<vmem>>
          %dma_wait3A_109 = tpu.memref_squeeze %dma_wait3A_108 : memref<1x128xi32, #tpu.memory_space<vmem>> -> memref<128xi32, #tpu.memory_space<vmem>>
          %dma_wait3A_110 = arith.constant 0 : i32
          %dma_wait3A_111 = arith.constant 0 : i32
          %dma_wait3A_112 = tpu.memref_slice %arg7[%dma_wait3A_110, %dma_wait3A_111] : memref<10240x128xf32, #tpu.memory_space<vmem_shared>> -> memref<10240x128xf32, #tpu.memory_space<vmem_shared>>
          tpu.wait_indirect_dma semaphore(%run_scoped3A_100 : memref<!tpu.dma_semaphore, #tpu.memory_space<semaphore_mem>>) src(%arg10 : memref<128x128xf32, #tpu.memory_space<vmem>>) dst(%dma_wait3A_112 : memref<10240x128xf32, #tpu.memory_space<vmem_shared>>)
          tpu.yield
        }) : () -> ()
        %dma_wait3A_78 = arith.constant 0 : i32
        %dma_wait3A_79 = tpu.memref_slice %arg8[%add3A_71, %dma_wait3A_78] : memref<40x128xi32, #tpu.memory_space<vmem>> -> memref<1x128xi32, #tpu.memory_space<vmem>>
        %dma_wait3A_80 = tpu.memref_squeeze %dma_wait3A_79 : memref<1x128xi32, #tpu.memory_space<vmem>> -> memref<128xi32, #tpu.memory_space<vmem>>
        %dma_wait3A_81 = arith.constant 0 : i32
        %dma_wait3A_82 = arith.constant 0 : i32
        %dma_wait3A_83 = tpu.memref_slice %arg2[%dma_wait3A_81, %dma_wait3A_82] : memref<10240x128xf32, #tpu.memory_space<hbm>> -> memref<10240x128xf32, #tpu.memory_space<hbm>>
        tpu.wait_indirect_dma semaphore(%arg13 : memref<!tpu.dma_semaphore, #tpu.memory_space<semaphore_mem>>) src(%dma_wait3A_83 : memref<10240x128xf32, #tpu.memory_space<hbm>>) dst(%arg11 : memref<128x128xf32, #tpu.memory_space<vmem>>)
        %add3A_84 = arith.constant 2 : i32
        %add3A_85 = arith.addi %add3A_69, %add3A_84 : i32
        %dma_start3A_86 = arith.constant 0 : i32
        %dma_start3A_87 = tpu.memref_slice %arg8[%add3A_85, %dma_start3A_86] : memref<40x128xi32, #tpu.memory_space<vmem>> -> memref<1x128xi32, #tpu.memory_space<vmem>>
        %dma_start3A_88 = tpu.memref_squeeze %dma_start3A_87 : memref<1x128xi32, #tpu.memory_space<vmem>> -> memref<128xi32, #tpu.memory_space<vmem>>
        %dma_start3A_89 = arith.constant 0 : i32
        %dma_start3A_90 = arith.constant 0 : i32
        %dma_start3A_91 = tpu.memref_slice %arg2[%dma_start3A_89, %dma_start3A_90] : memref<10240x128xf32, #tpu.memory_space<hbm>> -> memref<10240x128xf32, #tpu.memory_space<hbm>>
        tpu.enqueue_indirect_dma source(%dma_start3A_91 : memref<10240x128xf32, #tpu.memory_space<hbm>>) target(%arg10 : memref<128x128xf32, #tpu.memory_space<vmem>>) offsets(%dma_start3A_88 : memref<128xi32, #tpu.memory_space<vmem>>) semaphore(%arg12 : memref<!tpu.dma_semaphore, #tpu.memory_space<semaphore_mem>>)
        %add3A_92 = arith.constant 1 : i32
        %add3A_93 = arith.addi %add3A_69, %add3A_92 : i32
        "tpu.region"() ({
          %run_scoped3A_100 = tpu.sem_alloc : memref<!tpu.dma_semaphore, #tpu.memory_space<semaphore_mem>>
          %dma_start3A_101 = arith.constant 0 : i32
          %dma_start3A_102 = tpu.memref_slice %arg9[%add3A_93, %dma_start3A_101] : memref<40x128xi32, #tpu.memory_space<vmem>> -> memref<1x128xi32, #tpu.memory_space<vmem>>
          %dma_start3A_103 = tpu.memref_squeeze %dma_start3A_102 : memref<1x128xi32, #tpu.memory_space<vmem>> -> memref<128xi32, #tpu.memory_space<vmem>>
          %dma_start3A_104 = arith.constant 0 : i32
          %dma_start3A_105 = arith.constant 0 : i32
          %dma_start3A_106 = tpu.memref_slice %arg7[%dma_start3A_104, %dma_start3A_105] : memref<10240x128xf32, #tpu.memory_space<vmem_shared>> -> memref<10240x128xf32, #tpu.memory_space<vmem_shared>>
          tpu.enqueue_indirect_dma source(%arg11 : memref<128x128xf32, #tpu.memory_space<vmem>>) target(%dma_start3A_106 : memref<10240x128xf32, #tpu.memory_space<vmem_shared>>) offsets(%dma_start3A_103 : memref<128xi32, #tpu.memory_space<vmem>>) semaphore(%run_scoped3A_100 : memref<!tpu.dma_semaphore, #tpu.memory_space<semaphore_mem>>) {add = true}
          %dma_wait3A_107 = arith.constant 0 : i32
          %dma_wait3A_108 = tpu.memref_slice %arg9[%add3A_93, %dma_wait3A_107] : memref<40x128xi32, #tpu.memory_space<vmem>> -> memref<1x128xi32, #tpu.memory_space<vmem>>
          %dma_wait3A_109 = tpu.memref_squeeze %dma_wait3A_108 : memref<1x128xi32, #tpu.memory_space<vmem>> -> memref<128xi32, #tpu.memory_space<vmem>>
          %dma_wait3A_110 = arith.constant 0 : i32
          %dma_wait3A_111 = arith.constant 0 : i32
          %dma_wait3A_112 = tpu.memref_slice %arg7[%dma_wait3A_110, %dma_wait3A_111] : memref<10240x128xf32, #tpu.memory_space<vmem_shared>> -> memref<10240x128xf32, #tpu.memory_space<vmem_shared>>
          tpu.wait_indirect_dma semaphore(%run_scoped3A_100 : memref<!tpu.dma_semaphore, #tpu.memory_space<semaphore_mem>>) src(%arg11 : memref<128x128xf32, #tpu.memory_space<vmem>>) dst(%dma_wait3A_112 : memref<10240x128xf32, #tpu.memory_space<vmem_shared>>)
          tpu.yield
        }) : () -> ()
        %dma_wait3A_94 = arith.constant 0 : i32
        %dma_wait3A_95 = tpu.memref_slice %arg8[%add3A_85, %dma_wait3A_94] : memref<40x128xi32, #tpu.memory_space<vmem>> -> memref<1x128xi32, #tpu.memory_space<vmem>>
        %dma_wait3A_96 = tpu.memref_squeeze %dma_wait3A_95 : memref<1x128xi32, #tpu.memory_space<vmem>> -> memref<128xi32, #tpu.memory_space<vmem>>
        %dma_wait3A_97 = arith.constant 0 : i32
        %dma_wait3A_98 = arith.constant 0 : i32
        %dma_wait3A_99 = tpu.memref_slice %arg2[%dma_wait3A_97, %dma_wait3A_98] : memref<10240x128xf32, #tpu.memory_space<hbm>> -> memref<10240x128xf32, #tpu.memory_space<hbm>>
        tpu.wait_indirect_dma semaphore(%arg12 : memref<!tpu.dma_semaphore, #tpu.memory_space<semaphore_mem>>) src(%dma_wait3A_99 : memref<10240x128xf32, #tpu.memory_space<hbm>>) dst(%arg10 : memref<128x128xf32, #tpu.memory_space<vmem>>)
      }
      %scan3A_49 = arith.constant 19 : i32
      %dma_start3A_50 = arith.constant 39 : i32
      %dma_start3A_51 = arith.constant 0 : i32
      %dma_start3A_52 = tpu.memref_slice %arg8[%dma_start3A_50, %dma_start3A_51] : memref<40x128xi32, #tpu.memory_space<vmem>> -> memref<1x128xi32, #tpu.memory_space<vmem>>
      %dma_start3A_53 = tpu.memref_squeeze %dma_start3A_52 : memref<1x128xi32, #tpu.memory_space<vmem>> -> memref<128xi32, #tpu.memory_space<vmem>>
      %dma_start3A_54 = arith.constant 0 : i32
      %dma_start3A_55 = arith.constant 0 : i32
      %dma_start3A_56 = tpu.memref_slice %arg2[%dma_start3A_54, %dma_start3A_55] : memref<10240x128xf32, #tpu.memory_space<hbm>> -> memref<10240x128xf32, #tpu.memory_space<hbm>>
      tpu.enqueue_indirect_dma source(%dma_start3A_56 : memref<10240x128xf32, #tpu.memory_space<hbm>>) target(%arg11 : memref<128x128xf32, #tpu.memory_space<vmem>>) offsets(%dma_start3A_53 : memref<128xi32, #tpu.memory_space<vmem>>) semaphore(%arg13 : memref<!tpu.dma_semaphore, #tpu.memory_space<semaphore_mem>>)
      %run_scoped3A = arith.constant 38 : i32
      "tpu.region"() ({
        %run_scoped3A_65 = tpu.sem_alloc : memref<!tpu.dma_semaphore, #tpu.memory_space<semaphore_mem>>
        %dma_start3A_66 = arith.constant 0 : i32
        %dma_start3A_67 = tpu.memref_slice %arg9[%run_scoped3A, %dma_start3A_66] : memref<40x128xi32, #tpu.memory_space<vmem>> -> memref<1x128xi32, #tpu.memory_space<vmem>>
        %dma_start3A_68 = tpu.memref_squeeze %dma_start3A_67 : memref<1x128xi32, #tpu.memory_space<vmem>> -> memref<128xi32, #tpu.memory_space<vmem>>
        %dma_start3A_69 = arith.constant 0 : i32
        %dma_start3A_70 = arith.constant 0 : i32
        %dma_start3A_71 = tpu.memref_slice %arg7[%dma_start3A_69, %dma_start3A_70] : memref<10240x128xf32, #tpu.memory_space<vmem_shared>> -> memref<10240x128xf32, #tpu.memory_space<vmem_shared>>
        tpu.enqueue_indirect_dma source(%arg10 : memref<128x128xf32, #tpu.memory_space<vmem>>) target(%dma_start3A_71 : memref<10240x128xf32, #tpu.memory_space<vmem_shared>>) offsets(%dma_start3A_68 : memref<128xi32, #tpu.memory_space<vmem>>) semaphore(%run_scoped3A_65 : memref<!tpu.dma_semaphore, #tpu.memory_space<semaphore_mem>>) {add = true}
        %dma_wait3A_72 = arith.constant 0 : i32
        %dma_wait3A_73 = tpu.memref_slice %arg9[%run_scoped3A, %dma_wait3A_72] : memref<40x128xi32, #tpu.memory_space<vmem>> -> memref<1x128xi32, #tpu.memory_space<vmem>>
        %dma_wait3A_74 = tpu.memref_squeeze %dma_wait3A_73 : memref<1x128xi32, #tpu.memory_space<vmem>> -> memref<128xi32, #tpu.memory_space<vmem>>
        %dma_wait3A_75 = arith.constant 0 : i32
        %dma_wait3A_76 = arith.constant 0 : i32
        %dma_wait3A_77 = tpu.memref_slice %arg7[%dma_wait3A_75, %dma_wait3A_76] : memref<10240x128xf32, #tpu.memory_space<vmem_shared>> -> memref<10240x128xf32, #tpu.memory_space<vmem_shared>>
        tpu.wait_indirect_dma semaphore(%run_scoped3A_65 : memref<!tpu.dma_semaphore, #tpu.memory_space<semaphore_mem>>) src(%arg10 : memref<128x128xf32, #tpu.memory_space<vmem>>) dst(%dma_wait3A_77 : memref<10240x128xf32, #tpu.memory_space<vmem_shared>>)
        tpu.yield
      }) : () -> ()
      %dma_wait3A_57 = arith.constant 39 : i32
      %dma_wait3A_58 = arith.constant 0 : i32
      %dma_wait3A_59 = tpu.memref_slice %arg8[%dma_wait3A_57, %dma_wait3A_58] : memref<40x128xi32, #tpu.memory_space<vmem>> -> memref<1x128xi32, #tpu.memory_space<vmem>>
      %dma_wait3A_60 = tpu.memref_squeeze %dma_wait3A_59 : memref<1x128xi32, #tpu.memory_space<vmem>> -> memref<128xi32, #tpu.memory_space<vmem>>
      %dma_wait3A_61 = arith.constant 0 : i32
      %dma_wait3A_62 = arith.constant 0 : i32
      %dma_wait3A_63 = tpu.memref_slice %arg2[%dma_wait3A_61, %dma_wait3A_62] : memref<10240x128xf32, #tpu.memory_space<hbm>> -> memref<10240x128xf32, #tpu.memory_space<hbm>>
      tpu.wait_indirect_dma semaphore(%arg13 : memref<!tpu.dma_semaphore, #tpu.memory_space<semaphore_mem>>) src(%dma_wait3A_63 : memref<10240x128xf32, #tpu.memory_space<hbm>>) dst(%arg11 : memref<128x128xf32, #tpu.memory_space<vmem>>)
      %run_scoped3A_64 = arith.constant 39 : i32
      "tpu.region"() ({
        %run_scoped3A_65 = tpu.sem_alloc : memref<!tpu.dma_semaphore, #tpu.memory_space<semaphore_mem>>
        %dma_start3A_66 = arith.constant 0 : i32
        %dma_start3A_67 = tpu.memref_slice %arg9[%run_scoped3A_64, %dma_start3A_66] : memref<40x128xi32, #tpu.memory_space<vmem>> -> memref<1x128xi32, #tpu.memory_space<vmem>>
        %dma_start3A_68 = tpu.memref_squeeze %dma_start3A_67 : memref<1x128xi32, #tpu.memory_space<vmem>> -> memref<128xi32, #tpu.memory_space<vmem>>
        %dma_start3A_69 = arith.constant 0 : i32
        %dma_start3A_70 = arith.constant 0 : i32
        %dma_start3A_71 = tpu.memref_slice %arg7[%dma_start3A_69, %dma_start3A_70] : memref<10240x128xf32, #tpu.memory_space<vmem_shared>> -> memref<10240x128xf32, #tpu.memory_space<vmem_shared>>
        tpu.enqueue_indirect_dma source(%arg11 : memref<128x128xf32, #tpu.memory_space<vmem>>) target(%dma_start3A_71 : memref<10240x128xf32, #tpu.memory_space<vmem_shared>>) offsets(%dma_start3A_68 : memref<128xi32, #tpu.memory_space<vmem>>) semaphore(%run_scoped3A_65 : memref<!tpu.dma_semaphore, #tpu.memory_space<semaphore_mem>>) {add = true}
        %dma_wait3A_72 = arith.constant 0 : i32
        %dma_wait3A_73 = tpu.memref_slice %arg9[%run_scoped3A_64, %dma_wait3A_72] : memref<40x128xi32, #tpu.memory_space<vmem>> -> memref<1x128xi32, #tpu.memory_space<vmem>>
        %dma_wait3A_74 = tpu.memref_squeeze %dma_wait3A_73 : memref<1x128xi32, #tpu.memory_space<vmem>> -> memref<128xi32, #tpu.memory_space<vmem>>
        %dma_wait3A_75 = arith.constant 0 : i32
        %dma_wait3A_76 = arith.constant 0 : i32
        %dma_wait3A_77 = tpu.memref_slice %arg7[%dma_wait3A_75, %dma_wait3A_76] : memref<10240x128xf32, #tpu.memory_space<vmem_shared>> -> memref<10240x128xf32, #tpu.memory_space<vmem_shared>>
        tpu.wait_indirect_dma semaphore(%run_scoped3A_65 : memref<!tpu.dma_semaphore, #tpu.memory_space<semaphore_mem>>) src(%arg11 : memref<128x128xf32, #tpu.memory_space<vmem>>) dst(%dma_wait3A_77 : memref<10240x128xf32, #tpu.memory_space<vmem_shared>>)
        tpu.yield
      }) : () -> ()
    }
    %barrier3A_23 = arith.constant 0 : index
    tpu.barrier barrier_id(%barrier3A_23)
    %mul3A_24 = arith.constant 640 : i32
    %mul3A_25 = arith.muli %arg1, %mul3A_24 : i32
    %mul3A_26 = arith.constant 640 : i32
    %mul3A_27 = arith.muli %arg1, %mul3A_26 : i32
    "tpu.region"() ({
      %run_scoped3A = tpu.sem_alloc : memref<!tpu.dma_semaphore, #tpu.memory_space<semaphore_mem>>
      %dma_start3A = arith.constant 0 : i32
      %dma_start3A_28 = tpu.memref_slice %arg6[%arg0, %mul3A_27, %dma_start3A] : memref<2x10240x128xf32, #tpu.memory_space<hbm>> -> memref<1x640x128xf32, #tpu.memory_space<hbm>>
      %dma_start3A_29 = tpu.memref_squeeze %dma_start3A_28 : memref<1x640x128xf32, #tpu.memory_space<hbm>> -> memref<640x128xf32, #tpu.memory_space<hbm>>
      %dma_start3A_30 = arith.constant 0 : i32
      %dma_start3A_31 = tpu.memref_slice %arg7[%mul3A_25, %dma_start3A_30] : memref<10240x128xf32, #tpu.memory_space<vmem_shared>> -> memref<640x128xf32, #tpu.memory_space<vmem_shared>>
      tpu.enqueue_dma source(%dma_start3A_31 : memref<640x128xf32, #tpu.memory_space<vmem_shared>>) target(%dma_start3A_29 : memref<640x128xf32, #tpu.memory_space<hbm>>) target_semaphore(%run_scoped3A : memref<!tpu.dma_semaphore, #tpu.memory_space<semaphore_mem>>)
      %dma_wait3A = arith.constant 0 : i32
      %dma_wait3A_32 = tpu.memref_slice %arg6[%arg0, %mul3A_27, %dma_wait3A] : memref<2x10240x128xf32, #tpu.memory_space<hbm>> -> memref<1x640x128xf32, #tpu.memory_space<hbm>>
      %dma_wait3A_33 = tpu.memref_squeeze %dma_wait3A_32 : memref<1x640x128xf32, #tpu.memory_space<hbm>> -> memref<640x128xf32, #tpu.memory_space<hbm>>
      %dma_wait3A_34 = arith.constant 0 : i32
      %dma_wait3A_35 = tpu.memref_slice %arg7[%mul3A_25, %dma_wait3A_34] : memref<10240x128xf32, #tpu.memory_space<vmem_shared>> -> memref<640x128xf32, #tpu.memory_space<vmem_shared>>
      tpu.wait_dma2 semaphore(%run_scoped3A : memref<!tpu.dma_semaphore, #tpu.memory_space<semaphore_mem>>) src(%dma_wait3A_35 : memref<640x128xf32, #tpu.memory_space<vmem_shared>>) dst(%dma_wait3A_33 : memref<640x128xf32, #tpu.memory_space<hbm>>)
      tpu.yield
    }) : () -> ()
    return
  }
}

#map = affine_map<(d0, d1) -> (0, 0, 0)>
#map1 = affine_map<(d0, d1) -> (0, 0)>
module attributes {stable_mosaic.version = 14 : i64} {
  func.func @_hist_body(%arg0: i32, %arg1: i32, %arg2: memref<32x80x128xi32, #tpu.memory_space<hbm>>, %arg3: memref<128x128xf32, #tpu.memory_space<hbm>>, %arg4: memref<640x128xf32, #tpu.memory_space<hbm>>, %arg5: memref<2x10240x128xf32, #tpu.memory_space<hbm>>, %arg6: memref<10240x128xf32, #tpu.memory_space<vmem_shared>>, %arg7: memref<80x128xi32, #tpu.memory_space<vmem>>, %arg8: memref<128x128xf32, #tpu.memory_space<vmem>>) attributes {dimension_semantics = [#tpu.dimension_semantics<core_parallel>, #tpu.dimension_semantics<subcore_parallel>], iteration_bounds = array<i64: 2, 16>, scalar_prefetch = 0 : i64, scratch_operands = 3 : i64, tpu.core_type = #tpu.core_type<sc_vector_subcore>, window_params = [{transform_indices = #map}, {transform_indices = #map1}, {transform_indices = #map1}, {transform_indices = #map}]} {
    %mul3A = arith.constant 16 : i32
    %mul3A_0 = arith.muli %arg0, %mul3A : i32
    %add3A = arith.addi %mul3A_0, %arg1 : i32
    %mul3A_1 = arith.constant 640 : i32
    %mul3A_2 = arith.muli %arg1, %mul3A_1 : i32
    "tpu.region"() ({
      %run_scoped3A = tpu.sem_alloc : memref<!tpu.dma_semaphore, #tpu.memory_space<semaphore_mem>>
      %dma_start3A = arith.constant 0 : i32
      %dma_start3A_12 = tpu.memref_slice %arg6[%mul3A_2, %dma_start3A] : memref<10240x128xf32, #tpu.memory_space<vmem_shared>> -> memref<640x128xf32, #tpu.memory_space<vmem_shared>>
      tpu.enqueue_dma source(%arg4 : memref<640x128xf32, #tpu.memory_space<hbm>>) target(%dma_start3A_12 : memref<640x128xf32, #tpu.memory_space<vmem_shared>>) target_semaphore(%run_scoped3A : memref<!tpu.dma_semaphore, #tpu.memory_space<semaphore_mem>>)
      %dma_wait3A = arith.constant 0 : i32
      %dma_wait3A_13 = tpu.memref_slice %arg6[%mul3A_2, %dma_wait3A] : memref<10240x128xf32, #tpu.memory_space<vmem_shared>> -> memref<640x128xf32, #tpu.memory_space<vmem_shared>>
      tpu.wait_dma2 semaphore(%run_scoped3A : memref<!tpu.dma_semaphore, #tpu.memory_space<semaphore_mem>>) src(%arg4 : memref<640x128xf32, #tpu.memory_space<hbm>>) dst(%dma_wait3A_13 : memref<640x128xf32, #tpu.memory_space<vmem_shared>>)
      tpu.yield
    }) : () -> ()
    "tpu.region"() ({
      %run_scoped3A = tpu.sem_alloc : memref<!tpu.dma_semaphore, #tpu.memory_space<semaphore_mem>>
      tpu.enqueue_dma source(%arg3 : memref<128x128xf32, #tpu.memory_space<hbm>>) target(%arg8 : memref<128x128xf32, #tpu.memory_space<vmem>>) target_semaphore(%run_scoped3A : memref<!tpu.dma_semaphore, #tpu.memory_space<semaphore_mem>>)
      tpu.wait_dma2 semaphore(%run_scoped3A : memref<!tpu.dma_semaphore, #tpu.memory_space<semaphore_mem>>) src(%arg3 : memref<128x128xf32, #tpu.memory_space<hbm>>) dst(%arg8 : memref<128x128xf32, #tpu.memory_space<vmem>>)
      tpu.yield
    }) : () -> ()
    "tpu.region"() ({
      %run_scoped3A = tpu.sem_alloc : memref<!tpu.dma_semaphore, #tpu.memory_space<semaphore_mem>>
      %dma_start3A = arith.constant 0 : i32
      %dma_start3A_12 = arith.constant 0 : i32
      %dma_start3A_13 = tpu.memref_slice %arg2[%add3A, %dma_start3A, %dma_start3A_12] : memref<32x80x128xi32, #tpu.memory_space<hbm>> -> memref<1x80x128xi32, #tpu.memory_space<hbm>>
      %dma_start3A_14 = tpu.memref_squeeze %dma_start3A_13 : memref<1x80x128xi32, #tpu.memory_space<hbm>> -> memref<80x128xi32, #tpu.memory_space<hbm>>
      %dma_start3A_15 = arith.constant 0 : i32
      %dma_start3A_16 = arith.constant 0 : i32
      %dma_start3A_17 = tpu.memref_slice %arg2[%add3A, %dma_start3A_15, %dma_start3A_16] : memref<32x80x128xi32, #tpu.memory_space<hbm>> -> memref<1x80x128xi32, #tpu.memory_space<hbm>>
      %dma_start3A_18 = tpu.memref_squeeze %dma_start3A_17 : memref<1x80x128xi32, #tpu.memory_space<hbm>> -> memref<80x128xi32, #tpu.memory_space<hbm>>
      tpu.enqueue_dma source(%dma_start3A_18 : memref<80x128xi32, #tpu.memory_space<hbm>>) target(%arg7 : memref<80x128xi32, #tpu.memory_space<vmem>>) target_semaphore(%run_scoped3A : memref<!tpu.dma_semaphore, #tpu.memory_space<semaphore_mem>>)
      %dma_wait3A = arith.constant 0 : i32
      %dma_wait3A_19 = arith.constant 0 : i32
      %dma_wait3A_20 = tpu.memref_slice %arg2[%add3A, %dma_wait3A, %dma_wait3A_19] : memref<32x80x128xi32, #tpu.memory_space<hbm>> -> memref<1x80x128xi32, #tpu.memory_space<hbm>>
      %dma_wait3A_21 = tpu.memref_squeeze %dma_wait3A_20 : memref<1x80x128xi32, #tpu.memory_space<hbm>> -> memref<80x128xi32, #tpu.memory_space<hbm>>
      %dma_wait3A_22 = arith.constant 0 : i32
      %dma_wait3A_23 = arith.constant 0 : i32
      %dma_wait3A_24 = tpu.memref_slice %arg2[%add3A, %dma_wait3A_22, %dma_wait3A_23] : memref<32x80x128xi32, #tpu.memory_space<hbm>> -> memref<1x80x128xi32, #tpu.memory_space<hbm>>
      %dma_wait3A_25 = tpu.memref_squeeze %dma_wait3A_24 : memref<1x80x128xi32, #tpu.memory_space<hbm>> -> memref<80x128xi32, #tpu.memory_space<hbm>>
      tpu.wait_dma2 semaphore(%run_scoped3A : memref<!tpu.dma_semaphore, #tpu.memory_space<semaphore_mem>>) src(%dma_wait3A_25 : memref<80x128xi32, #tpu.memory_space<hbm>>) dst(%arg7 : memref<80x128xi32, #tpu.memory_space<vmem>>)
      tpu.yield
    }) : () -> ()
    %barrier3A = arith.constant 0 : index
    tpu.barrier barrier_id(%barrier3A)
    %scan3A = arith.constant 0 : i32
    %scan3A_3 = arith.constant 80 : i32
    %scan3A_4 = arith.addi %scan3A, %scan3A_3 : i32
    %scan3A_5 = arith.constant 1 : i32
    scf.for %scan3A_12 = %scan3A to %scan3A_4 step %scan3A_5  : i32 {
      %mul3A_13 = arith.constant 1 : i32
      %mul3A_14 = arith.muli %scan3A_12, %mul3A_13 : i32
      %add3A_15 = arith.constant 0 : i32
      %add3A_16 = arith.addi %add3A_15, %mul3A_14 : i32
      "tpu.region"() ({
        %run_scoped3A = tpu.sem_alloc : memref<!tpu.dma_semaphore, #tpu.memory_space<semaphore_mem>>
        %dma_start3A = arith.constant 0 : i32
        %dma_start3A_17 = tpu.memref_slice %arg7[%add3A_16, %dma_start3A] : memref<80x128xi32, #tpu.memory_space<vmem>> -> memref<1x128xi32, #tpu.memory_space<vmem>>
        %dma_start3A_18 = tpu.memref_squeeze %dma_start3A_17 : memref<1x128xi32, #tpu.memory_space<vmem>> -> memref<128xi32, #tpu.memory_space<vmem>>
        %dma_start3A_19 = arith.constant 0 : i32
        %dma_start3A_20 = arith.constant 0 : i32
        %dma_start3A_21 = tpu.memref_slice %arg6[%dma_start3A_19, %dma_start3A_20] : memref<10240x128xf32, #tpu.memory_space<vmem_shared>> -> memref<10240x128xf32, #tpu.memory_space<vmem_shared>>
        tpu.enqueue_indirect_dma source(%arg8 : memref<128x128xf32, #tpu.memory_space<vmem>>) target(%dma_start3A_21 : memref<10240x128xf32, #tpu.memory_space<vmem_shared>>) offsets(%dma_start3A_18 : memref<128xi32, #tpu.memory_space<vmem>>) semaphore(%run_scoped3A : memref<!tpu.dma_semaphore, #tpu.memory_space<semaphore_mem>>) {add = true}
        %dma_wait3A = arith.constant 0 : i32
        %dma_wait3A_22 = tpu.memref_slice %arg7[%add3A_16, %dma_wait3A] : memref<80x128xi32, #tpu.memory_space<vmem>> -> memref<1x128xi32, #tpu.memory_space<vmem>>
        %dma_wait3A_23 = tpu.memref_squeeze %dma_wait3A_22 : memref<1x128xi32, #tpu.memory_space<vmem>> -> memref<128xi32, #tpu.memory_space<vmem>>
        %dma_wait3A_24 = arith.constant 0 : i32
        %dma_wait3A_25 = arith.constant 0 : i32
        %dma_wait3A_26 = tpu.memref_slice %arg6[%dma_wait3A_24, %dma_wait3A_25] : memref<10240x128xf32, #tpu.memory_space<vmem_shared>> -> memref<10240x128xf32, #tpu.memory_space<vmem_shared>>
        tpu.wait_indirect_dma semaphore(%run_scoped3A : memref<!tpu.dma_semaphore, #tpu.memory_space<semaphore_mem>>) src(%arg8 : memref<128x128xf32, #tpu.memory_space<vmem>>) dst(%dma_wait3A_26 : memref<10240x128xf32, #tpu.memory_space<vmem_shared>>)
        tpu.yield
      }) : () -> ()
    }
    %scan3A_6 = arith.constant 80 : i32
    %barrier3A_7 = arith.constant 0 : index
    tpu.barrier barrier_id(%barrier3A_7)
    %mul3A_8 = arith.constant 640 : i32
    %mul3A_9 = arith.muli %arg1, %mul3A_8 : i32
    %mul3A_10 = arith.constant 640 : i32
    %mul3A_11 = arith.muli %arg1, %mul3A_10 : i32
    "tpu.region"() ({
      %run_scoped3A = tpu.sem_alloc : memref<!tpu.dma_semaphore, #tpu.memory_space<semaphore_mem>>
      %dma_start3A = arith.constant 0 : i32
      %dma_start3A_12 = tpu.memref_slice %arg5[%arg0, %mul3A_11, %dma_start3A] : memref<2x10240x128xf32, #tpu.memory_space<hbm>> -> memref<1x640x128xf32, #tpu.memory_space<hbm>>
      %dma_start3A_13 = tpu.memref_squeeze %dma_start3A_12 : memref<1x640x128xf32, #tpu.memory_space<hbm>> -> memref<640x128xf32, #tpu.memory_space<hbm>>
      %dma_start3A_14 = arith.constant 0 : i32
      %dma_start3A_15 = tpu.memref_slice %arg6[%mul3A_9, %dma_start3A_14] : memref<10240x128xf32, #tpu.memory_space<vmem_shared>> -> memref<640x128xf32, #tpu.memory_space<vmem_shared>>
      tpu.enqueue_dma source(%dma_start3A_15 : memref<640x128xf32, #tpu.memory_space<vmem_shared>>) target(%dma_start3A_13 : memref<640x128xf32, #tpu.memory_space<hbm>>) target_semaphore(%run_scoped3A : memref<!tpu.dma_semaphore, #tpu.memory_space<semaphore_mem>>)
      %dma_wait3A = arith.constant 0 : i32
      %dma_wait3A_16 = tpu.memref_slice %arg5[%arg0, %mul3A_11, %dma_wait3A] : memref<2x10240x128xf32, #tpu.memory_space<hbm>> -> memref<1x640x128xf32, #tpu.memory_space<hbm>>
      %dma_wait3A_17 = tpu.memref_squeeze %dma_wait3A_16 : memref<1x640x128xf32, #tpu.memory_space<hbm>> -> memref<640x128xf32, #tpu.memory_space<hbm>>
      %dma_wait3A_18 = arith.constant 0 : i32
      %dma_wait3A_19 = tpu.memref_slice %arg6[%mul3A_9, %dma_wait3A_18] : memref<10240x128xf32, #tpu.memory_space<vmem_shared>> -> memref<640x128xf32, #tpu.memory_space<vmem_shared>>
      tpu.wait_dma2 semaphore(%run_scoped3A : memref<!tpu.dma_semaphore, #tpu.memory_space<semaphore_mem>>) src(%dma_wait3A_19 : memref<640x128xf32, #tpu.memory_space<vmem_shared>>) dst(%dma_wait3A_17 : memref<640x128xf32, #tpu.memory_space<hbm>>)
      tpu.yield
    }) : () -> ()
    return
  }
}

#map = affine_map<(d0, d1) -> (0, 0)>
#map1 = affine_map<(d0, d1) -> (0, 0, 0)>
module attributes {stable_mosaic.version = 14 : i64} {
  func.func @_agg_body(%arg0: i32, %arg1: i32, %arg2: memref<10240x128xf32, #tpu.memory_space<hbm>>, %arg3: memref<16x160x128xi32, #tpu.memory_space<hbm>>, %arg4: memref<16x160x128xi32, #tpu.memory_space<hbm>>, %arg5: memref<640x128xf32, #tpu.memory_space<hbm>>, %arg6: memref<2x10240x128xf32, #tpu.memory_space<hbm>>, %arg7: memref<10240x128xf32, #tpu.memory_space<vmem_shared>>, %arg8: memref<40x128xi32, #tpu.memory_space<vmem>>, %arg9: memref<40x128xi32, #tpu.memory_space<vmem>>, %arg10: memref<128x128xf32, #tpu.memory_space<vmem>>, %arg11: memref<128x128xf32, #tpu.memory_space<vmem>>, %arg12: memref<!tpu.dma_semaphore, #tpu.memory_space<semaphore_mem>>, %arg13: memref<!tpu.dma_semaphore, #tpu.memory_space<semaphore_mem>>) attributes {dimension_semantics = [#tpu.dimension_semantics<core_parallel>, #tpu.dimension_semantics<subcore_parallel>], iteration_bounds = array<i64: 2, 16>, scalar_prefetch = 0 : i64, scratch_operands = 7 : i64, tpu.core_type = #tpu.core_type<sc_vector_subcore>, window_params = [{transform_indices = #map}, {transform_indices = #map1}, {transform_indices = #map1}, {transform_indices = #map}, {transform_indices = #map1}]} {
    %mul3A = arith.constant 640 : i32
    %mul3A_0 = arith.muli %arg1, %mul3A : i32
    "tpu.region"() ({
      %run_scoped3A = tpu.sem_alloc : memref<!tpu.dma_semaphore, #tpu.memory_space<semaphore_mem>>
      %dma_start3A = arith.constant 0 : i32
      %dma_start3A_28 = tpu.memref_slice %arg7[%mul3A_0, %dma_start3A] : memref<10240x128xf32, #tpu.memory_space<vmem_shared>> -> memref<640x128xf32, #tpu.memory_space<vmem_shared>>
      tpu.enqueue_dma source(%arg5 : memref<640x128xf32, #tpu.memory_space<hbm>>) target(%dma_start3A_28 : memref<640x128xf32, #tpu.memory_space<vmem_shared>>) target_semaphore(%run_scoped3A : memref<!tpu.dma_semaphore, #tpu.memory_space<semaphore_mem>>)
      %dma_wait3A = arith.constant 0 : i32
      %dma_wait3A_29 = tpu.memref_slice %arg7[%mul3A_0, %dma_wait3A] : memref<10240x128xf32, #tpu.memory_space<vmem_shared>> -> memref<640x128xf32, #tpu.memory_space<vmem_shared>>
      tpu.wait_dma2 semaphore(%run_scoped3A : memref<!tpu.dma_semaphore, #tpu.memory_space<semaphore_mem>>) src(%arg5 : memref<640x128xf32, #tpu.memory_space<hbm>>) dst(%dma_wait3A_29 : memref<640x128xf32, #tpu.memory_space<vmem_shared>>)
      tpu.yield
    }) : () -> ()
    %barrier3A = arith.constant 0 : index
    tpu.barrier barrier_id(%barrier3A)
    %eq3A = arith.constant 0 : i32
    %eq3A_1 = arith.cmpi eq, %arg0, %eq3A : i32
    %jit3A = arith.constant 2 : i32
    %jit3A_2 = arith.constant 2 : i32
    %select_n3A = arith.select %eq3A_1, %jit3A, %jit3A_2 : i32
    %eq3A_3 = arith.constant 0 : i32
    %eq3A_4 = arith.cmpi eq, %arg0, %eq3A_3 : i32
    %jit3A_5 = arith.constant 0 : i32
    %jit3A_6 = arith.constant 80 : i32
    %select_n3A_7 = arith.select %eq3A_4, %jit3A_5, %jit3A_6 : i32
    %sub3A = arith.constant 0 : i32
    %sub3A_8 = arith.subi %select_n3A, %sub3A : i32
    %sub3A_9 = arith.constant 1 : i32
    %sub3A_10 = arith.constant 1 : i32
    %sub3A_11 = arith.subi %sub3A_9, %sub3A_10 : i32
    %add3A = arith.addi %sub3A_8, %sub3A_11 : i32
    %div3A = arith.constant 1 : i32
    %div3A_12 = arith.divsi %add3A, %div3A : i32
    %while3A = arith.constant 1 : i32
    %while3A_13 = arith.constant 0 : i32
    %while3A_14 = arith.constant 0 : i32
    %while3A_15 = arith.subi %div3A_12, %while3A_14 : i32
    %while3A_16 = arith.addi %while3A_14, %while3A_15 : i32
    %while3A_17 = arith.constant 1 : i32
    %while3A_18 = arith.divsi %while3A_15, %while3A_17 : i32
    %while3A_19 = arith.muli %while3A_18, %while3A_17 : i32
    %while3A_20 = arith.addi %while3A_14, %while3A_19 : i32
    %while3A_21 = arith.constant 1 : i32
    scf.for %while3A_28 = %while3A_14 to %while3A_20 step %while3A_21  : i32 {
      %mul3A_29 = arith.muli %while3A_28, %while3A : i32
      %add3A_30 = arith.addi %while3A_13, %mul3A_29 : i32
      %mul3A_31 = arith.constant 40 : i32
      %mul3A_32 = arith.muli %add3A_30, %mul3A_31 : i32
      %add3A_33 = arith.addi %select_n3A_7, %mul3A_32 : i32
      "tpu.region"() ({
        %run_scoped3A_65 = tpu.sem_alloc : memref<!tpu.dma_semaphore, #tpu.memory_space<semaphore_mem>>
        %dma_start3A_66 = arith.constant 0 : i32
        %dma_start3A_67 = tpu.memref_slice %arg3[%arg1, %add3A_33, %dma_start3A_66] : memref<16x160x128xi32, #tpu.memory_space<hbm>> -> memref<1x40x128xi32, #tpu.memory_space<hbm>>
        %dma_start3A_68 = tpu.memref_squeeze %dma_start3A_67 : memref<1x40x128xi32, #tpu.memory_space<hbm>> -> memref<40x128xi32, #tpu.memory_space<hbm>>
        %dma_start3A_69 = arith.constant 0 : i32
        %dma_start3A_70 = tpu.memref_slice %arg3[%arg1, %add3A_33, %dma_start3A_69] : memref<16x160x128xi32, #tpu.memory_space<hbm>> -> memref<1x40x128xi32, #tpu.memory_space<hbm>>
        %dma_start3A_71 = tpu.memref_squeeze %dma_start3A_70 : memref<1x40x128xi32, #tpu.memory_space<hbm>> -> memref<40x128xi32, #tpu.memory_space<hbm>>
        tpu.enqueue_dma source(%dma_start3A_71 : memref<40x128xi32, #tpu.memory_space<hbm>>) target(%arg8 : memref<40x128xi32, #tpu.memory_space<vmem>>) target_semaphore(%run_scoped3A_65 : memref<!tpu.dma_semaphore, #tpu.memory_space<semaphore_mem>>)
        %dma_wait3A_72 = arith.constant 0 : i32
        %dma_wait3A_73 = tpu.memref_slice %arg3[%arg1, %add3A_33, %dma_wait3A_72] : memref<16x160x128xi32, #tpu.memory_space<hbm>> -> memref<1x40x128xi32, #tpu.memory_space<hbm>>
        %dma_wait3A_74 = tpu.memref_squeeze %dma_wait3A_73 : memref<1x40x128xi32, #tpu.memory_space<hbm>> -> memref<40x128xi32, #tpu.memory_space<hbm>>
        %dma_wait3A_75 = arith.constant 0 : i32
        %dma_wait3A_76 = tpu.memref_slice %arg3[%arg1, %add3A_33, %dma_wait3A_75] : memref<16x160x128xi32, #tpu.memory_space<hbm>> -> memref<1x40x128xi32, #tpu.memory_space<hbm>>
        %dma_wait3A_77 = tpu.memref_squeeze %dma_wait3A_76 : memref<1x40x128xi32, #tpu.memory_space<hbm>> -> memref<40x128xi32, #tpu.memory_space<hbm>>
        tpu.wait_dma2 semaphore(%run_scoped3A_65 : memref<!tpu.dma_semaphore, #tpu.memory_space<semaphore_mem>>) src(%dma_wait3A_77 : memref<40x128xi32, #tpu.memory_space<hbm>>) dst(%arg8 : memref<40x128xi32, #tpu.memory_space<vmem>>)
        tpu.yield
      }) : () -> ()
      "tpu.region"() ({
        %run_scoped3A_65 = tpu.sem_alloc : memref<!tpu.dma_semaphore, #tpu.memory_space<semaphore_mem>>
        %dma_start3A_66 = arith.constant 0 : i32
        %dma_start3A_67 = tpu.memref_slice %arg4[%arg1, %add3A_33, %dma_start3A_66] : memref<16x160x128xi32, #tpu.memory_space<hbm>> -> memref<1x40x128xi32, #tpu.memory_space<hbm>>
        %dma_start3A_68 = tpu.memref_squeeze %dma_start3A_67 : memref<1x40x128xi32, #tpu.memory_space<hbm>> -> memref<40x128xi32, #tpu.memory_space<hbm>>
        %dma_start3A_69 = arith.constant 0 : i32
        %dma_start3A_70 = tpu.memref_slice %arg4[%arg1, %add3A_33, %dma_start3A_69] : memref<16x160x128xi32, #tpu.memory_space<hbm>> -> memref<1x40x128xi32, #tpu.memory_space<hbm>>
        %dma_start3A_71 = tpu.memref_squeeze %dma_start3A_70 : memref<1x40x128xi32, #tpu.memory_space<hbm>> -> memref<40x128xi32, #tpu.memory_space<hbm>>
        tpu.enqueue_dma source(%dma_start3A_71 : memref<40x128xi32, #tpu.memory_space<hbm>>) target(%arg9 : memref<40x128xi32, #tpu.memory_space<vmem>>) target_semaphore(%run_scoped3A_65 : memref<!tpu.dma_semaphore, #tpu.memory_space<semaphore_mem>>)
        %dma_wait3A_72 = arith.constant 0 : i32
        %dma_wait3A_73 = tpu.memref_slice %arg4[%arg1, %add3A_33, %dma_wait3A_72] : memref<16x160x128xi32, #tpu.memory_space<hbm>> -> memref<1x40x128xi32, #tpu.memory_space<hbm>>
        %dma_wait3A_74 = tpu.memref_squeeze %dma_wait3A_73 : memref<1x40x128xi32, #tpu.memory_space<hbm>> -> memref<40x128xi32, #tpu.memory_space<hbm>>
        %dma_wait3A_75 = arith.constant 0 : i32
        %dma_wait3A_76 = tpu.memref_slice %arg4[%arg1, %add3A_33, %dma_wait3A_75] : memref<16x160x128xi32, #tpu.memory_space<hbm>> -> memref<1x40x128xi32, #tpu.memory_space<hbm>>
        %dma_wait3A_77 = tpu.memref_squeeze %dma_wait3A_76 : memref<1x40x128xi32, #tpu.memory_space<hbm>> -> memref<40x128xi32, #tpu.memory_space<hbm>>
        tpu.wait_dma2 semaphore(%run_scoped3A_65 : memref<!tpu.dma_semaphore, #tpu.memory_space<semaphore_mem>>) src(%dma_wait3A_77 : memref<40x128xi32, #tpu.memory_space<hbm>>) dst(%arg9 : memref<40x128xi32, #tpu.memory_space<vmem>>)
        tpu.yield
      }) : () -> ()
      %dma_start3A = arith.constant 0 : i32
      %dma_start3A_34 = arith.constant 0 : i32
      %dma_start3A_35 = tpu.memref_slice %arg8[%dma_start3A, %dma_start3A_34] : memref<40x128xi32, #tpu.memory_space<vmem>> -> memref<1x128xi32, #tpu.memory_space<vmem>>
      %dma_start3A_36 = tpu.memref_squeeze %dma_start3A_35 : memref<1x128xi32, #tpu.memory_space<vmem>> -> memref<128xi32, #tpu.memory_space<vmem>>
      %dma_start3A_37 = arith.constant 0 : i32
      %dma_start3A_38 = arith.constant 0 : i32
      %dma_start3A_39 = tpu.memref_slice %arg2[%dma_start3A_37, %dma_start3A_38] : memref<10240x128xf32, #tpu.memory_space<hbm>> -> memref<10240x128xf32, #tpu.memory_space<hbm>>
      tpu.enqueue_indirect_dma source(%dma_start3A_39 : memref<10240x128xf32, #tpu.memory_space<hbm>>) target(%arg10 : memref<128x128xf32, #tpu.memory_space<vmem>>) offsets(%dma_start3A_36 : memref<128xi32, #tpu.memory_space<vmem>>) semaphore(%arg12 : memref<!tpu.dma_semaphore, #tpu.memory_space<semaphore_mem>>)
      %dma_wait3A = arith.constant 0 : i32
      %dma_wait3A_40 = arith.constant 0 : i32
      %dma_wait3A_41 = tpu.memref_slice %arg8[%dma_wait3A, %dma_wait3A_40] : memref<40x128xi32, #tpu.memory_space<vmem>> -> memref<1x128xi32, #tpu.memory_space<vmem>>
      %dma_wait3A_42 = tpu.memref_squeeze %dma_wait3A_41 : memref<1x128xi32, #tpu.memory_space<vmem>> -> memref<128xi32, #tpu.memory_space<vmem>>
      %dma_wait3A_43 = arith.constant 0 : i32
      %dma_wait3A_44 = arith.constant 0 : i32
      %dma_wait3A_45 = tpu.memref_slice %arg2[%dma_wait3A_43, %dma_wait3A_44] : memref<10240x128xf32, #tpu.memory_space<hbm>> -> memref<10240x128xf32, #tpu.memory_space<hbm>>
      tpu.wait_indirect_dma semaphore(%arg12 : memref<!tpu.dma_semaphore, #tpu.memory_space<semaphore_mem>>) src(%dma_wait3A_45 : memref<10240x128xf32, #tpu.memory_space<hbm>>) dst(%arg10 : memref<128x128xf32, #tpu.memory_space<vmem>>)
      %scan3A = arith.constant 0 : i32
      %scan3A_46 = arith.constant 19 : i32
      %scan3A_47 = arith.addi %scan3A, %scan3A_46 : i32
      %scan3A_48 = arith.constant 1 : i32
      scf.for %scan3A_65 = %scan3A to %scan3A_47 step %scan3A_48  : i32 {
        %mul3A_66 = arith.constant 2 : i32
        %mul3A_67 = arith.muli %scan3A_65, %mul3A_66 : i32
        %add3A_68 = arith.constant 0 : i32
        %add3A_69 = arith.addi %add3A_68, %mul3A_67 : i32
        %add3A_70 = arith.constant 1 : i32
        %add3A_71 = arith.addi %add3A_69, %add3A_70 : i32
        %dma_start3A_72 = arith.constant 0 : i32
        %dma_start3A_73 = tpu.memref_slice %arg8[%add3A_71, %dma_start3A_72] : memref<40x128xi32, #tpu.memory_space<vmem>> -> memref<1x128xi32, #tpu.memory_space<vmem>>
        %dma_start3A_74 = tpu.memref_squeeze %dma_start3A_73 : memref<1x128xi32, #tpu.memory_space<vmem>> -> memref<128xi32, #tpu.memory_space<vmem>>
        %dma_start3A_75 = arith.constant 0 : i32
        %dma_start3A_76 = arith.constant 0 : i32
        %dma_start3A_77 = tpu.memref_slice %arg2[%dma_start3A_75, %dma_start3A_76] : memref<10240x128xf32, #tpu.memory_space<hbm>> -> memref<10240x128xf32, #tpu.memory_space<hbm>>
        tpu.enqueue_indirect_dma source(%dma_start3A_77 : memref<10240x128xf32, #tpu.memory_space<hbm>>) target(%arg11 : memref<128x128xf32, #tpu.memory_space<vmem>>) offsets(%dma_start3A_74 : memref<128xi32, #tpu.memory_space<vmem>>) semaphore(%arg13 : memref<!tpu.dma_semaphore, #tpu.memory_space<semaphore_mem>>)
        "tpu.region"() ({
          %run_scoped3A_100 = tpu.sem_alloc : memref<!tpu.dma_semaphore, #tpu.memory_space<semaphore_mem>>
          %dma_start3A_101 = arith.constant 0 : i32
          %dma_start3A_102 = tpu.memref_slice %arg9[%add3A_69, %dma_start3A_101] : memref<40x128xi32, #tpu.memory_space<vmem>> -> memref<1x128xi32, #tpu.memory_space<vmem>>
          %dma_start3A_103 = tpu.memref_squeeze %dma_start3A_102 : memref<1x128xi32, #tpu.memory_space<vmem>> -> memref<128xi32, #tpu.memory_space<vmem>>
          %dma_start3A_104 = arith.constant 0 : i32
          %dma_start3A_105 = arith.constant 0 : i32
          %dma_start3A_106 = tpu.memref_slice %arg7[%dma_start3A_104, %dma_start3A_105] : memref<10240x128xf32, #tpu.memory_space<vmem_shared>> -> memref<10240x128xf32, #tpu.memory_space<vmem_shared>>
          tpu.enqueue_indirect_dma source(%arg10 : memref<128x128xf32, #tpu.memory_space<vmem>>) target(%dma_start3A_106 : memref<10240x128xf32, #tpu.memory_space<vmem_shared>>) offsets(%dma_start3A_103 : memref<128xi32, #tpu.memory_space<vmem>>) semaphore(%run_scoped3A_100 : memref<!tpu.dma_semaphore, #tpu.memory_space<semaphore_mem>>) {add = true}
          %dma_wait3A_107 = arith.constant 0 : i32
          %dma_wait3A_108 = tpu.memref_slice %arg9[%add3A_69, %dma_wait3A_107] : memref<40x128xi32, #tpu.memory_space<vmem>> -> memref<1x128xi32, #tpu.memory_space<vmem>>
          %dma_wait3A_109 = tpu.memref_squeeze %dma_wait3A_108 : memref<1x128xi32, #tpu.memory_space<vmem>> -> memref<128xi32, #tpu.memory_space<vmem>>
          %dma_wait3A_110 = arith.constant 0 : i32
          %dma_wait3A_111 = arith.constant 0 : i32
          %dma_wait3A_112 = tpu.memref_slice %arg7[%dma_wait3A_110, %dma_wait3A_111] : memref<10240x128xf32, #tpu.memory_space<vmem_shared>> -> memref<10240x128xf32, #tpu.memory_space<vmem_shared>>
          tpu.wait_indirect_dma semaphore(%run_scoped3A_100 : memref<!tpu.dma_semaphore, #tpu.memory_space<semaphore_mem>>) src(%arg10 : memref<128x128xf32, #tpu.memory_space<vmem>>) dst(%dma_wait3A_112 : memref<10240x128xf32, #tpu.memory_space<vmem_shared>>)
          tpu.yield
        }) : () -> ()
        %dma_wait3A_78 = arith.constant 0 : i32
        %dma_wait3A_79 = tpu.memref_slice %arg8[%add3A_71, %dma_wait3A_78] : memref<40x128xi32, #tpu.memory_space<vmem>> -> memref<1x128xi32, #tpu.memory_space<vmem>>
        %dma_wait3A_80 = tpu.memref_squeeze %dma_wait3A_79 : memref<1x128xi32, #tpu.memory_space<vmem>> -> memref<128xi32, #tpu.memory_space<vmem>>
        %dma_wait3A_81 = arith.constant 0 : i32
        %dma_wait3A_82 = arith.constant 0 : i32
        %dma_wait3A_83 = tpu.memref_slice %arg2[%dma_wait3A_81, %dma_wait3A_82] : memref<10240x128xf32, #tpu.memory_space<hbm>> -> memref<10240x128xf32, #tpu.memory_space<hbm>>
        tpu.wait_indirect_dma semaphore(%arg13 : memref<!tpu.dma_semaphore, #tpu.memory_space<semaphore_mem>>) src(%dma_wait3A_83 : memref<10240x128xf32, #tpu.memory_space<hbm>>) dst(%arg11 : memref<128x128xf32, #tpu.memory_space<vmem>>)
        %add3A_84 = arith.constant 2 : i32
        %add3A_85 = arith.addi %add3A_69, %add3A_84 : i32
        %dma_start3A_86 = arith.constant 0 : i32
        %dma_start3A_87 = tpu.memref_slice %arg8[%add3A_85, %dma_start3A_86] : memref<40x128xi32, #tpu.memory_space<vmem>> -> memref<1x128xi32, #tpu.memory_space<vmem>>
        %dma_start3A_88 = tpu.memref_squeeze %dma_start3A_87 : memref<1x128xi32, #tpu.memory_space<vmem>> -> memref<128xi32, #tpu.memory_space<vmem>>
        %dma_start3A_89 = arith.constant 0 : i32
        %dma_start3A_90 = arith.constant 0 : i32
        %dma_start3A_91 = tpu.memref_slice %arg2[%dma_start3A_89, %dma_start3A_90] : memref<10240x128xf32, #tpu.memory_space<hbm>> -> memref<10240x128xf32, #tpu.memory_space<hbm>>
        tpu.enqueue_indirect_dma source(%dma_start3A_91 : memref<10240x128xf32, #tpu.memory_space<hbm>>) target(%arg10 : memref<128x128xf32, #tpu.memory_space<vmem>>) offsets(%dma_start3A_88 : memref<128xi32, #tpu.memory_space<vmem>>) semaphore(%arg12 : memref<!tpu.dma_semaphore, #tpu.memory_space<semaphore_mem>>)
        %add3A_92 = arith.constant 1 : i32
        %add3A_93 = arith.addi %add3A_69, %add3A_92 : i32
        "tpu.region"() ({
          %run_scoped3A_100 = tpu.sem_alloc : memref<!tpu.dma_semaphore, #tpu.memory_space<semaphore_mem>>
          %dma_start3A_101 = arith.constant 0 : i32
          %dma_start3A_102 = tpu.memref_slice %arg9[%add3A_93, %dma_start3A_101] : memref<40x128xi32, #tpu.memory_space<vmem>> -> memref<1x128xi32, #tpu.memory_space<vmem>>
          %dma_start3A_103 = tpu.memref_squeeze %dma_start3A_102 : memref<1x128xi32, #tpu.memory_space<vmem>> -> memref<128xi32, #tpu.memory_space<vmem>>
          %dma_start3A_104 = arith.constant 0 : i32
          %dma_start3A_105 = arith.constant 0 : i32
          %dma_start3A_106 = tpu.memref_slice %arg7[%dma_start3A_104, %dma_start3A_105] : memref<10240x128xf32, #tpu.memory_space<vmem_shared>> -> memref<10240x128xf32, #tpu.memory_space<vmem_shared>>
          tpu.enqueue_indirect_dma source(%arg11 : memref<128x128xf32, #tpu.memory_space<vmem>>) target(%dma_start3A_106 : memref<10240x128xf32, #tpu.memory_space<vmem_shared>>) offsets(%dma_start3A_103 : memref<128xi32, #tpu.memory_space<vmem>>) semaphore(%run_scoped3A_100 : memref<!tpu.dma_semaphore, #tpu.memory_space<semaphore_mem>>) {add = true}
          %dma_wait3A_107 = arith.constant 0 : i32
          %dma_wait3A_108 = tpu.memref_slice %arg9[%add3A_93, %dma_wait3A_107] : memref<40x128xi32, #tpu.memory_space<vmem>> -> memref<1x128xi32, #tpu.memory_space<vmem>>
          %dma_wait3A_109 = tpu.memref_squeeze %dma_wait3A_108 : memref<1x128xi32, #tpu.memory_space<vmem>> -> memref<128xi32, #tpu.memory_space<vmem>>
          %dma_wait3A_110 = arith.constant 0 : i32
          %dma_wait3A_111 = arith.constant 0 : i32
          %dma_wait3A_112 = tpu.memref_slice %arg7[%dma_wait3A_110, %dma_wait3A_111] : memref<10240x128xf32, #tpu.memory_space<vmem_shared>> -> memref<10240x128xf32, #tpu.memory_space<vmem_shared>>
          tpu.wait_indirect_dma semaphore(%run_scoped3A_100 : memref<!tpu.dma_semaphore, #tpu.memory_space<semaphore_mem>>) src(%arg11 : memref<128x128xf32, #tpu.memory_space<vmem>>) dst(%dma_wait3A_112 : memref<10240x128xf32, #tpu.memory_space<vmem_shared>>)
          tpu.yield
        }) : () -> ()
        %dma_wait3A_94 = arith.constant 0 : i32
        %dma_wait3A_95 = tpu.memref_slice %arg8[%add3A_85, %dma_wait3A_94] : memref<40x128xi32, #tpu.memory_space<vmem>> -> memref<1x128xi32, #tpu.memory_space<vmem>>
        %dma_wait3A_96 = tpu.memref_squeeze %dma_wait3A_95 : memref<1x128xi32, #tpu.memory_space<vmem>> -> memref<128xi32, #tpu.memory_space<vmem>>
        %dma_wait3A_97 = arith.constant 0 : i32
        %dma_wait3A_98 = arith.constant 0 : i32
        %dma_wait3A_99 = tpu.memref_slice %arg2[%dma_wait3A_97, %dma_wait3A_98] : memref<10240x128xf32, #tpu.memory_space<hbm>> -> memref<10240x128xf32, #tpu.memory_space<hbm>>
        tpu.wait_indirect_dma semaphore(%arg12 : memref<!tpu.dma_semaphore, #tpu.memory_space<semaphore_mem>>) src(%dma_wait3A_99 : memref<10240x128xf32, #tpu.memory_space<hbm>>) dst(%arg10 : memref<128x128xf32, #tpu.memory_space<vmem>>)
      }
      %scan3A_49 = arith.constant 19 : i32
      %dma_start3A_50 = arith.constant 39 : i32
      %dma_start3A_51 = arith.constant 0 : i32
      %dma_start3A_52 = tpu.memref_slice %arg8[%dma_start3A_50, %dma_start3A_51] : memref<40x128xi32, #tpu.memory_space<vmem>> -> memref<1x128xi32, #tpu.memory_space<vmem>>
      %dma_start3A_53 = tpu.memref_squeeze %dma_start3A_52 : memref<1x128xi32, #tpu.memory_space<vmem>> -> memref<128xi32, #tpu.memory_space<vmem>>
      %dma_start3A_54 = arith.constant 0 : i32
      %dma_start3A_55 = arith.constant 0 : i32
      %dma_start3A_56 = tpu.memref_slice %arg2[%dma_start3A_54, %dma_start3A_55] : memref<10240x128xf32, #tpu.memory_space<hbm>> -> memref<10240x128xf32, #tpu.memory_space<hbm>>
      tpu.enqueue_indirect_dma source(%dma_start3A_56 : memref<10240x128xf32, #tpu.memory_space<hbm>>) target(%arg11 : memref<128x128xf32, #tpu.memory_space<vmem>>) offsets(%dma_start3A_53 : memref<128xi32, #tpu.memory_space<vmem>>) semaphore(%arg13 : memref<!tpu.dma_semaphore, #tpu.memory_space<semaphore_mem>>)
      %run_scoped3A = arith.constant 38 : i32
      "tpu.region"() ({
        %run_scoped3A_65 = tpu.sem_alloc : memref<!tpu.dma_semaphore, #tpu.memory_space<semaphore_mem>>
        %dma_start3A_66 = arith.constant 0 : i32
        %dma_start3A_67 = tpu.memref_slice %arg9[%run_scoped3A, %dma_start3A_66] : memref<40x128xi32, #tpu.memory_space<vmem>> -> memref<1x128xi32, #tpu.memory_space<vmem>>
        %dma_start3A_68 = tpu.memref_squeeze %dma_start3A_67 : memref<1x128xi32, #tpu.memory_space<vmem>> -> memref<128xi32, #tpu.memory_space<vmem>>
        %dma_start3A_69 = arith.constant 0 : i32
        %dma_start3A_70 = arith.constant 0 : i32
        %dma_start3A_71 = tpu.memref_slice %arg7[%dma_start3A_69, %dma_start3A_70] : memref<10240x128xf32, #tpu.memory_space<vmem_shared>> -> memref<10240x128xf32, #tpu.memory_space<vmem_shared>>
        tpu.enqueue_indirect_dma source(%arg10 : memref<128x128xf32, #tpu.memory_space<vmem>>) target(%dma_start3A_71 : memref<10240x128xf32, #tpu.memory_space<vmem_shared>>) offsets(%dma_start3A_68 : memref<128xi32, #tpu.memory_space<vmem>>) semaphore(%run_scoped3A_65 : memref<!tpu.dma_semaphore, #tpu.memory_space<semaphore_mem>>) {add = true}
        %dma_wait3A_72 = arith.constant 0 : i32
        %dma_wait3A_73 = tpu.memref_slice %arg9[%run_scoped3A, %dma_wait3A_72] : memref<40x128xi32, #tpu.memory_space<vmem>> -> memref<1x128xi32, #tpu.memory_space<vmem>>
        %dma_wait3A_74 = tpu.memref_squeeze %dma_wait3A_73 : memref<1x128xi32, #tpu.memory_space<vmem>> -> memref<128xi32, #tpu.memory_space<vmem>>
        %dma_wait3A_75 = arith.constant 0 : i32
        %dma_wait3A_76 = arith.constant 0 : i32
        %dma_wait3A_77 = tpu.memref_slice %arg7[%dma_wait3A_75, %dma_wait3A_76] : memref<10240x128xf32, #tpu.memory_space<vmem_shared>> -> memref<10240x128xf32, #tpu.memory_space<vmem_shared>>
        tpu.wait_indirect_dma semaphore(%run_scoped3A_65 : memref<!tpu.dma_semaphore, #tpu.memory_space<semaphore_mem>>) src(%arg10 : memref<128x128xf32, #tpu.memory_space<vmem>>) dst(%dma_wait3A_77 : memref<10240x128xf32, #tpu.memory_space<vmem_shared>>)
        tpu.yield
      }) : () -> ()
      %dma_wait3A_57 = arith.constant 39 : i32
      %dma_wait3A_58 = arith.constant 0 : i32
      %dma_wait3A_59 = tpu.memref_slice %arg8[%dma_wait3A_57, %dma_wait3A_58] : memref<40x128xi32, #tpu.memory_space<vmem>> -> memref<1x128xi32, #tpu.memory_space<vmem>>
      %dma_wait3A_60 = tpu.memref_squeeze %dma_wait3A_59 : memref<1x128xi32, #tpu.memory_space<vmem>> -> memref<128xi32, #tpu.memory_space<vmem>>
      %dma_wait3A_61 = arith.constant 0 : i32
      %dma_wait3A_62 = arith.constant 0 : i32
      %dma_wait3A_63 = tpu.memref_slice %arg2[%dma_wait3A_61, %dma_wait3A_62] : memref<10240x128xf32, #tpu.memory_space<hbm>> -> memref<10240x128xf32, #tpu.memory_space<hbm>>
      tpu.wait_indirect_dma semaphore(%arg13 : memref<!tpu.dma_semaphore, #tpu.memory_space<semaphore_mem>>) src(%dma_wait3A_63 : memref<10240x128xf32, #tpu.memory_space<hbm>>) dst(%arg11 : memref<128x128xf32, #tpu.memory_space<vmem>>)
      %run_scoped3A_64 = arith.constant 39 : i32
      "tpu.region"() ({
        %run_scoped3A_65 = tpu.sem_alloc : memref<!tpu.dma_semaphore, #tpu.memory_space<semaphore_mem>>
        %dma_start3A_66 = arith.constant 0 : i32
        %dma_start3A_67 = tpu.memref_slice %arg9[%run_scoped3A_64, %dma_start3A_66] : memref<40x128xi32, #tpu.memory_space<vmem>> -> memref<1x128xi32, #tpu.memory_space<vmem>>
        %dma_start3A_68 = tpu.memref_squeeze %dma_start3A_67 : memref<1x128xi32, #tpu.memory_space<vmem>> -> memref<128xi32, #tpu.memory_space<vmem>>
        %dma_start3A_69 = arith.constant 0 : i32
        %dma_start3A_70 = arith.constant 0 : i32
        %dma_start3A_71 = tpu.memref_slice %arg7[%dma_start3A_69, %dma_start3A_70] : memref<10240x128xf32, #tpu.memory_space<vmem_shared>> -> memref<10240x128xf32, #tpu.memory_space<vmem_shared>>
        tpu.enqueue_indirect_dma source(%arg11 : memref<128x128xf32, #tpu.memory_space<vmem>>) target(%dma_start3A_71 : memref<10240x128xf32, #tpu.memory_space<vmem_shared>>) offsets(%dma_start3A_68 : memref<128xi32, #tpu.memory_space<vmem>>) semaphore(%run_scoped3A_65 : memref<!tpu.dma_semaphore, #tpu.memory_space<semaphore_mem>>) {add = true}
        %dma_wait3A_72 = arith.constant 0 : i32
        %dma_wait3A_73 = tpu.memref_slice %arg9[%run_scoped3A_64, %dma_wait3A_72] : memref<40x128xi32, #tpu.memory_space<vmem>> -> memref<1x128xi32, #tpu.memory_space<vmem>>
        %dma_wait3A_74 = tpu.memref_squeeze %dma_wait3A_73 : memref<1x128xi32, #tpu.memory_space<vmem>> -> memref<128xi32, #tpu.memory_space<vmem>>
        %dma_wait3A_75 = arith.constant 0 : i32
        %dma_wait3A_76 = arith.constant 0 : i32
        %dma_wait3A_77 = tpu.memref_slice %arg7[%dma_wait3A_75, %dma_wait3A_76] : memref<10240x128xf32, #tpu.memory_space<vmem_shared>> -> memref<10240x128xf32, #tpu.memory_space<vmem_shared>>
        tpu.wait_indirect_dma semaphore(%run_scoped3A_65 : memref<!tpu.dma_semaphore, #tpu.memory_space<semaphore_mem>>) src(%arg11 : memref<128x128xf32, #tpu.memory_space<vmem>>) dst(%dma_wait3A_77 : memref<10240x128xf32, #tpu.memory_space<vmem_shared>>)
        tpu.yield
      }) : () -> ()
    }
    %while3A_22 = arith.constant 1 : i32
    scf.for %while3A_28 = %while3A_20 to %while3A_16 step %while3A_22  : i32 {
      %mul3A_29 = arith.muli %while3A_28, %while3A : i32
      %add3A_30 = arith.addi %while3A_13, %mul3A_29 : i32
      %mul3A_31 = arith.constant 40 : i32
      %mul3A_32 = arith.muli %add3A_30, %mul3A_31 : i32
      %add3A_33 = arith.addi %select_n3A_7, %mul3A_32 : i32
      "tpu.region"() ({
        %run_scoped3A_65 = tpu.sem_alloc : memref<!tpu.dma_semaphore, #tpu.memory_space<semaphore_mem>>
        %dma_start3A_66 = arith.constant 0 : i32
        %dma_start3A_67 = tpu.memref_slice %arg3[%arg1, %add3A_33, %dma_start3A_66] : memref<16x160x128xi32, #tpu.memory_space<hbm>> -> memref<1x40x128xi32, #tpu.memory_space<hbm>>
        %dma_start3A_68 = tpu.memref_squeeze %dma_start3A_67 : memref<1x40x128xi32, #tpu.memory_space<hbm>> -> memref<40x128xi32, #tpu.memory_space<hbm>>
        %dma_start3A_69 = arith.constant 0 : i32
        %dma_start3A_70 = tpu.memref_slice %arg3[%arg1, %add3A_33, %dma_start3A_69] : memref<16x160x128xi32, #tpu.memory_space<hbm>> -> memref<1x40x128xi32, #tpu.memory_space<hbm>>
        %dma_start3A_71 = tpu.memref_squeeze %dma_start3A_70 : memref<1x40x128xi32, #tpu.memory_space<hbm>> -> memref<40x128xi32, #tpu.memory_space<hbm>>
        tpu.enqueue_dma source(%dma_start3A_71 : memref<40x128xi32, #tpu.memory_space<hbm>>) target(%arg8 : memref<40x128xi32, #tpu.memory_space<vmem>>) target_semaphore(%run_scoped3A_65 : memref<!tpu.dma_semaphore, #tpu.memory_space<semaphore_mem>>)
        %dma_wait3A_72 = arith.constant 0 : i32
        %dma_wait3A_73 = tpu.memref_slice %arg3[%arg1, %add3A_33, %dma_wait3A_72] : memref<16x160x128xi32, #tpu.memory_space<hbm>> -> memref<1x40x128xi32, #tpu.memory_space<hbm>>
        %dma_wait3A_74 = tpu.memref_squeeze %dma_wait3A_73 : memref<1x40x128xi32, #tpu.memory_space<hbm>> -> memref<40x128xi32, #tpu.memory_space<hbm>>
        %dma_wait3A_75 = arith.constant 0 : i32
        %dma_wait3A_76 = tpu.memref_slice %arg3[%arg1, %add3A_33, %dma_wait3A_75] : memref<16x160x128xi32, #tpu.memory_space<hbm>> -> memref<1x40x128xi32, #tpu.memory_space<hbm>>
        %dma_wait3A_77 = tpu.memref_squeeze %dma_wait3A_76 : memref<1x40x128xi32, #tpu.memory_space<hbm>> -> memref<40x128xi32, #tpu.memory_space<hbm>>
        tpu.wait_dma2 semaphore(%run_scoped3A_65 : memref<!tpu.dma_semaphore, #tpu.memory_space<semaphore_mem>>) src(%dma_wait3A_77 : memref<40x128xi32, #tpu.memory_space<hbm>>) dst(%arg8 : memref<40x128xi32, #tpu.memory_space<vmem>>)
        tpu.yield
      }) : () -> ()
      "tpu.region"() ({
        %run_scoped3A_65 = tpu.sem_alloc : memref<!tpu.dma_semaphore, #tpu.memory_space<semaphore_mem>>
        %dma_start3A_66 = arith.constant 0 : i32
        %dma_start3A_67 = tpu.memref_slice %arg4[%arg1, %add3A_33, %dma_start3A_66] : memref<16x160x128xi32, #tpu.memory_space<hbm>> -> memref<1x40x128xi32, #tpu.memory_space<hbm>>
        %dma_start3A_68 = tpu.memref_squeeze %dma_start3A_67 : memref<1x40x128xi32, #tpu.memory_space<hbm>> -> memref<40x128xi32, #tpu.memory_space<hbm>>
        %dma_start3A_69 = arith.constant 0 : i32
        %dma_start3A_70 = tpu.memref_slice %arg4[%arg1, %add3A_33, %dma_start3A_69] : memref<16x160x128xi32, #tpu.memory_space<hbm>> -> memref<1x40x128xi32, #tpu.memory_space<hbm>>
        %dma_start3A_71 = tpu.memref_squeeze %dma_start3A_70 : memref<1x40x128xi32, #tpu.memory_space<hbm>> -> memref<40x128xi32, #tpu.memory_space<hbm>>
        tpu.enqueue_dma source(%dma_start3A_71 : memref<40x128xi32, #tpu.memory_space<hbm>>) target(%arg9 : memref<40x128xi32, #tpu.memory_space<vmem>>) target_semaphore(%run_scoped3A_65 : memref<!tpu.dma_semaphore, #tpu.memory_space<semaphore_mem>>)
        %dma_wait3A_72 = arith.constant 0 : i32
        %dma_wait3A_73 = tpu.memref_slice %arg4[%arg1, %add3A_33, %dma_wait3A_72] : memref<16x160x128xi32, #tpu.memory_space<hbm>> -> memref<1x40x128xi32, #tpu.memory_space<hbm>>
        %dma_wait3A_74 = tpu.memref_squeeze %dma_wait3A_73 : memref<1x40x128xi32, #tpu.memory_space<hbm>> -> memref<40x128xi32, #tpu.memory_space<hbm>>
        %dma_wait3A_75 = arith.constant 0 : i32
        %dma_wait3A_76 = tpu.memref_slice %arg4[%arg1, %add3A_33, %dma_wait3A_75] : memref<16x160x128xi32, #tpu.memory_space<hbm>> -> memref<1x40x128xi32, #tpu.memory_space<hbm>>
        %dma_wait3A_77 = tpu.memref_squeeze %dma_wait3A_76 : memref<1x40x128xi32, #tpu.memory_space<hbm>> -> memref<40x128xi32, #tpu.memory_space<hbm>>
        tpu.wait_dma2 semaphore(%run_scoped3A_65 : memref<!tpu.dma_semaphore, #tpu.memory_space<semaphore_mem>>) src(%dma_wait3A_77 : memref<40x128xi32, #tpu.memory_space<hbm>>) dst(%arg9 : memref<40x128xi32, #tpu.memory_space<vmem>>)
        tpu.yield
      }) : () -> ()
      %dma_start3A = arith.constant 0 : i32
      %dma_start3A_34 = arith.constant 0 : i32
      %dma_start3A_35 = tpu.memref_slice %arg8[%dma_start3A, %dma_start3A_34] : memref<40x128xi32, #tpu.memory_space<vmem>> -> memref<1x128xi32, #tpu.memory_space<vmem>>
      %dma_start3A_36 = tpu.memref_squeeze %dma_start3A_35 : memref<1x128xi32, #tpu.memory_space<vmem>> -> memref<128xi32, #tpu.memory_space<vmem>>
      %dma_start3A_37 = arith.constant 0 : i32
      %dma_start3A_38 = arith.constant 0 : i32
      %dma_start3A_39 = tpu.memref_slice %arg2[%dma_start3A_37, %dma_start3A_38] : memref<10240x128xf32, #tpu.memory_space<hbm>> -> memref<10240x128xf32, #tpu.memory_space<hbm>>
      tpu.enqueue_indirect_dma source(%dma_start3A_39 : memref<10240x128xf32, #tpu.memory_space<hbm>>) target(%arg10 : memref<128x128xf32, #tpu.memory_space<vmem>>) offsets(%dma_start3A_36 : memref<128xi32, #tpu.memory_space<vmem>>) semaphore(%arg12 : memref<!tpu.dma_semaphore, #tpu.memory_space<semaphore_mem>>)
      %dma_wait3A = arith.constant 0 : i32
      %dma_wait3A_40 = arith.constant 0 : i32
      %dma_wait3A_41 = tpu.memref_slice %arg8[%dma_wait3A, %dma_wait3A_40] : memref<40x128xi32, #tpu.memory_space<vmem>> -> memref<1x128xi32, #tpu.memory_space<vmem>>
      %dma_wait3A_42 = tpu.memref_squeeze %dma_wait3A_41 : memref<1x128xi32, #tpu.memory_space<vmem>> -> memref<128xi32, #tpu.memory_space<vmem>>
      %dma_wait3A_43 = arith.constant 0 : i32
      %dma_wait3A_44 = arith.constant 0 : i32
      %dma_wait3A_45 = tpu.memref_slice %arg2[%dma_wait3A_43, %dma_wait3A_44] : memref<10240x128xf32, #tpu.memory_space<hbm>> -> memref<10240x128xf32, #tpu.memory_space<hbm>>
      tpu.wait_indirect_dma semaphore(%arg12 : memref<!tpu.dma_semaphore, #tpu.memory_space<semaphore_mem>>) src(%dma_wait3A_45 : memref<10240x128xf32, #tpu.memory_space<hbm>>) dst(%arg10 : memref<128x128xf32, #tpu.memory_space<vmem>>)
      %scan3A = arith.constant 0 : i32
      %scan3A_46 = arith.constant 19 : i32
      %scan3A_47 = arith.addi %scan3A, %scan3A_46 : i32
      %scan3A_48 = arith.constant 1 : i32
      scf.for %scan3A_65 = %scan3A to %scan3A_47 step %scan3A_48  : i32 {
        %mul3A_66 = arith.constant 2 : i32
        %mul3A_67 = arith.muli %scan3A_65, %mul3A_66 : i32
        %add3A_68 = arith.constant 0 : i32
        %add3A_69 = arith.addi %add3A_68, %mul3A_67 : i32
        %add3A_70 = arith.constant 1 : i32
        %add3A_71 = arith.addi %add3A_69, %add3A_70 : i32
        %dma_start3A_72 = arith.constant 0 : i32
        %dma_start3A_73 = tpu.memref_slice %arg8[%add3A_71, %dma_start3A_72] : memref<40x128xi32, #tpu.memory_space<vmem>> -> memref<1x128xi32, #tpu.memory_space<vmem>>
        %dma_start3A_74 = tpu.memref_squeeze %dma_start3A_73 : memref<1x128xi32, #tpu.memory_space<vmem>> -> memref<128xi32, #tpu.memory_space<vmem>>
        %dma_start3A_75 = arith.constant 0 : i32
        %dma_start3A_76 = arith.constant 0 : i32
        %dma_start3A_77 = tpu.memref_slice %arg2[%dma_start3A_75, %dma_start3A_76] : memref<10240x128xf32, #tpu.memory_space<hbm>> -> memref<10240x128xf32, #tpu.memory_space<hbm>>
        tpu.enqueue_indirect_dma source(%dma_start3A_77 : memref<10240x128xf32, #tpu.memory_space<hbm>>) target(%arg11 : memref<128x128xf32, #tpu.memory_space<vmem>>) offsets(%dma_start3A_74 : memref<128xi32, #tpu.memory_space<vmem>>) semaphore(%arg13 : memref<!tpu.dma_semaphore, #tpu.memory_space<semaphore_mem>>)
        "tpu.region"() ({
          %run_scoped3A_100 = tpu.sem_alloc : memref<!tpu.dma_semaphore, #tpu.memory_space<semaphore_mem>>
          %dma_start3A_101 = arith.constant 0 : i32
          %dma_start3A_102 = tpu.memref_slice %arg9[%add3A_69, %dma_start3A_101] : memref<40x128xi32, #tpu.memory_space<vmem>> -> memref<1x128xi32, #tpu.memory_space<vmem>>
          %dma_start3A_103 = tpu.memref_squeeze %dma_start3A_102 : memref<1x128xi32, #tpu.memory_space<vmem>> -> memref<128xi32, #tpu.memory_space<vmem>>
          %dma_start3A_104 = arith.constant 0 : i32
          %dma_start3A_105 = arith.constant 0 : i32
          %dma_start3A_106 = tpu.memref_slice %arg7[%dma_start3A_104, %dma_start3A_105] : memref<10240x128xf32, #tpu.memory_space<vmem_shared>> -> memref<10240x128xf32, #tpu.memory_space<vmem_shared>>
          tpu.enqueue_indirect_dma source(%arg10 : memref<128x128xf32, #tpu.memory_space<vmem>>) target(%dma_start3A_106 : memref<10240x128xf32, #tpu.memory_space<vmem_shared>>) offsets(%dma_start3A_103 : memref<128xi32, #tpu.memory_space<vmem>>) semaphore(%run_scoped3A_100 : memref<!tpu.dma_semaphore, #tpu.memory_space<semaphore_mem>>) {add = true}
          %dma_wait3A_107 = arith.constant 0 : i32
          %dma_wait3A_108 = tpu.memref_slice %arg9[%add3A_69, %dma_wait3A_107] : memref<40x128xi32, #tpu.memory_space<vmem>> -> memref<1x128xi32, #tpu.memory_space<vmem>>
          %dma_wait3A_109 = tpu.memref_squeeze %dma_wait3A_108 : memref<1x128xi32, #tpu.memory_space<vmem>> -> memref<128xi32, #tpu.memory_space<vmem>>
          %dma_wait3A_110 = arith.constant 0 : i32
          %dma_wait3A_111 = arith.constant 0 : i32
          %dma_wait3A_112 = tpu.memref_slice %arg7[%dma_wait3A_110, %dma_wait3A_111] : memref<10240x128xf32, #tpu.memory_space<vmem_shared>> -> memref<10240x128xf32, #tpu.memory_space<vmem_shared>>
          tpu.wait_indirect_dma semaphore(%run_scoped3A_100 : memref<!tpu.dma_semaphore, #tpu.memory_space<semaphore_mem>>) src(%arg10 : memref<128x128xf32, #tpu.memory_space<vmem>>) dst(%dma_wait3A_112 : memref<10240x128xf32, #tpu.memory_space<vmem_shared>>)
          tpu.yield
        }) : () -> ()
        %dma_wait3A_78 = arith.constant 0 : i32
        %dma_wait3A_79 = tpu.memref_slice %arg8[%add3A_71, %dma_wait3A_78] : memref<40x128xi32, #tpu.memory_space<vmem>> -> memref<1x128xi32, #tpu.memory_space<vmem>>
        %dma_wait3A_80 = tpu.memref_squeeze %dma_wait3A_79 : memref<1x128xi32, #tpu.memory_space<vmem>> -> memref<128xi32, #tpu.memory_space<vmem>>
        %dma_wait3A_81 = arith.constant 0 : i32
        %dma_wait3A_82 = arith.constant 0 : i32
        %dma_wait3A_83 = tpu.memref_slice %arg2[%dma_wait3A_81, %dma_wait3A_82] : memref<10240x128xf32, #tpu.memory_space<hbm>> -> memref<10240x128xf32, #tpu.memory_space<hbm>>
        tpu.wait_indirect_dma semaphore(%arg13 : memref<!tpu.dma_semaphore, #tpu.memory_space<semaphore_mem>>) src(%dma_wait3A_83 : memref<10240x128xf32, #tpu.memory_space<hbm>>) dst(%arg11 : memref<128x128xf32, #tpu.memory_space<vmem>>)
        %add3A_84 = arith.constant 2 : i32
        %add3A_85 = arith.addi %add3A_69, %add3A_84 : i32
        %dma_start3A_86 = arith.constant 0 : i32
        %dma_start3A_87 = tpu.memref_slice %arg8[%add3A_85, %dma_start3A_86] : memref<40x128xi32, #tpu.memory_space<vmem>> -> memref<1x128xi32, #tpu.memory_space<vmem>>
        %dma_start3A_88 = tpu.memref_squeeze %dma_start3A_87 : memref<1x128xi32, #tpu.memory_space<vmem>> -> memref<128xi32, #tpu.memory_space<vmem>>
        %dma_start3A_89 = arith.constant 0 : i32
        %dma_start3A_90 = arith.constant 0 : i32
        %dma_start3A_91 = tpu.memref_slice %arg2[%dma_start3A_89, %dma_start3A_90] : memref<10240x128xf32, #tpu.memory_space<hbm>> -> memref<10240x128xf32, #tpu.memory_space<hbm>>
        tpu.enqueue_indirect_dma source(%dma_start3A_91 : memref<10240x128xf32, #tpu.memory_space<hbm>>) target(%arg10 : memref<128x128xf32, #tpu.memory_space<vmem>>) offsets(%dma_start3A_88 : memref<128xi32, #tpu.memory_space<vmem>>) semaphore(%arg12 : memref<!tpu.dma_semaphore, #tpu.memory_space<semaphore_mem>>)
        %add3A_92 = arith.constant 1 : i32
        %add3A_93 = arith.addi %add3A_69, %add3A_92 : i32
        "tpu.region"() ({
          %run_scoped3A_100 = tpu.sem_alloc : memref<!tpu.dma_semaphore, #tpu.memory_space<semaphore_mem>>
          %dma_start3A_101 = arith.constant 0 : i32
          %dma_start3A_102 = tpu.memref_slice %arg9[%add3A_93, %dma_start3A_101] : memref<40x128xi32, #tpu.memory_space<vmem>> -> memref<1x128xi32, #tpu.memory_space<vmem>>
          %dma_start3A_103 = tpu.memref_squeeze %dma_start3A_102 : memref<1x128xi32, #tpu.memory_space<vmem>> -> memref<128xi32, #tpu.memory_space<vmem>>
          %dma_start3A_104 = arith.constant 0 : i32
          %dma_start3A_105 = arith.constant 0 : i32
          %dma_start3A_106 = tpu.memref_slice %arg7[%dma_start3A_104, %dma_start3A_105] : memref<10240x128xf32, #tpu.memory_space<vmem_shared>> -> memref<10240x128xf32, #tpu.memory_space<vmem_shared>>
          tpu.enqueue_indirect_dma source(%arg11 : memref<128x128xf32, #tpu.memory_space<vmem>>) target(%dma_start3A_106 : memref<10240x128xf32, #tpu.memory_space<vmem_shared>>) offsets(%dma_start3A_103 : memref<128xi32, #tpu.memory_space<vmem>>) semaphore(%run_scoped3A_100 : memref<!tpu.dma_semaphore, #tpu.memory_space<semaphore_mem>>) {add = true}
          %dma_wait3A_107 = arith.constant 0 : i32
          %dma_wait3A_108 = tpu.memref_slice %arg9[%add3A_93, %dma_wait3A_107] : memref<40x128xi32, #tpu.memory_space<vmem>> -> memref<1x128xi32, #tpu.memory_space<vmem>>
          %dma_wait3A_109 = tpu.memref_squeeze %dma_wait3A_108 : memref<1x128xi32, #tpu.memory_space<vmem>> -> memref<128xi32, #tpu.memory_space<vmem>>
          %dma_wait3A_110 = arith.constant 0 : i32
          %dma_wait3A_111 = arith.constant 0 : i32
          %dma_wait3A_112 = tpu.memref_slice %arg7[%dma_wait3A_110, %dma_wait3A_111] : memref<10240x128xf32, #tpu.memory_space<vmem_shared>> -> memref<10240x128xf32, #tpu.memory_space<vmem_shared>>
          tpu.wait_indirect_dma semaphore(%run_scoped3A_100 : memref<!tpu.dma_semaphore, #tpu.memory_space<semaphore_mem>>) src(%arg11 : memref<128x128xf32, #tpu.memory_space<vmem>>) dst(%dma_wait3A_112 : memref<10240x128xf32, #tpu.memory_space<vmem_shared>>)
          tpu.yield
        }) : () -> ()
        %dma_wait3A_94 = arith.constant 0 : i32
        %dma_wait3A_95 = tpu.memref_slice %arg8[%add3A_85, %dma_wait3A_94] : memref<40x128xi32, #tpu.memory_space<vmem>> -> memref<1x128xi32, #tpu.memory_space<vmem>>
        %dma_wait3A_96 = tpu.memref_squeeze %dma_wait3A_95 : memref<1x128xi32, #tpu.memory_space<vmem>> -> memref<128xi32, #tpu.memory_space<vmem>>
        %dma_wait3A_97 = arith.constant 0 : i32
        %dma_wait3A_98 = arith.constant 0 : i32
        %dma_wait3A_99 = tpu.memref_slice %arg2[%dma_wait3A_97, %dma_wait3A_98] : memref<10240x128xf32, #tpu.memory_space<hbm>> -> memref<10240x128xf32, #tpu.memory_space<hbm>>
        tpu.wait_indirect_dma semaphore(%arg12 : memref<!tpu.dma_semaphore, #tpu.memory_space<semaphore_mem>>) src(%dma_wait3A_99 : memref<10240x128xf32, #tpu.memory_space<hbm>>) dst(%arg10 : memref<128x128xf32, #tpu.memory_space<vmem>>)
      }
      %scan3A_49 = arith.constant 19 : i32
      %dma_start3A_50 = arith.constant 39 : i32
      %dma_start3A_51 = arith.constant 0 : i32
      %dma_start3A_52 = tpu.memref_slice %arg8[%dma_start3A_50, %dma_start3A_51] : memref<40x128xi32, #tpu.memory_space<vmem>> -> memref<1x128xi32, #tpu.memory_space<vmem>>
      %dma_start3A_53 = tpu.memref_squeeze %dma_start3A_52 : memref<1x128xi32, #tpu.memory_space<vmem>> -> memref<128xi32, #tpu.memory_space<vmem>>
      %dma_start3A_54 = arith.constant 0 : i32
      %dma_start3A_55 = arith.constant 0 : i32
      %dma_start3A_56 = tpu.memref_slice %arg2[%dma_start3A_54, %dma_start3A_55] : memref<10240x128xf32, #tpu.memory_space<hbm>> -> memref<10240x128xf32, #tpu.memory_space<hbm>>
      tpu.enqueue_indirect_dma source(%dma_start3A_56 : memref<10240x128xf32, #tpu.memory_space<hbm>>) target(%arg11 : memref<128x128xf32, #tpu.memory_space<vmem>>) offsets(%dma_start3A_53 : memref<128xi32, #tpu.memory_space<vmem>>) semaphore(%arg13 : memref<!tpu.dma_semaphore, #tpu.memory_space<semaphore_mem>>)
      %run_scoped3A = arith.constant 38 : i32
      "tpu.region"() ({
        %run_scoped3A_65 = tpu.sem_alloc : memref<!tpu.dma_semaphore, #tpu.memory_space<semaphore_mem>>
        %dma_start3A_66 = arith.constant 0 : i32
        %dma_start3A_67 = tpu.memref_slice %arg9[%run_scoped3A, %dma_start3A_66] : memref<40x128xi32, #tpu.memory_space<vmem>> -> memref<1x128xi32, #tpu.memory_space<vmem>>
        %dma_start3A_68 = tpu.memref_squeeze %dma_start3A_67 : memref<1x128xi32, #tpu.memory_space<vmem>> -> memref<128xi32, #tpu.memory_space<vmem>>
        %dma_start3A_69 = arith.constant 0 : i32
        %dma_start3A_70 = arith.constant 0 : i32
        %dma_start3A_71 = tpu.memref_slice %arg7[%dma_start3A_69, %dma_start3A_70] : memref<10240x128xf32, #tpu.memory_space<vmem_shared>> -> memref<10240x128xf32, #tpu.memory_space<vmem_shared>>
        tpu.enqueue_indirect_dma source(%arg10 : memref<128x128xf32, #tpu.memory_space<vmem>>) target(%dma_start3A_71 : memref<10240x128xf32, #tpu.memory_space<vmem_shared>>) offsets(%dma_start3A_68 : memref<128xi32, #tpu.memory_space<vmem>>) semaphore(%run_scoped3A_65 : memref<!tpu.dma_semaphore, #tpu.memory_space<semaphore_mem>>) {add = true}
        %dma_wait3A_72 = arith.constant 0 : i32
        %dma_wait3A_73 = tpu.memref_slice %arg9[%run_scoped3A, %dma_wait3A_72] : memref<40x128xi32, #tpu.memory_space<vmem>> -> memref<1x128xi32, #tpu.memory_space<vmem>>
        %dma_wait3A_74 = tpu.memref_squeeze %dma_wait3A_73 : memref<1x128xi32, #tpu.memory_space<vmem>> -> memref<128xi32, #tpu.memory_space<vmem>>
        %dma_wait3A_75 = arith.constant 0 : i32
        %dma_wait3A_76 = arith.constant 0 : i32
        %dma_wait3A_77 = tpu.memref_slice %arg7[%dma_wait3A_75, %dma_wait3A_76] : memref<10240x128xf32, #tpu.memory_space<vmem_shared>> -> memref<10240x128xf32, #tpu.memory_space<vmem_shared>>
        tpu.wait_indirect_dma semaphore(%run_scoped3A_65 : memref<!tpu.dma_semaphore, #tpu.memory_space<semaphore_mem>>) src(%arg10 : memref<128x128xf32, #tpu.memory_space<vmem>>) dst(%dma_wait3A_77 : memref<10240x128xf32, #tpu.memory_space<vmem_shared>>)
        tpu.yield
      }) : () -> ()
      %dma_wait3A_57 = arith.constant 39 : i32
      %dma_wait3A_58 = arith.constant 0 : i32
      %dma_wait3A_59 = tpu.memref_slice %arg8[%dma_wait3A_57, %dma_wait3A_58] : memref<40x128xi32, #tpu.memory_space<vmem>> -> memref<1x128xi32, #tpu.memory_space<vmem>>
      %dma_wait3A_60 = tpu.memref_squeeze %dma_wait3A_59 : memref<1x128xi32, #tpu.memory_space<vmem>> -> memref<128xi32, #tpu.memory_space<vmem>>
      %dma_wait3A_61 = arith.constant 0 : i32
      %dma_wait3A_62 = arith.constant 0 : i32
      %dma_wait3A_63 = tpu.memref_slice %arg2[%dma_wait3A_61, %dma_wait3A_62] : memref<10240x128xf32, #tpu.memory_space<hbm>> -> memref<10240x128xf32, #tpu.memory_space<hbm>>
      tpu.wait_indirect_dma semaphore(%arg13 : memref<!tpu.dma_semaphore, #tpu.memory_space<semaphore_mem>>) src(%dma_wait3A_63 : memref<10240x128xf32, #tpu.memory_space<hbm>>) dst(%arg11 : memref<128x128xf32, #tpu.memory_space<vmem>>)
      %run_scoped3A_64 = arith.constant 39 : i32
      "tpu.region"() ({
        %run_scoped3A_65 = tpu.sem_alloc : memref<!tpu.dma_semaphore, #tpu.memory_space<semaphore_mem>>
        %dma_start3A_66 = arith.constant 0 : i32
        %dma_start3A_67 = tpu.memref_slice %arg9[%run_scoped3A_64, %dma_start3A_66] : memref<40x128xi32, #tpu.memory_space<vmem>> -> memref<1x128xi32, #tpu.memory_space<vmem>>
        %dma_start3A_68 = tpu.memref_squeeze %dma_start3A_67 : memref<1x128xi32, #tpu.memory_space<vmem>> -> memref<128xi32, #tpu.memory_space<vmem>>
        %dma_start3A_69 = arith.constant 0 : i32
        %dma_start3A_70 = arith.constant 0 : i32
        %dma_start3A_71 = tpu.memref_slice %arg7[%dma_start3A_69, %dma_start3A_70] : memref<10240x128xf32, #tpu.memory_space<vmem_shared>> -> memref<10240x128xf32, #tpu.memory_space<vmem_shared>>
        tpu.enqueue_indirect_dma source(%arg11 : memref<128x128xf32, #tpu.memory_space<vmem>>) target(%dma_start3A_71 : memref<10240x128xf32, #tpu.memory_space<vmem_shared>>) offsets(%dma_start3A_68 : memref<128xi32, #tpu.memory_space<vmem>>) semaphore(%run_scoped3A_65 : memref<!tpu.dma_semaphore, #tpu.memory_space<semaphore_mem>>) {add = true}
        %dma_wait3A_72 = arith.constant 0 : i32
        %dma_wait3A_73 = tpu.memref_slice %arg9[%run_scoped3A_64, %dma_wait3A_72] : memref<40x128xi32, #tpu.memory_space<vmem>> -> memref<1x128xi32, #tpu.memory_space<vmem>>
        %dma_wait3A_74 = tpu.memref_squeeze %dma_wait3A_73 : memref<1x128xi32, #tpu.memory_space<vmem>> -> memref<128xi32, #tpu.memory_space<vmem>>
        %dma_wait3A_75 = arith.constant 0 : i32
        %dma_wait3A_76 = arith.constant 0 : i32
        %dma_wait3A_77 = tpu.memref_slice %arg7[%dma_wait3A_75, %dma_wait3A_76] : memref<10240x128xf32, #tpu.memory_space<vmem_shared>> -> memref<10240x128xf32, #tpu.memory_space<vmem_shared>>
        tpu.wait_indirect_dma semaphore(%run_scoped3A_65 : memref<!tpu.dma_semaphore, #tpu.memory_space<semaphore_mem>>) src(%arg11 : memref<128x128xf32, #tpu.memory_space<vmem>>) dst(%dma_wait3A_77 : memref<10240x128xf32, #tpu.memory_space<vmem_shared>>)
        tpu.yield
      }) : () -> ()
    }
    %barrier3A_23 = arith.constant 0 : index
    tpu.barrier barrier_id(%barrier3A_23)
    %mul3A_24 = arith.constant 640 : i32
    %mul3A_25 = arith.muli %arg1, %mul3A_24 : i32
    %mul3A_26 = arith.constant 640 : i32
    %mul3A_27 = arith.muli %arg1, %mul3A_26 : i32
    "tpu.region"() ({
      %run_scoped3A = tpu.sem_alloc : memref<!tpu.dma_semaphore, #tpu.memory_space<semaphore_mem>>
      %dma_start3A = arith.constant 0 : i32
      %dma_start3A_28 = tpu.memref_slice %arg6[%arg0, %mul3A_27, %dma_start3A] : memref<2x10240x128xf32, #tpu.memory_space<hbm>> -> memref<1x640x128xf32, #tpu.memory_space<hbm>>
      %dma_start3A_29 = tpu.memref_squeeze %dma_start3A_28 : memref<1x640x128xf32, #tpu.memory_space<hbm>> -> memref<640x128xf32, #tpu.memory_space<hbm>>
      %dma_start3A_30 = arith.constant 0 : i32
      %dma_start3A_31 = tpu.memref_slice %arg7[%mul3A_25, %dma_start3A_30] : memref<10240x128xf32, #tpu.memory_space<vmem_shared>> -> memref<640x128xf32, #tpu.memory_space<vmem_shared>>
      tpu.enqueue_dma source(%dma_start3A_31 : memref<640x128xf32, #tpu.memory_space<vmem_shared>>) target(%dma_start3A_29 : memref<640x128xf32, #tpu.memory_space<hbm>>) target_semaphore(%run_scoped3A : memref<!tpu.dma_semaphore, #tpu.memory_space<semaphore_mem>>)
      %dma_wait3A = arith.constant 0 : i32
      %dma_wait3A_32 = tpu.memref_slice %arg6[%arg0, %mul3A_27, %dma_wait3A] : memref<2x10240x128xf32, #tpu.memory_space<hbm>> -> memref<1x640x128xf32, #tpu.memory_space<hbm>>
      %dma_wait3A_33 = tpu.memref_squeeze %dma_wait3A_32 : memref<1x640x128xf32, #tpu.memory_space<hbm>> -> memref<640x128xf32, #tpu.memory_space<hbm>>
      %dma_wait3A_34 = arith.constant 0 : i32
      %dma_wait3A_35 = tpu.memref_slice %arg7[%mul3A_25, %dma_wait3A_34] : memref<10240x128xf32, #tpu.memory_space<vmem_shared>> -> memref<640x128xf32, #tpu.memory_space<vmem_shared>>
      tpu.wait_dma2 semaphore(%run_scoped3A : memref<!tpu.dma_semaphore, #tpu.memory_space<semaphore_mem>>) src(%dma_wait3A_35 : memref<640x128xf32, #tpu.memory_space<vmem_shared>>) dst(%dma_wait3A_33 : memref<640x128xf32, #tpu.memory_space<hbm>>)
      tpu.yield
    }) : () -> ()
    return
  }
}

#map = affine_map<(d0, d1) -> (0, 0)>
#map1 = affine_map<(d0, d1) -> (0, 0, 0)>
module attributes {stable_mosaic.version = 14 : i64} {
  func.func @_agg_body(%arg0: i32, %arg1: i32, %arg2: memref<10240x128xf32, #tpu.memory_space<hbm>>, %arg3: memref<16x160x128xi32, #tpu.memory_space<hbm>>, %arg4: memref<16x160x128xi32, #tpu.memory_space<hbm>>, %arg5: memref<640x128xf32, #tpu.memory_space<hbm>>, %arg6: memref<2x10240x128xf32, #tpu.memory_space<hbm>>, %arg7: memref<10240x128xf32, #tpu.memory_space<vmem_shared>>, %arg8: memref<40x128xi32, #tpu.memory_space<vmem>>, %arg9: memref<40x128xi32, #tpu.memory_space<vmem>>, %arg10: memref<128x128xf32, #tpu.memory_space<vmem>>, %arg11: memref<128x128xf32, #tpu.memory_space<vmem>>, %arg12: memref<!tpu.dma_semaphore, #tpu.memory_space<semaphore_mem>>, %arg13: memref<!tpu.dma_semaphore, #tpu.memory_space<semaphore_mem>>) attributes {dimension_semantics = [#tpu.dimension_semantics<core_parallel>, #tpu.dimension_semantics<subcore_parallel>], iteration_bounds = array<i64: 2, 16>, scalar_prefetch = 0 : i64, scratch_operands = 7 : i64, tpu.core_type = #tpu.core_type<sc_vector_subcore>, window_params = [{transform_indices = #map}, {transform_indices = #map1}, {transform_indices = #map1}, {transform_indices = #map}, {transform_indices = #map1}]} {
    %mul3A = arith.constant 640 : i32
    %mul3A_0 = arith.muli %arg1, %mul3A : i32
    "tpu.region"() ({
      %run_scoped3A = tpu.sem_alloc : memref<!tpu.dma_semaphore, #tpu.memory_space<semaphore_mem>>
      %dma_start3A = arith.constant 0 : i32
      %dma_start3A_28 = tpu.memref_slice %arg7[%mul3A_0, %dma_start3A] : memref<10240x128xf32, #tpu.memory_space<vmem_shared>> -> memref<640x128xf32, #tpu.memory_space<vmem_shared>>
      tpu.enqueue_dma source(%arg5 : memref<640x128xf32, #tpu.memory_space<hbm>>) target(%dma_start3A_28 : memref<640x128xf32, #tpu.memory_space<vmem_shared>>) target_semaphore(%run_scoped3A : memref<!tpu.dma_semaphore, #tpu.memory_space<semaphore_mem>>)
      %dma_wait3A = arith.constant 0 : i32
      %dma_wait3A_29 = tpu.memref_slice %arg7[%mul3A_0, %dma_wait3A] : memref<10240x128xf32, #tpu.memory_space<vmem_shared>> -> memref<640x128xf32, #tpu.memory_space<vmem_shared>>
      tpu.wait_dma2 semaphore(%run_scoped3A : memref<!tpu.dma_semaphore, #tpu.memory_space<semaphore_mem>>) src(%arg5 : memref<640x128xf32, #tpu.memory_space<hbm>>) dst(%dma_wait3A_29 : memref<640x128xf32, #tpu.memory_space<vmem_shared>>)
      tpu.yield
    }) : () -> ()
    %barrier3A = arith.constant 0 : index
    tpu.barrier barrier_id(%barrier3A)
    %eq3A = arith.constant 0 : i32
    %eq3A_1 = arith.cmpi eq, %arg0, %eq3A : i32
    %jit3A = arith.constant 2 : i32
    %jit3A_2 = arith.constant 2 : i32
    %select_n3A = arith.select %eq3A_1, %jit3A, %jit3A_2 : i32
    %eq3A_3 = arith.constant 0 : i32
    %eq3A_4 = arith.cmpi eq, %arg0, %eq3A_3 : i32
    %jit3A_5 = arith.constant 0 : i32
    %jit3A_6 = arith.constant 80 : i32
    %select_n3A_7 = arith.select %eq3A_4, %jit3A_5, %jit3A_6 : i32
    %sub3A = arith.constant 0 : i32
    %sub3A_8 = arith.subi %select_n3A, %sub3A : i32
    %sub3A_9 = arith.constant 1 : i32
    %sub3A_10 = arith.constant 1 : i32
    %sub3A_11 = arith.subi %sub3A_9, %sub3A_10 : i32
    %add3A = arith.addi %sub3A_8, %sub3A_11 : i32
    %div3A = arith.constant 1 : i32
    %div3A_12 = arith.divsi %add3A, %div3A : i32
    %while3A = arith.constant 1 : i32
    %while3A_13 = arith.constant 0 : i32
    %while3A_14 = arith.constant 0 : i32
    %while3A_15 = arith.subi %div3A_12, %while3A_14 : i32
    %while3A_16 = arith.addi %while3A_14, %while3A_15 : i32
    %while3A_17 = arith.constant 1 : i32
    %while3A_18 = arith.divsi %while3A_15, %while3A_17 : i32
    %while3A_19 = arith.muli %while3A_18, %while3A_17 : i32
    %while3A_20 = arith.addi %while3A_14, %while3A_19 : i32
    %while3A_21 = arith.constant 1 : i32
    scf.for %while3A_28 = %while3A_14 to %while3A_20 step %while3A_21  : i32 {
      %mul3A_29 = arith.muli %while3A_28, %while3A : i32
      %add3A_30 = arith.addi %while3A_13, %mul3A_29 : i32
      %mul3A_31 = arith.constant 40 : i32
      %mul3A_32 = arith.muli %add3A_30, %mul3A_31 : i32
      %add3A_33 = arith.addi %select_n3A_7, %mul3A_32 : i32
      "tpu.region"() ({
        %run_scoped3A_65 = tpu.sem_alloc : memref<!tpu.dma_semaphore, #tpu.memory_space<semaphore_mem>>
        %dma_start3A_66 = arith.constant 0 : i32
        %dma_start3A_67 = tpu.memref_slice %arg3[%arg1, %add3A_33, %dma_start3A_66] : memref<16x160x128xi32, #tpu.memory_space<hbm>> -> memref<1x40x128xi32, #tpu.memory_space<hbm>>
        %dma_start3A_68 = tpu.memref_squeeze %dma_start3A_67 : memref<1x40x128xi32, #tpu.memory_space<hbm>> -> memref<40x128xi32, #tpu.memory_space<hbm>>
        %dma_start3A_69 = arith.constant 0 : i32
        %dma_start3A_70 = tpu.memref_slice %arg3[%arg1, %add3A_33, %dma_start3A_69] : memref<16x160x128xi32, #tpu.memory_space<hbm>> -> memref<1x40x128xi32, #tpu.memory_space<hbm>>
        %dma_start3A_71 = tpu.memref_squeeze %dma_start3A_70 : memref<1x40x128xi32, #tpu.memory_space<hbm>> -> memref<40x128xi32, #tpu.memory_space<hbm>>
        tpu.enqueue_dma source(%dma_start3A_71 : memref<40x128xi32, #tpu.memory_space<hbm>>) target(%arg8 : memref<40x128xi32, #tpu.memory_space<vmem>>) target_semaphore(%run_scoped3A_65 : memref<!tpu.dma_semaphore, #tpu.memory_space<semaphore_mem>>)
        %dma_wait3A_72 = arith.constant 0 : i32
        %dma_wait3A_73 = tpu.memref_slice %arg3[%arg1, %add3A_33, %dma_wait3A_72] : memref<16x160x128xi32, #tpu.memory_space<hbm>> -> memref<1x40x128xi32, #tpu.memory_space<hbm>>
        %dma_wait3A_74 = tpu.memref_squeeze %dma_wait3A_73 : memref<1x40x128xi32, #tpu.memory_space<hbm>> -> memref<40x128xi32, #tpu.memory_space<hbm>>
        %dma_wait3A_75 = arith.constant 0 : i32
        %dma_wait3A_76 = tpu.memref_slice %arg3[%arg1, %add3A_33, %dma_wait3A_75] : memref<16x160x128xi32, #tpu.memory_space<hbm>> -> memref<1x40x128xi32, #tpu.memory_space<hbm>>
        %dma_wait3A_77 = tpu.memref_squeeze %dma_wait3A_76 : memref<1x40x128xi32, #tpu.memory_space<hbm>> -> memref<40x128xi32, #tpu.memory_space<hbm>>
        tpu.wait_dma2 semaphore(%run_scoped3A_65 : memref<!tpu.dma_semaphore, #tpu.memory_space<semaphore_mem>>) src(%dma_wait3A_77 : memref<40x128xi32, #tpu.memory_space<hbm>>) dst(%arg8 : memref<40x128xi32, #tpu.memory_space<vmem>>)
        tpu.yield
      }) : () -> ()
      "tpu.region"() ({
        %run_scoped3A_65 = tpu.sem_alloc : memref<!tpu.dma_semaphore, #tpu.memory_space<semaphore_mem>>
        %dma_start3A_66 = arith.constant 0 : i32
        %dma_start3A_67 = tpu.memref_slice %arg4[%arg1, %add3A_33, %dma_start3A_66] : memref<16x160x128xi32, #tpu.memory_space<hbm>> -> memref<1x40x128xi32, #tpu.memory_space<hbm>>
        %dma_start3A_68 = tpu.memref_squeeze %dma_start3A_67 : memref<1x40x128xi32, #tpu.memory_space<hbm>> -> memref<40x128xi32, #tpu.memory_space<hbm>>
        %dma_start3A_69 = arith.constant 0 : i32
        %dma_start3A_70 = tpu.memref_slice %arg4[%arg1, %add3A_33, %dma_start3A_69] : memref<16x160x128xi32, #tpu.memory_space<hbm>> -> memref<1x40x128xi32, #tpu.memory_space<hbm>>
        %dma_start3A_71 = tpu.memref_squeeze %dma_start3A_70 : memref<1x40x128xi32, #tpu.memory_space<hbm>> -> memref<40x128xi32, #tpu.memory_space<hbm>>
        tpu.enqueue_dma source(%dma_start3A_71 : memref<40x128xi32, #tpu.memory_space<hbm>>) target(%arg9 : memref<40x128xi32, #tpu.memory_space<vmem>>) target_semaphore(%run_scoped3A_65 : memref<!tpu.dma_semaphore, #tpu.memory_space<semaphore_mem>>)
        %dma_wait3A_72 = arith.constant 0 : i32
        %dma_wait3A_73 = tpu.memref_slice %arg4[%arg1, %add3A_33, %dma_wait3A_72] : memref<16x160x128xi32, #tpu.memory_space<hbm>> -> memref<1x40x128xi32, #tpu.memory_space<hbm>>
        %dma_wait3A_74 = tpu.memref_squeeze %dma_wait3A_73 : memref<1x40x128xi32, #tpu.memory_space<hbm>> -> memref<40x128xi32, #tpu.memory_space<hbm>>
        %dma_wait3A_75 = arith.constant 0 : i32
        %dma_wait3A_76 = tpu.memref_slice %arg4[%arg1, %add3A_33, %dma_wait3A_75] : memref<16x160x128xi32, #tpu.memory_space<hbm>> -> memref<1x40x128xi32, #tpu.memory_space<hbm>>
        %dma_wait3A_77 = tpu.memref_squeeze %dma_wait3A_76 : memref<1x40x128xi32, #tpu.memory_space<hbm>> -> memref<40x128xi32, #tpu.memory_space<hbm>>
        tpu.wait_dma2 semaphore(%run_scoped3A_65 : memref<!tpu.dma_semaphore, #tpu.memory_space<semaphore_mem>>) src(%dma_wait3A_77 : memref<40x128xi32, #tpu.memory_space<hbm>>) dst(%arg9 : memref<40x128xi32, #tpu.memory_space<vmem>>)
        tpu.yield
      }) : () -> ()
      %dma_start3A = arith.constant 0 : i32
      %dma_start3A_34 = arith.constant 0 : i32
      %dma_start3A_35 = tpu.memref_slice %arg8[%dma_start3A, %dma_start3A_34] : memref<40x128xi32, #tpu.memory_space<vmem>> -> memref<1x128xi32, #tpu.memory_space<vmem>>
      %dma_start3A_36 = tpu.memref_squeeze %dma_start3A_35 : memref<1x128xi32, #tpu.memory_space<vmem>> -> memref<128xi32, #tpu.memory_space<vmem>>
      %dma_start3A_37 = arith.constant 0 : i32
      %dma_start3A_38 = arith.constant 0 : i32
      %dma_start3A_39 = tpu.memref_slice %arg2[%dma_start3A_37, %dma_start3A_38] : memref<10240x128xf32, #tpu.memory_space<hbm>> -> memref<10240x128xf32, #tpu.memory_space<hbm>>
      tpu.enqueue_indirect_dma source(%dma_start3A_39 : memref<10240x128xf32, #tpu.memory_space<hbm>>) target(%arg10 : memref<128x128xf32, #tpu.memory_space<vmem>>) offsets(%dma_start3A_36 : memref<128xi32, #tpu.memory_space<vmem>>) semaphore(%arg12 : memref<!tpu.dma_semaphore, #tpu.memory_space<semaphore_mem>>)
      %dma_wait3A = arith.constant 0 : i32
      %dma_wait3A_40 = arith.constant 0 : i32
      %dma_wait3A_41 = tpu.memref_slice %arg8[%dma_wait3A, %dma_wait3A_40] : memref<40x128xi32, #tpu.memory_space<vmem>> -> memref<1x128xi32, #tpu.memory_space<vmem>>
      %dma_wait3A_42 = tpu.memref_squeeze %dma_wait3A_41 : memref<1x128xi32, #tpu.memory_space<vmem>> -> memref<128xi32, #tpu.memory_space<vmem>>
      %dma_wait3A_43 = arith.constant 0 : i32
      %dma_wait3A_44 = arith.constant 0 : i32
      %dma_wait3A_45 = tpu.memref_slice %arg2[%dma_wait3A_43, %dma_wait3A_44] : memref<10240x128xf32, #tpu.memory_space<hbm>> -> memref<10240x128xf32, #tpu.memory_space<hbm>>
      tpu.wait_indirect_dma semaphore(%arg12 : memref<!tpu.dma_semaphore, #tpu.memory_space<semaphore_mem>>) src(%dma_wait3A_45 : memref<10240x128xf32, #tpu.memory_space<hbm>>) dst(%arg10 : memref<128x128xf32, #tpu.memory_space<vmem>>)
      %scan3A = arith.constant 0 : i32
      %scan3A_46 = arith.constant 19 : i32
      %scan3A_47 = arith.addi %scan3A, %scan3A_46 : i32
      %scan3A_48 = arith.constant 1 : i32
      scf.for %scan3A_65 = %scan3A to %scan3A_47 step %scan3A_48  : i32 {
        %mul3A_66 = arith.constant 2 : i32
        %mul3A_67 = arith.muli %scan3A_65, %mul3A_66 : i32
        %add3A_68 = arith.constant 0 : i32
        %add3A_69 = arith.addi %add3A_68, %mul3A_67 : i32
        %add3A_70 = arith.constant 1 : i32
        %add3A_71 = arith.addi %add3A_69, %add3A_70 : i32
        %dma_start3A_72 = arith.constant 0 : i32
        %dma_start3A_73 = tpu.memref_slice %arg8[%add3A_71, %dma_start3A_72] : memref<40x128xi32, #tpu.memory_space<vmem>> -> memref<1x128xi32, #tpu.memory_space<vmem>>
        %dma_start3A_74 = tpu.memref_squeeze %dma_start3A_73 : memref<1x128xi32, #tpu.memory_space<vmem>> -> memref<128xi32, #tpu.memory_space<vmem>>
        %dma_start3A_75 = arith.constant 0 : i32
        %dma_start3A_76 = arith.constant 0 : i32
        %dma_start3A_77 = tpu.memref_slice %arg2[%dma_start3A_75, %dma_start3A_76] : memref<10240x128xf32, #tpu.memory_space<hbm>> -> memref<10240x128xf32, #tpu.memory_space<hbm>>
        tpu.enqueue_indirect_dma source(%dma_start3A_77 : memref<10240x128xf32, #tpu.memory_space<hbm>>) target(%arg11 : memref<128x128xf32, #tpu.memory_space<vmem>>) offsets(%dma_start3A_74 : memref<128xi32, #tpu.memory_space<vmem>>) semaphore(%arg13 : memref<!tpu.dma_semaphore, #tpu.memory_space<semaphore_mem>>)
        "tpu.region"() ({
          %run_scoped3A_100 = tpu.sem_alloc : memref<!tpu.dma_semaphore, #tpu.memory_space<semaphore_mem>>
          %dma_start3A_101 = arith.constant 0 : i32
          %dma_start3A_102 = tpu.memref_slice %arg9[%add3A_69, %dma_start3A_101] : memref<40x128xi32, #tpu.memory_space<vmem>> -> memref<1x128xi32, #tpu.memory_space<vmem>>
          %dma_start3A_103 = tpu.memref_squeeze %dma_start3A_102 : memref<1x128xi32, #tpu.memory_space<vmem>> -> memref<128xi32, #tpu.memory_space<vmem>>
          %dma_start3A_104 = arith.constant 0 : i32
          %dma_start3A_105 = arith.constant 0 : i32
          %dma_start3A_106 = tpu.memref_slice %arg7[%dma_start3A_104, %dma_start3A_105] : memref<10240x128xf32, #tpu.memory_space<vmem_shared>> -> memref<10240x128xf32, #tpu.memory_space<vmem_shared>>
          tpu.enqueue_indirect_dma source(%arg10 : memref<128x128xf32, #tpu.memory_space<vmem>>) target(%dma_start3A_106 : memref<10240x128xf32, #tpu.memory_space<vmem_shared>>) offsets(%dma_start3A_103 : memref<128xi32, #tpu.memory_space<vmem>>) semaphore(%run_scoped3A_100 : memref<!tpu.dma_semaphore, #tpu.memory_space<semaphore_mem>>) {add = true}
          %dma_wait3A_107 = arith.constant 0 : i32
          %dma_wait3A_108 = tpu.memref_slice %arg9[%add3A_69, %dma_wait3A_107] : memref<40x128xi32, #tpu.memory_space<vmem>> -> memref<1x128xi32, #tpu.memory_space<vmem>>
          %dma_wait3A_109 = tpu.memref_squeeze %dma_wait3A_108 : memref<1x128xi32, #tpu.memory_space<vmem>> -> memref<128xi32, #tpu.memory_space<vmem>>
          %dma_wait3A_110 = arith.constant 0 : i32
          %dma_wait3A_111 = arith.constant 0 : i32
          %dma_wait3A_112 = tpu.memref_slice %arg7[%dma_wait3A_110, %dma_wait3A_111] : memref<10240x128xf32, #tpu.memory_space<vmem_shared>> -> memref<10240x128xf32, #tpu.memory_space<vmem_shared>>
          tpu.wait_indirect_dma semaphore(%run_scoped3A_100 : memref<!tpu.dma_semaphore, #tpu.memory_space<semaphore_mem>>) src(%arg10 : memref<128x128xf32, #tpu.memory_space<vmem>>) dst(%dma_wait3A_112 : memref<10240x128xf32, #tpu.memory_space<vmem_shared>>)
          tpu.yield
        }) : () -> ()
        %dma_wait3A_78 = arith.constant 0 : i32
        %dma_wait3A_79 = tpu.memref_slice %arg8[%add3A_71, %dma_wait3A_78] : memref<40x128xi32, #tpu.memory_space<vmem>> -> memref<1x128xi32, #tpu.memory_space<vmem>>
        %dma_wait3A_80 = tpu.memref_squeeze %dma_wait3A_79 : memref<1x128xi32, #tpu.memory_space<vmem>> -> memref<128xi32, #tpu.memory_space<vmem>>
        %dma_wait3A_81 = arith.constant 0 : i32
        %dma_wait3A_82 = arith.constant 0 : i32
        %dma_wait3A_83 = tpu.memref_slice %arg2[%dma_wait3A_81, %dma_wait3A_82] : memref<10240x128xf32, #tpu.memory_space<hbm>> -> memref<10240x128xf32, #tpu.memory_space<hbm>>
        tpu.wait_indirect_dma semaphore(%arg13 : memref<!tpu.dma_semaphore, #tpu.memory_space<semaphore_mem>>) src(%dma_wait3A_83 : memref<10240x128xf32, #tpu.memory_space<hbm>>) dst(%arg11 : memref<128x128xf32, #tpu.memory_space<vmem>>)
        %add3A_84 = arith.constant 2 : i32
        %add3A_85 = arith.addi %add3A_69, %add3A_84 : i32
        %dma_start3A_86 = arith.constant 0 : i32
        %dma_start3A_87 = tpu.memref_slice %arg8[%add3A_85, %dma_start3A_86] : memref<40x128xi32, #tpu.memory_space<vmem>> -> memref<1x128xi32, #tpu.memory_space<vmem>>
        %dma_start3A_88 = tpu.memref_squeeze %dma_start3A_87 : memref<1x128xi32, #tpu.memory_space<vmem>> -> memref<128xi32, #tpu.memory_space<vmem>>
        %dma_start3A_89 = arith.constant 0 : i32
        %dma_start3A_90 = arith.constant 0 : i32
        %dma_start3A_91 = tpu.memref_slice %arg2[%dma_start3A_89, %dma_start3A_90] : memref<10240x128xf32, #tpu.memory_space<hbm>> -> memref<10240x128xf32, #tpu.memory_space<hbm>>
        tpu.enqueue_indirect_dma source(%dma_start3A_91 : memref<10240x128xf32, #tpu.memory_space<hbm>>) target(%arg10 : memref<128x128xf32, #tpu.memory_space<vmem>>) offsets(%dma_start3A_88 : memref<128xi32, #tpu.memory_space<vmem>>) semaphore(%arg12 : memref<!tpu.dma_semaphore, #tpu.memory_space<semaphore_mem>>)
        %add3A_92 = arith.constant 1 : i32
        %add3A_93 = arith.addi %add3A_69, %add3A_92 : i32
        "tpu.region"() ({
          %run_scoped3A_100 = tpu.sem_alloc : memref<!tpu.dma_semaphore, #tpu.memory_space<semaphore_mem>>
          %dma_start3A_101 = arith.constant 0 : i32
          %dma_start3A_102 = tpu.memref_slice %arg9[%add3A_93, %dma_start3A_101] : memref<40x128xi32, #tpu.memory_space<vmem>> -> memref<1x128xi32, #tpu.memory_space<vmem>>
          %dma_start3A_103 = tpu.memref_squeeze %dma_start3A_102 : memref<1x128xi32, #tpu.memory_space<vmem>> -> memref<128xi32, #tpu.memory_space<vmem>>
          %dma_start3A_104 = arith.constant 0 : i32
          %dma_start3A_105 = arith.constant 0 : i32
          %dma_start3A_106 = tpu.memref_slice %arg7[%dma_start3A_104, %dma_start3A_105] : memref<10240x128xf32, #tpu.memory_space<vmem_shared>> -> memref<10240x128xf32, #tpu.memory_space<vmem_shared>>
          tpu.enqueue_indirect_dma source(%arg11 : memref<128x128xf32, #tpu.memory_space<vmem>>) target(%dma_start3A_106 : memref<10240x128xf32, #tpu.memory_space<vmem_shared>>) offsets(%dma_start3A_103 : memref<128xi32, #tpu.memory_space<vmem>>) semaphore(%run_scoped3A_100 : memref<!tpu.dma_semaphore, #tpu.memory_space<semaphore_mem>>) {add = true}
          %dma_wait3A_107 = arith.constant 0 : i32
          %dma_wait3A_108 = tpu.memref_slice %arg9[%add3A_93, %dma_wait3A_107] : memref<40x128xi32, #tpu.memory_space<vmem>> -> memref<1x128xi32, #tpu.memory_space<vmem>>
          %dma_wait3A_109 = tpu.memref_squeeze %dma_wait3A_108 : memref<1x128xi32, #tpu.memory_space<vmem>> -> memref<128xi32, #tpu.memory_space<vmem>>
          %dma_wait3A_110 = arith.constant 0 : i32
          %dma_wait3A_111 = arith.constant 0 : i32
          %dma_wait3A_112 = tpu.memref_slice %arg7[%dma_wait3A_110, %dma_wait3A_111] : memref<10240x128xf32, #tpu.memory_space<vmem_shared>> -> memref<10240x128xf32, #tpu.memory_space<vmem_shared>>
          tpu.wait_indirect_dma semaphore(%run_scoped3A_100 : memref<!tpu.dma_semaphore, #tpu.memory_space<semaphore_mem>>) src(%arg11 : memref<128x128xf32, #tpu.memory_space<vmem>>) dst(%dma_wait3A_112 : memref<10240x128xf32, #tpu.memory_space<vmem_shared>>)
          tpu.yield
        }) : () -> ()
        %dma_wait3A_94 = arith.constant 0 : i32
        %dma_wait3A_95 = tpu.memref_slice %arg8[%add3A_85, %dma_wait3A_94] : memref<40x128xi32, #tpu.memory_space<vmem>> -> memref<1x128xi32, #tpu.memory_space<vmem>>
        %dma_wait3A_96 = tpu.memref_squeeze %dma_wait3A_95 : memref<1x128xi32, #tpu.memory_space<vmem>> -> memref<128xi32, #tpu.memory_space<vmem>>
        %dma_wait3A_97 = arith.constant 0 : i32
        %dma_wait3A_98 = arith.constant 0 : i32
        %dma_wait3A_99 = tpu.memref_slice %arg2[%dma_wait3A_97, %dma_wait3A_98] : memref<10240x128xf32, #tpu.memory_space<hbm>> -> memref<10240x128xf32, #tpu.memory_space<hbm>>
        tpu.wait_indirect_dma semaphore(%arg12 : memref<!tpu.dma_semaphore, #tpu.memory_space<semaphore_mem>>) src(%dma_wait3A_99 : memref<10240x128xf32, #tpu.memory_space<hbm>>) dst(%arg10 : memref<128x128xf32, #tpu.memory_space<vmem>>)
      }
      %scan3A_49 = arith.constant 19 : i32
      %dma_start3A_50 = arith.constant 39 : i32
      %dma_start3A_51 = arith.constant 0 : i32
      %dma_start3A_52 = tpu.memref_slice %arg8[%dma_start3A_50, %dma_start3A_51] : memref<40x128xi32, #tpu.memory_space<vmem>> -> memref<1x128xi32, #tpu.memory_space<vmem>>
      %dma_start3A_53 = tpu.memref_squeeze %dma_start3A_52 : memref<1x128xi32, #tpu.memory_space<vmem>> -> memref<128xi32, #tpu.memory_space<vmem>>
      %dma_start3A_54 = arith.constant 0 : i32
      %dma_start3A_55 = arith.constant 0 : i32
      %dma_start3A_56 = tpu.memref_slice %arg2[%dma_start3A_54, %dma_start3A_55] : memref<10240x128xf32, #tpu.memory_space<hbm>> -> memref<10240x128xf32, #tpu.memory_space<hbm>>
      tpu.enqueue_indirect_dma source(%dma_start3A_56 : memref<10240x128xf32, #tpu.memory_space<hbm>>) target(%arg11 : memref<128x128xf32, #tpu.memory_space<vmem>>) offsets(%dma_start3A_53 : memref<128xi32, #tpu.memory_space<vmem>>) semaphore(%arg13 : memref<!tpu.dma_semaphore, #tpu.memory_space<semaphore_mem>>)
      %run_scoped3A = arith.constant 38 : i32
      "tpu.region"() ({
        %run_scoped3A_65 = tpu.sem_alloc : memref<!tpu.dma_semaphore, #tpu.memory_space<semaphore_mem>>
        %dma_start3A_66 = arith.constant 0 : i32
        %dma_start3A_67 = tpu.memref_slice %arg9[%run_scoped3A, %dma_start3A_66] : memref<40x128xi32, #tpu.memory_space<vmem>> -> memref<1x128xi32, #tpu.memory_space<vmem>>
        %dma_start3A_68 = tpu.memref_squeeze %dma_start3A_67 : memref<1x128xi32, #tpu.memory_space<vmem>> -> memref<128xi32, #tpu.memory_space<vmem>>
        %dma_start3A_69 = arith.constant 0 : i32
        %dma_start3A_70 = arith.constant 0 : i32
        %dma_start3A_71 = tpu.memref_slice %arg7[%dma_start3A_69, %dma_start3A_70] : memref<10240x128xf32, #tpu.memory_space<vmem_shared>> -> memref<10240x128xf32, #tpu.memory_space<vmem_shared>>
        tpu.enqueue_indirect_dma source(%arg10 : memref<128x128xf32, #tpu.memory_space<vmem>>) target(%dma_start3A_71 : memref<10240x128xf32, #tpu.memory_space<vmem_shared>>) offsets(%dma_start3A_68 : memref<128xi32, #tpu.memory_space<vmem>>) semaphore(%run_scoped3A_65 : memref<!tpu.dma_semaphore, #tpu.memory_space<semaphore_mem>>) {add = true}
        %dma_wait3A_72 = arith.constant 0 : i32
        %dma_wait3A_73 = tpu.memref_slice %arg9[%run_scoped3A, %dma_wait3A_72] : memref<40x128xi32, #tpu.memory_space<vmem>> -> memref<1x128xi32, #tpu.memory_space<vmem>>
        %dma_wait3A_74 = tpu.memref_squeeze %dma_wait3A_73 : memref<1x128xi32, #tpu.memory_space<vmem>> -> memref<128xi32, #tpu.memory_space<vmem>>
        %dma_wait3A_75 = arith.constant 0 : i32
        %dma_wait3A_76 = arith.constant 0 : i32
        %dma_wait3A_77 = tpu.memref_slice %arg7[%dma_wait3A_75, %dma_wait3A_76] : memref<10240x128xf32, #tpu.memory_space<vmem_shared>> -> memref<10240x128xf32, #tpu.memory_space<vmem_shared>>
        tpu.wait_indirect_dma semaphore(%run_scoped3A_65 : memref<!tpu.dma_semaphore, #tpu.memory_space<semaphore_mem>>) src(%arg10 : memref<128x128xf32, #tpu.memory_space<vmem>>) dst(%dma_wait3A_77 : memref<10240x128xf32, #tpu.memory_space<vmem_shared>>)
        tpu.yield
      }) : () -> ()
      %dma_wait3A_57 = arith.constant 39 : i32
      %dma_wait3A_58 = arith.constant 0 : i32
      %dma_wait3A_59 = tpu.memref_slice %arg8[%dma_wait3A_57, %dma_wait3A_58] : memref<40x128xi32, #tpu.memory_space<vmem>> -> memref<1x128xi32, #tpu.memory_space<vmem>>
      %dma_wait3A_60 = tpu.memref_squeeze %dma_wait3A_59 : memref<1x128xi32, #tpu.memory_space<vmem>> -> memref<128xi32, #tpu.memory_space<vmem>>
      %dma_wait3A_61 = arith.constant 0 : i32
      %dma_wait3A_62 = arith.constant 0 : i32
      %dma_wait3A_63 = tpu.memref_slice %arg2[%dma_wait3A_61, %dma_wait3A_62] : memref<10240x128xf32, #tpu.memory_space<hbm>> -> memref<10240x128xf32, #tpu.memory_space<hbm>>
      tpu.wait_indirect_dma semaphore(%arg13 : memref<!tpu.dma_semaphore, #tpu.memory_space<semaphore_mem>>) src(%dma_wait3A_63 : memref<10240x128xf32, #tpu.memory_space<hbm>>) dst(%arg11 : memref<128x128xf32, #tpu.memory_space<vmem>>)
      %run_scoped3A_64 = arith.constant 39 : i32
      "tpu.region"() ({
        %run_scoped3A_65 = tpu.sem_alloc : memref<!tpu.dma_semaphore, #tpu.memory_space<semaphore_mem>>
        %dma_start3A_66 = arith.constant 0 : i32
        %dma_start3A_67 = tpu.memref_slice %arg9[%run_scoped3A_64, %dma_start3A_66] : memref<40x128xi32, #tpu.memory_space<vmem>> -> memref<1x128xi32, #tpu.memory_space<vmem>>
        %dma_start3A_68 = tpu.memref_squeeze %dma_start3A_67 : memref<1x128xi32, #tpu.memory_space<vmem>> -> memref<128xi32, #tpu.memory_space<vmem>>
        %dma_start3A_69 = arith.constant 0 : i32
        %dma_start3A_70 = arith.constant 0 : i32
        %dma_start3A_71 = tpu.memref_slice %arg7[%dma_start3A_69, %dma_start3A_70] : memref<10240x128xf32, #tpu.memory_space<vmem_shared>> -> memref<10240x128xf32, #tpu.memory_space<vmem_shared>>
        tpu.enqueue_indirect_dma source(%arg11 : memref<128x128xf32, #tpu.memory_space<vmem>>) target(%dma_start3A_71 : memref<10240x128xf32, #tpu.memory_space<vmem_shared>>) offsets(%dma_start3A_68 : memref<128xi32, #tpu.memory_space<vmem>>) semaphore(%run_scoped3A_65 : memref<!tpu.dma_semaphore, #tpu.memory_space<semaphore_mem>>) {add = true}
        %dma_wait3A_72 = arith.constant 0 : i32
        %dma_wait3A_73 = tpu.memref_slice %arg9[%run_scoped3A_64, %dma_wait3A_72] : memref<40x128xi32, #tpu.memory_space<vmem>> -> memref<1x128xi32, #tpu.memory_space<vmem>>
        %dma_wait3A_74 = tpu.memref_squeeze %dma_wait3A_73 : memref<1x128xi32, #tpu.memory_space<vmem>> -> memref<128xi32, #tpu.memory_space<vmem>>
        %dma_wait3A_75 = arith.constant 0 : i32
        %dma_wait3A_76 = arith.constant 0 : i32
        %dma_wait3A_77 = tpu.memref_slice %arg7[%dma_wait3A_75, %dma_wait3A_76] : memref<10240x128xf32, #tpu.memory_space<vmem_shared>> -> memref<10240x128xf32, #tpu.memory_space<vmem_shared>>
        tpu.wait_indirect_dma semaphore(%run_scoped3A_65 : memref<!tpu.dma_semaphore, #tpu.memory_space<semaphore_mem>>) src(%arg11 : memref<128x128xf32, #tpu.memory_space<vmem>>) dst(%dma_wait3A_77 : memref<10240x128xf32, #tpu.memory_space<vmem_shared>>)
        tpu.yield
      }) : () -> ()
    }
    %while3A_22 = arith.constant 1 : i32
    scf.for %while3A_28 = %while3A_20 to %while3A_16 step %while3A_22  : i32 {
      %mul3A_29 = arith.muli %while3A_28, %while3A : i32
      %add3A_30 = arith.addi %while3A_13, %mul3A_29 : i32
      %mul3A_31 = arith.constant 40 : i32
      %mul3A_32 = arith.muli %add3A_30, %mul3A_31 : i32
      %add3A_33 = arith.addi %select_n3A_7, %mul3A_32 : i32
      "tpu.region"() ({
        %run_scoped3A_65 = tpu.sem_alloc : memref<!tpu.dma_semaphore, #tpu.memory_space<semaphore_mem>>
        %dma_start3A_66 = arith.constant 0 : i32
        %dma_start3A_67 = tpu.memref_slice %arg3[%arg1, %add3A_33, %dma_start3A_66] : memref<16x160x128xi32, #tpu.memory_space<hbm>> -> memref<1x40x128xi32, #tpu.memory_space<hbm>>
        %dma_start3A_68 = tpu.memref_squeeze %dma_start3A_67 : memref<1x40x128xi32, #tpu.memory_space<hbm>> -> memref<40x128xi32, #tpu.memory_space<hbm>>
        %dma_start3A_69 = arith.constant 0 : i32
        %dma_start3A_70 = tpu.memref_slice %arg3[%arg1, %add3A_33, %dma_start3A_69] : memref<16x160x128xi32, #tpu.memory_space<hbm>> -> memref<1x40x128xi32, #tpu.memory_space<hbm>>
        %dma_start3A_71 = tpu.memref_squeeze %dma_start3A_70 : memref<1x40x128xi32, #tpu.memory_space<hbm>> -> memref<40x128xi32, #tpu.memory_space<hbm>>
        tpu.enqueue_dma source(%dma_start3A_71 : memref<40x128xi32, #tpu.memory_space<hbm>>) target(%arg8 : memref<40x128xi32, #tpu.memory_space<vmem>>) target_semaphore(%run_scoped3A_65 : memref<!tpu.dma_semaphore, #tpu.memory_space<semaphore_mem>>)
        %dma_wait3A_72 = arith.constant 0 : i32
        %dma_wait3A_73 = tpu.memref_slice %arg3[%arg1, %add3A_33, %dma_wait3A_72] : memref<16x160x128xi32, #tpu.memory_space<hbm>> -> memref<1x40x128xi32, #tpu.memory_space<hbm>>
        %dma_wait3A_74 = tpu.memref_squeeze %dma_wait3A_73 : memref<1x40x128xi32, #tpu.memory_space<hbm>> -> memref<40x128xi32, #tpu.memory_space<hbm>>
        %dma_wait3A_75 = arith.constant 0 : i32
        %dma_wait3A_76 = tpu.memref_slice %arg3[%arg1, %add3A_33, %dma_wait3A_75] : memref<16x160x128xi32, #tpu.memory_space<hbm>> -> memref<1x40x128xi32, #tpu.memory_space<hbm>>
        %dma_wait3A_77 = tpu.memref_squeeze %dma_wait3A_76 : memref<1x40x128xi32, #tpu.memory_space<hbm>> -> memref<40x128xi32, #tpu.memory_space<hbm>>
        tpu.wait_dma2 semaphore(%run_scoped3A_65 : memref<!tpu.dma_semaphore, #tpu.memory_space<semaphore_mem>>) src(%dma_wait3A_77 : memref<40x128xi32, #tpu.memory_space<hbm>>) dst(%arg8 : memref<40x128xi32, #tpu.memory_space<vmem>>)
        tpu.yield
      }) : () -> ()
      "tpu.region"() ({
        %run_scoped3A_65 = tpu.sem_alloc : memref<!tpu.dma_semaphore, #tpu.memory_space<semaphore_mem>>
        %dma_start3A_66 = arith.constant 0 : i32
        %dma_start3A_67 = tpu.memref_slice %arg4[%arg1, %add3A_33, %dma_start3A_66] : memref<16x160x128xi32, #tpu.memory_space<hbm>> -> memref<1x40x128xi32, #tpu.memory_space<hbm>>
        %dma_start3A_68 = tpu.memref_squeeze %dma_start3A_67 : memref<1x40x128xi32, #tpu.memory_space<hbm>> -> memref<40x128xi32, #tpu.memory_space<hbm>>
        %dma_start3A_69 = arith.constant 0 : i32
        %dma_start3A_70 = tpu.memref_slice %arg4[%arg1, %add3A_33, %dma_start3A_69] : memref<16x160x128xi32, #tpu.memory_space<hbm>> -> memref<1x40x128xi32, #tpu.memory_space<hbm>>
        %dma_start3A_71 = tpu.memref_squeeze %dma_start3A_70 : memref<1x40x128xi32, #tpu.memory_space<hbm>> -> memref<40x128xi32, #tpu.memory_space<hbm>>
        tpu.enqueue_dma source(%dma_start3A_71 : memref<40x128xi32, #tpu.memory_space<hbm>>) target(%arg9 : memref<40x128xi32, #tpu.memory_space<vmem>>) target_semaphore(%run_scoped3A_65 : memref<!tpu.dma_semaphore, #tpu.memory_space<semaphore_mem>>)
        %dma_wait3A_72 = arith.constant 0 : i32
        %dma_wait3A_73 = tpu.memref_slice %arg4[%arg1, %add3A_33, %dma_wait3A_72] : memref<16x160x128xi32, #tpu.memory_space<hbm>> -> memref<1x40x128xi32, #tpu.memory_space<hbm>>
        %dma_wait3A_74 = tpu.memref_squeeze %dma_wait3A_73 : memref<1x40x128xi32, #tpu.memory_space<hbm>> -> memref<40x128xi32, #tpu.memory_space<hbm>>
        %dma_wait3A_75 = arith.constant 0 : i32
        %dma_wait3A_76 = tpu.memref_slice %arg4[%arg1, %add3A_33, %dma_wait3A_75] : memref<16x160x128xi32, #tpu.memory_space<hbm>> -> memref<1x40x128xi32, #tpu.memory_space<hbm>>
        %dma_wait3A_77 = tpu.memref_squeeze %dma_wait3A_76 : memref<1x40x128xi32, #tpu.memory_space<hbm>> -> memref<40x128xi32, #tpu.memory_space<hbm>>
        tpu.wait_dma2 semaphore(%run_scoped3A_65 : memref<!tpu.dma_semaphore, #tpu.memory_space<semaphore_mem>>) src(%dma_wait3A_77 : memref<40x128xi32, #tpu.memory_space<hbm>>) dst(%arg9 : memref<40x128xi32, #tpu.memory_space<vmem>>)
        tpu.yield
      }) : () -> ()
      %dma_start3A = arith.constant 0 : i32
      %dma_start3A_34 = arith.constant 0 : i32
      %dma_start3A_35 = tpu.memref_slice %arg8[%dma_start3A, %dma_start3A_34] : memref<40x128xi32, #tpu.memory_space<vmem>> -> memref<1x128xi32, #tpu.memory_space<vmem>>
      %dma_start3A_36 = tpu.memref_squeeze %dma_start3A_35 : memref<1x128xi32, #tpu.memory_space<vmem>> -> memref<128xi32, #tpu.memory_space<vmem>>
      %dma_start3A_37 = arith.constant 0 : i32
      %dma_start3A_38 = arith.constant 0 : i32
      %dma_start3A_39 = tpu.memref_slice %arg2[%dma_start3A_37, %dma_start3A_38] : memref<10240x128xf32, #tpu.memory_space<hbm>> -> memref<10240x128xf32, #tpu.memory_space<hbm>>
      tpu.enqueue_indirect_dma source(%dma_start3A_39 : memref<10240x128xf32, #tpu.memory_space<hbm>>) target(%arg10 : memref<128x128xf32, #tpu.memory_space<vmem>>) offsets(%dma_start3A_36 : memref<128xi32, #tpu.memory_space<vmem>>) semaphore(%arg12 : memref<!tpu.dma_semaphore, #tpu.memory_space<semaphore_mem>>)
      %dma_wait3A = arith.constant 0 : i32
      %dma_wait3A_40 = arith.constant 0 : i32
      %dma_wait3A_41 = tpu.memref_slice %arg8[%dma_wait3A, %dma_wait3A_40] : memref<40x128xi32, #tpu.memory_space<vmem>> -> memref<1x128xi32, #tpu.memory_space<vmem>>
      %dma_wait3A_42 = tpu.memref_squeeze %dma_wait3A_41 : memref<1x128xi32, #tpu.memory_space<vmem>> -> memref<128xi32, #tpu.memory_space<vmem>>
      %dma_wait3A_43 = arith.constant 0 : i32
      %dma_wait3A_44 = arith.constant 0 : i32
      %dma_wait3A_45 = tpu.memref_slice %arg2[%dma_wait3A_43, %dma_wait3A_44] : memref<10240x128xf32, #tpu.memory_space<hbm>> -> memref<10240x128xf32, #tpu.memory_space<hbm>>
      tpu.wait_indirect_dma semaphore(%arg12 : memref<!tpu.dma_semaphore, #tpu.memory_space<semaphore_mem>>) src(%dma_wait3A_45 : memref<10240x128xf32, #tpu.memory_space<hbm>>) dst(%arg10 : memref<128x128xf32, #tpu.memory_space<vmem>>)
      %scan3A = arith.constant 0 : i32
      %scan3A_46 = arith.constant 19 : i32
      %scan3A_47 = arith.addi %scan3A, %scan3A_46 : i32
      %scan3A_48 = arith.constant 1 : i32
      scf.for %scan3A_65 = %scan3A to %scan3A_47 step %scan3A_48  : i32 {
        %mul3A_66 = arith.constant 2 : i32
        %mul3A_67 = arith.muli %scan3A_65, %mul3A_66 : i32
        %add3A_68 = arith.constant 0 : i32
        %add3A_69 = arith.addi %add3A_68, %mul3A_67 : i32
        %add3A_70 = arith.constant 1 : i32
        %add3A_71 = arith.addi %add3A_69, %add3A_70 : i32
        %dma_start3A_72 = arith.constant 0 : i32
        %dma_start3A_73 = tpu.memref_slice %arg8[%add3A_71, %dma_start3A_72] : memref<40x128xi32, #tpu.memory_space<vmem>> -> memref<1x128xi32, #tpu.memory_space<vmem>>
        %dma_start3A_74 = tpu.memref_squeeze %dma_start3A_73 : memref<1x128xi32, #tpu.memory_space<vmem>> -> memref<128xi32, #tpu.memory_space<vmem>>
        %dma_start3A_75 = arith.constant 0 : i32
        %dma_start3A_76 = arith.constant 0 : i32
        %dma_start3A_77 = tpu.memref_slice %arg2[%dma_start3A_75, %dma_start3A_76] : memref<10240x128xf32, #tpu.memory_space<hbm>> -> memref<10240x128xf32, #tpu.memory_space<hbm>>
        tpu.enqueue_indirect_dma source(%dma_start3A_77 : memref<10240x128xf32, #tpu.memory_space<hbm>>) target(%arg11 : memref<128x128xf32, #tpu.memory_space<vmem>>) offsets(%dma_start3A_74 : memref<128xi32, #tpu.memory_space<vmem>>) semaphore(%arg13 : memref<!tpu.dma_semaphore, #tpu.memory_space<semaphore_mem>>)
        "tpu.region"() ({
          %run_scoped3A_100 = tpu.sem_alloc : memref<!tpu.dma_semaphore, #tpu.memory_space<semaphore_mem>>
          %dma_start3A_101 = arith.constant 0 : i32
          %dma_start3A_102 = tpu.memref_slice %arg9[%add3A_69, %dma_start3A_101] : memref<40x128xi32, #tpu.memory_space<vmem>> -> memref<1x128xi32, #tpu.memory_space<vmem>>
          %dma_start3A_103 = tpu.memref_squeeze %dma_start3A_102 : memref<1x128xi32, #tpu.memory_space<vmem>> -> memref<128xi32, #tpu.memory_space<vmem>>
          %dma_start3A_104 = arith.constant 0 : i32
          %dma_start3A_105 = arith.constant 0 : i32
          %dma_start3A_106 = tpu.memref_slice %arg7[%dma_start3A_104, %dma_start3A_105] : memref<10240x128xf32, #tpu.memory_space<vmem_shared>> -> memref<10240x128xf32, #tpu.memory_space<vmem_shared>>
          tpu.enqueue_indirect_dma source(%arg10 : memref<128x128xf32, #tpu.memory_space<vmem>>) target(%dma_start3A_106 : memref<10240x128xf32, #tpu.memory_space<vmem_shared>>) offsets(%dma_start3A_103 : memref<128xi32, #tpu.memory_space<vmem>>) semaphore(%run_scoped3A_100 : memref<!tpu.dma_semaphore, #tpu.memory_space<semaphore_mem>>) {add = true}
          %dma_wait3A_107 = arith.constant 0 : i32
          %dma_wait3A_108 = tpu.memref_slice %arg9[%add3A_69, %dma_wait3A_107] : memref<40x128xi32, #tpu.memory_space<vmem>> -> memref<1x128xi32, #tpu.memory_space<vmem>>
          %dma_wait3A_109 = tpu.memref_squeeze %dma_wait3A_108 : memref<1x128xi32, #tpu.memory_space<vmem>> -> memref<128xi32, #tpu.memory_space<vmem>>
          %dma_wait3A_110 = arith.constant 0 : i32
          %dma_wait3A_111 = arith.constant 0 : i32
          %dma_wait3A_112 = tpu.memref_slice %arg7[%dma_wait3A_110, %dma_wait3A_111] : memref<10240x128xf32, #tpu.memory_space<vmem_shared>> -> memref<10240x128xf32, #tpu.memory_space<vmem_shared>>
          tpu.wait_indirect_dma semaphore(%run_scoped3A_100 : memref<!tpu.dma_semaphore, #tpu.memory_space<semaphore_mem>>) src(%arg10 : memref<128x128xf32, #tpu.memory_space<vmem>>) dst(%dma_wait3A_112 : memref<10240x128xf32, #tpu.memory_space<vmem_shared>>)
          tpu.yield
        }) : () -> ()
        %dma_wait3A_78 = arith.constant 0 : i32
        %dma_wait3A_79 = tpu.memref_slice %arg8[%add3A_71, %dma_wait3A_78] : memref<40x128xi32, #tpu.memory_space<vmem>> -> memref<1x128xi32, #tpu.memory_space<vmem>>
        %dma_wait3A_80 = tpu.memref_squeeze %dma_wait3A_79 : memref<1x128xi32, #tpu.memory_space<vmem>> -> memref<128xi32, #tpu.memory_space<vmem>>
        %dma_wait3A_81 = arith.constant 0 : i32
        %dma_wait3A_82 = arith.constant 0 : i32
        %dma_wait3A_83 = tpu.memref_slice %arg2[%dma_wait3A_81, %dma_wait3A_82] : memref<10240x128xf32, #tpu.memory_space<hbm>> -> memref<10240x128xf32, #tpu.memory_space<hbm>>
        tpu.wait_indirect_dma semaphore(%arg13 : memref<!tpu.dma_semaphore, #tpu.memory_space<semaphore_mem>>) src(%dma_wait3A_83 : memref<10240x128xf32, #tpu.memory_space<hbm>>) dst(%arg11 : memref<128x128xf32, #tpu.memory_space<vmem>>)
        %add3A_84 = arith.constant 2 : i32
        %add3A_85 = arith.addi %add3A_69, %add3A_84 : i32
        %dma_start3A_86 = arith.constant 0 : i32
        %dma_start3A_87 = tpu.memref_slice %arg8[%add3A_85, %dma_start3A_86] : memref<40x128xi32, #tpu.memory_space<vmem>> -> memref<1x128xi32, #tpu.memory_space<vmem>>
        %dma_start3A_88 = tpu.memref_squeeze %dma_start3A_87 : memref<1x128xi32, #tpu.memory_space<vmem>> -> memref<128xi32, #tpu.memory_space<vmem>>
        %dma_start3A_89 = arith.constant 0 : i32
        %dma_start3A_90 = arith.constant 0 : i32
        %dma_start3A_91 = tpu.memref_slice %arg2[%dma_start3A_89, %dma_start3A_90] : memref<10240x128xf32, #tpu.memory_space<hbm>> -> memref<10240x128xf32, #tpu.memory_space<hbm>>
        tpu.enqueue_indirect_dma source(%dma_start3A_91 : memref<10240x128xf32, #tpu.memory_space<hbm>>) target(%arg10 : memref<128x128xf32, #tpu.memory_space<vmem>>) offsets(%dma_start3A_88 : memref<128xi32, #tpu.memory_space<vmem>>) semaphore(%arg12 : memref<!tpu.dma_semaphore, #tpu.memory_space<semaphore_mem>>)
        %add3A_92 = arith.constant 1 : i32
        %add3A_93 = arith.addi %add3A_69, %add3A_92 : i32
        "tpu.region"() ({
          %run_scoped3A_100 = tpu.sem_alloc : memref<!tpu.dma_semaphore, #tpu.memory_space<semaphore_mem>>
          %dma_start3A_101 = arith.constant 0 : i32
          %dma_start3A_102 = tpu.memref_slice %arg9[%add3A_93, %dma_start3A_101] : memref<40x128xi32, #tpu.memory_space<vmem>> -> memref<1x128xi32, #tpu.memory_space<vmem>>
          %dma_start3A_103 = tpu.memref_squeeze %dma_start3A_102 : memref<1x128xi32, #tpu.memory_space<vmem>> -> memref<128xi32, #tpu.memory_space<vmem>>
          %dma_start3A_104 = arith.constant 0 : i32
          %dma_start3A_105 = arith.constant 0 : i32
          %dma_start3A_106 = tpu.memref_slice %arg7[%dma_start3A_104, %dma_start3A_105] : memref<10240x128xf32, #tpu.memory_space<vmem_shared>> -> memref<10240x128xf32, #tpu.memory_space<vmem_shared>>
          tpu.enqueue_indirect_dma source(%arg11 : memref<128x128xf32, #tpu.memory_space<vmem>>) target(%dma_start3A_106 : memref<10240x128xf32, #tpu.memory_space<vmem_shared>>) offsets(%dma_start3A_103 : memref<128xi32, #tpu.memory_space<vmem>>) semaphore(%run_scoped3A_100 : memref<!tpu.dma_semaphore, #tpu.memory_space<semaphore_mem>>) {add = true}
          %dma_wait3A_107 = arith.constant 0 : i32
          %dma_wait3A_108 = tpu.memref_slice %arg9[%add3A_93, %dma_wait3A_107] : memref<40x128xi32, #tpu.memory_space<vmem>> -> memref<1x128xi32, #tpu.memory_space<vmem>>
          %dma_wait3A_109 = tpu.memref_squeeze %dma_wait3A_108 : memref<1x128xi32, #tpu.memory_space<vmem>> -> memref<128xi32, #tpu.memory_space<vmem>>
          %dma_wait3A_110 = arith.constant 0 : i32
          %dma_wait3A_111 = arith.constant 0 : i32
          %dma_wait3A_112 = tpu.memref_slice %arg7[%dma_wait3A_110, %dma_wait3A_111] : memref<10240x128xf32, #tpu.memory_space<vmem_shared>> -> memref<10240x128xf32, #tpu.memory_space<vmem_shared>>
          tpu.wait_indirect_dma semaphore(%run_scoped3A_100 : memref<!tpu.dma_semaphore, #tpu.memory_space<semaphore_mem>>) src(%arg11 : memref<128x128xf32, #tpu.memory_space<vmem>>) dst(%dma_wait3A_112 : memref<10240x128xf32, #tpu.memory_space<vmem_shared>>)
          tpu.yield
        }) : () -> ()
        %dma_wait3A_94 = arith.constant 0 : i32
        %dma_wait3A_95 = tpu.memref_slice %arg8[%add3A_85, %dma_wait3A_94] : memref<40x128xi32, #tpu.memory_space<vmem>> -> memref<1x128xi32, #tpu.memory_space<vmem>>
        %dma_wait3A_96 = tpu.memref_squeeze %dma_wait3A_95 : memref<1x128xi32, #tpu.memory_space<vmem>> -> memref<128xi32, #tpu.memory_space<vmem>>
        %dma_wait3A_97 = arith.constant 0 : i32
        %dma_wait3A_98 = arith.constant 0 : i32
        %dma_wait3A_99 = tpu.memref_slice %arg2[%dma_wait3A_97, %dma_wait3A_98] : memref<10240x128xf32, #tpu.memory_space<hbm>> -> memref<10240x128xf32, #tpu.memory_space<hbm>>
        tpu.wait_indirect_dma semaphore(%arg12 : memref<!tpu.dma_semaphore, #tpu.memory_space<semaphore_mem>>) src(%dma_wait3A_99 : memref<10240x128xf32, #tpu.memory_space<hbm>>) dst(%arg10 : memref<128x128xf32, #tpu.memory_space<vmem>>)
      }
      %scan3A_49 = arith.constant 19 : i32
      %dma_start3A_50 = arith.constant 39 : i32
      %dma_start3A_51 = arith.constant 0 : i32
      %dma_start3A_52 = tpu.memref_slice %arg8[%dma_start3A_50, %dma_start3A_51] : memref<40x128xi32, #tpu.memory_space<vmem>> -> memref<1x128xi32, #tpu.memory_space<vmem>>
      %dma_start3A_53 = tpu.memref_squeeze %dma_start3A_52 : memref<1x128xi32, #tpu.memory_space<vmem>> -> memref<128xi32, #tpu.memory_space<vmem>>
      %dma_start3A_54 = arith.constant 0 : i32
      %dma_start3A_55 = arith.constant 0 : i32
      %dma_start3A_56 = tpu.memref_slice %arg2[%dma_start3A_54, %dma_start3A_55] : memref<10240x128xf32, #tpu.memory_space<hbm>> -> memref<10240x128xf32, #tpu.memory_space<hbm>>
      tpu.enqueue_indirect_dma source(%dma_start3A_56 : memref<10240x128xf32, #tpu.memory_space<hbm>>) target(%arg11 : memref<128x128xf32, #tpu.memory_space<vmem>>) offsets(%dma_start3A_53 : memref<128xi32, #tpu.memory_space<vmem>>) semaphore(%arg13 : memref<!tpu.dma_semaphore, #tpu.memory_space<semaphore_mem>>)
      %run_scoped3A = arith.constant 38 : i32
      "tpu.region"() ({
        %run_scoped3A_65 = tpu.sem_alloc : memref<!tpu.dma_semaphore, #tpu.memory_space<semaphore_mem>>
        %dma_start3A_66 = arith.constant 0 : i32
        %dma_start3A_67 = tpu.memref_slice %arg9[%run_scoped3A, %dma_start3A_66] : memref<40x128xi32, #tpu.memory_space<vmem>> -> memref<1x128xi32, #tpu.memory_space<vmem>>
        %dma_start3A_68 = tpu.memref_squeeze %dma_start3A_67 : memref<1x128xi32, #tpu.memory_space<vmem>> -> memref<128xi32, #tpu.memory_space<vmem>>
        %dma_start3A_69 = arith.constant 0 : i32
        %dma_start3A_70 = arith.constant 0 : i32
        %dma_start3A_71 = tpu.memref_slice %arg7[%dma_start3A_69, %dma_start3A_70] : memref<10240x128xf32, #tpu.memory_space<vmem_shared>> -> memref<10240x128xf32, #tpu.memory_space<vmem_shared>>
        tpu.enqueue_indirect_dma source(%arg10 : memref<128x128xf32, #tpu.memory_space<vmem>>) target(%dma_start3A_71 : memref<10240x128xf32, #tpu.memory_space<vmem_shared>>) offsets(%dma_start3A_68 : memref<128xi32, #tpu.memory_space<vmem>>) semaphore(%run_scoped3A_65 : memref<!tpu.dma_semaphore, #tpu.memory_space<semaphore_mem>>) {add = true}
        %dma_wait3A_72 = arith.constant 0 : i32
        %dma_wait3A_73 = tpu.memref_slice %arg9[%run_scoped3A, %dma_wait3A_72] : memref<40x128xi32, #tpu.memory_space<vmem>> -> memref<1x128xi32, #tpu.memory_space<vmem>>
        %dma_wait3A_74 = tpu.memref_squeeze %dma_wait3A_73 : memref<1x128xi32, #tpu.memory_space<vmem>> -> memref<128xi32, #tpu.memory_space<vmem>>
        %dma_wait3A_75 = arith.constant 0 : i32
        %dma_wait3A_76 = arith.constant 0 : i32
        %dma_wait3A_77 = tpu.memref_slice %arg7[%dma_wait3A_75, %dma_wait3A_76] : memref<10240x128xf32, #tpu.memory_space<vmem_shared>> -> memref<10240x128xf32, #tpu.memory_space<vmem_shared>>
        tpu.wait_indirect_dma semaphore(%run_scoped3A_65 : memref<!tpu.dma_semaphore, #tpu.memory_space<semaphore_mem>>) src(%arg10 : memref<128x128xf32, #tpu.memory_space<vmem>>) dst(%dma_wait3A_77 : memref<10240x128xf32, #tpu.memory_space<vmem_shared>>)
        tpu.yield
      }) : () -> ()
      %dma_wait3A_57 = arith.constant 39 : i32
      %dma_wait3A_58 = arith.constant 0 : i32
      %dma_wait3A_59 = tpu.memref_slice %arg8[%dma_wait3A_57, %dma_wait3A_58] : memref<40x128xi32, #tpu.memory_space<vmem>> -> memref<1x128xi32, #tpu.memory_space<vmem>>
      %dma_wait3A_60 = tpu.memref_squeeze %dma_wait3A_59 : memref<1x128xi32, #tpu.memory_space<vmem>> -> memref<128xi32, #tpu.memory_space<vmem>>
      %dma_wait3A_61 = arith.constant 0 : i32
      %dma_wait3A_62 = arith.constant 0 : i32
      %dma_wait3A_63 = tpu.memref_slice %arg2[%dma_wait3A_61, %dma_wait3A_62] : memref<10240x128xf32, #tpu.memory_space<hbm>> -> memref<10240x128xf32, #tpu.memory_space<hbm>>
      tpu.wait_indirect_dma semaphore(%arg13 : memref<!tpu.dma_semaphore, #tpu.memory_space<semaphore_mem>>) src(%dma_wait3A_63 : memref<10240x128xf32, #tpu.memory_space<hbm>>) dst(%arg11 : memref<128x128xf32, #tpu.memory_space<vmem>>)
      %run_scoped3A_64 = arith.constant 39 : i32
      "tpu.region"() ({
        %run_scoped3A_65 = tpu.sem_alloc : memref<!tpu.dma_semaphore, #tpu.memory_space<semaphore_mem>>
        %dma_start3A_66 = arith.constant 0 : i32
        %dma_start3A_67 = tpu.memref_slice %arg9[%run_scoped3A_64, %dma_start3A_66] : memref<40x128xi32, #tpu.memory_space<vmem>> -> memref<1x128xi32, #tpu.memory_space<vmem>>
        %dma_start3A_68 = tpu.memref_squeeze %dma_start3A_67 : memref<1x128xi32, #tpu.memory_space<vmem>> -> memref<128xi32, #tpu.memory_space<vmem>>
        %dma_start3A_69 = arith.constant 0 : i32
        %dma_start3A_70 = arith.constant 0 : i32
        %dma_start3A_71 = tpu.memref_slice %arg7[%dma_start3A_69, %dma_start3A_70] : memref<10240x128xf32, #tpu.memory_space<vmem_shared>> -> memref<10240x128xf32, #tpu.memory_space<vmem_shared>>
        tpu.enqueue_indirect_dma source(%arg11 : memref<128x128xf32, #tpu.memory_space<vmem>>) target(%dma_start3A_71 : memref<10240x128xf32, #tpu.memory_space<vmem_shared>>) offsets(%dma_start3A_68 : memref<128xi32, #tpu.memory_space<vmem>>) semaphore(%run_scoped3A_65 : memref<!tpu.dma_semaphore, #tpu.memory_space<semaphore_mem>>) {add = true}
        %dma_wait3A_72 = arith.constant 0 : i32
        %dma_wait3A_73 = tpu.memref_slice %arg9[%run_scoped3A_64, %dma_wait3A_72] : memref<40x128xi32, #tpu.memory_space<vmem>> -> memref<1x128xi32, #tpu.memory_space<vmem>>
        %dma_wait3A_74 = tpu.memref_squeeze %dma_wait3A_73 : memref<1x128xi32, #tpu.memory_space<vmem>> -> memref<128xi32, #tpu.memory_space<vmem>>
        %dma_wait3A_75 = arith.constant 0 : i32
        %dma_wait3A_76 = arith.constant 0 : i32
        %dma_wait3A_77 = tpu.memref_slice %arg7[%dma_wait3A_75, %dma_wait3A_76] : memref<10240x128xf32, #tpu.memory_space<vmem_shared>> -> memref<10240x128xf32, #tpu.memory_space<vmem_shared>>
        tpu.wait_indirect_dma semaphore(%run_scoped3A_65 : memref<!tpu.dma_semaphore, #tpu.memory_space<semaphore_mem>>) src(%arg11 : memref<128x128xf32, #tpu.memory_space<vmem>>) dst(%dma_wait3A_77 : memref<10240x128xf32, #tpu.memory_space<vmem_shared>>)
        tpu.yield
      }) : () -> ()
    }
    %barrier3A_23 = arith.constant 0 : index
    tpu.barrier barrier_id(%barrier3A_23)
    %mul3A_24 = arith.constant 640 : i32
    %mul3A_25 = arith.muli %arg1, %mul3A_24 : i32
    %mul3A_26 = arith.constant 640 : i32
    %mul3A_27 = arith.muli %arg1, %mul3A_26 : i32
    "tpu.region"() ({
      %run_scoped3A = tpu.sem_alloc : memref<!tpu.dma_semaphore, #tpu.memory_space<semaphore_mem>>
      %dma_start3A = arith.constant 0 : i32
      %dma_start3A_28 = tpu.memref_slice %arg6[%arg0, %mul3A_27, %dma_start3A] : memref<2x10240x128xf32, #tpu.memory_space<hbm>> -> memref<1x640x128xf32, #tpu.memory_space<hbm>>
      %dma_start3A_29 = tpu.memref_squeeze %dma_start3A_28 : memref<1x640x128xf32, #tpu.memory_space<hbm>> -> memref<640x128xf32, #tpu.memory_space<hbm>>
      %dma_start3A_30 = arith.constant 0 : i32
      %dma_start3A_31 = tpu.memref_slice %arg7[%mul3A_25, %dma_start3A_30] : memref<10240x128xf32, #tpu.memory_space<vmem_shared>> -> memref<640x128xf32, #tpu.memory_space<vmem_shared>>
      tpu.enqueue_dma source(%dma_start3A_31 : memref<640x128xf32, #tpu.memory_space<vmem_shared>>) target(%dma_start3A_29 : memref<640x128xf32, #tpu.memory_space<hbm>>) target_semaphore(%run_scoped3A : memref<!tpu.dma_semaphore, #tpu.memory_space<semaphore_mem>>)
      %dma_wait3A = arith.constant 0 : i32
      %dma_wait3A_32 = tpu.memref_slice %arg6[%arg0, %mul3A_27, %dma_wait3A] : memref<2x10240x128xf32, #tpu.memory_space<hbm>> -> memref<1x640x128xf32, #tpu.memory_space<hbm>>
      %dma_wait3A_33 = tpu.memref_squeeze %dma_wait3A_32 : memref<1x640x128xf32, #tpu.memory_space<hbm>> -> memref<640x128xf32, #tpu.memory_space<hbm>>
      %dma_wait3A_34 = arith.constant 0 : i32
      %dma_wait3A_35 = tpu.memref_slice %arg7[%mul3A_25, %dma_wait3A_34] : memref<10240x128xf32, #tpu.memory_space<vmem_shared>> -> memref<640x128xf32, #tpu.memory_space<vmem_shared>>
      tpu.wait_dma2 semaphore(%run_scoped3A : memref<!tpu.dma_semaphore, #tpu.memory_space<semaphore_mem>>) src(%dma_wait3A_35 : memref<640x128xf32, #tpu.memory_space<vmem_shared>>) dst(%dma_wait3A_33 : memref<640x128xf32, #tpu.memory_space<hbm>>)
      tpu.yield
    }) : () -> ()
    return
  }
}

module attributes {stable_mosaic.version = 14 : i64} {
  func.func @_stage1_body(%arg0: i32, %arg1: memref<1024x128xf32, #tpu.memory_space<vmem>>, %arg2: memref<128x128xf32, #tpu.memory_space<vmem>>, %arg3: memref<2x1024x128xf32, #tpu.memory_space<vmem>>, %arg4: memref<1024x1xf32, #tpu.memory_space<vmem>>, %arg5: memref<1024x128xf32, #tpu.memory_space<vmem>>) attributes {dimension_semantics = [#tpu.dimension_semantics<arbitrary>], iteration_bounds = array<i64: 10>, scalar_prefetch = 0 : i64, scratch_operands = 0 : i64, tpu.core_type = #tpu.core_type<tc>, window_params = [{transform_indices = @transform_0, window_bounds = array<i64: 1024, 128>}, {pipeline_mode = #tpu.pipeline_mode<synchronous>, transform_indices = @transform_1, window_bounds = array<i64: 128, 128>}, {transform_indices = @transform_2, window_bounds = array<i64: 2, 1024, 128>}, {transform_indices = @transform_3, window_bounds = array<i64: 1024, 1>}, {transform_indices = @transform_4, window_bounds = array<i64: 1024, 128>}]} {
    %get3A = arith.constant 0 : index
    %get3A_0 = arith.constant 0 : index
    %get3A_1 = arith.constant 0 : index
    %get3A_2 = vector.load %arg3[%get3A, %get3A_0, %get3A_1] : memref<2x1024x128xf32, #tpu.memory_space<vmem>>, vector<2x1024x128xf32>
    %slice3A = vector.extract_strided_slice %get3A_2 {offsets = [0, 0, 0], sizes = [1, 1024, 1], strides = [1, 1, 1]} : vector<2x1024x128xf32> to vector<1x1024x1xf32>
    %squeeze3A = vector.shape_cast %slice3A : vector<1x1024x1xf32> to vector<1024xf32>
    %slice3A_3 = vector.extract_strided_slice %get3A_2 {offsets = [1, 0, 0], sizes = [1, 1024, 1], strides = [1, 1, 1]} : vector<2x1024x128xf32> to vector<1x1024x1xf32>
    %squeeze3A_4 = vector.shape_cast %slice3A_3 : vector<1x1024x1xf32> to vector<1024xf32>
    %add3A = arith.addf %squeeze3A, %squeeze3A_4 : vector<1024xf32>
    %add3A_5 = arith.constant 1.000000e+00 : f32
    %add3A_6 = vector.broadcast %add3A_5 : f32 to vector<1024xf32>
    %add3A_7 = arith.addf %add3A, %add3A_6 : vector<1024xf32>
    %rsqrt3A = math.rsqrt %add3A_7 : vector<1024xf32>
    %broadcast_in_dim3A = vector.shape_cast %rsqrt3A : vector<1024xf32> to vector<1024x1xf32>
    %swap3A = arith.constant 0 : index
    %swap3A_8 = arith.constant 0 : index
    %swap3A_9 = vector.load %arg4[%swap3A, %swap3A_8] : memref<1024x1xf32, #tpu.memory_space<vmem>>, vector<1024x1xf32>
    tpu.vector_store %arg4[%swap3A, %swap3A_8], %broadcast_in_dim3A {strides = array<i32>} : memref<1024x1xf32, #tpu.memory_space<vmem>>, vector<1024x1xf32>,
    %get3A_10 = arith.constant 0 : index
    %get3A_11 = arith.constant 0 : index
    %get3A_12 = vector.load %arg1[%get3A_10, %get3A_11] : memref<1024x128xf32, #tpu.memory_space<vmem>>, vector<1024x128xf32>
    %get3A_13 = arith.constant 0 : index
    %get3A_14 = arith.constant 0 : index
    %get3A_15 = vector.load %arg2[%get3A_13, %get3A_14] : memref<128x128xf32, #tpu.memory_space<vmem>>, vector<128x128xf32>
    %dot_general3A = arith.constant dense<0.000000e+00> : vector<1024x128xf32>
    %dot_general3A_16 = tpu.matmul %get3A_12, %get3A_15, %dot_general3A {dimension_numbers = #tpu.dot_dimension_numbers<[1], [0], [0], [1], [0, 0, 1, 1], [], []>, transpose_lhs_hint = false} : vector<1024x128xf32>, vector<128x128xf32>, vector<1024x128xf32> -> vector<1024x128xf32>
    %mul3A = vector.broadcast %broadcast_in_dim3A : vector<1024x1xf32> to vector<1024x128xf32>
    %mul3A_17 = arith.mulf %dot_general3A_16, %mul3A : vector<1024x128xf32>
    %swap3A_18 = arith.constant 0 : index
    %swap3A_19 = arith.constant 0 : index
    %swap3A_20 = vector.load %arg5[%swap3A_18, %swap3A_19] : memref<1024x128xf32, #tpu.memory_space<vmem>>, vector<1024x128xf32>
    tpu.vector_store %arg5[%swap3A_18, %swap3A_19], %mul3A_17 {strides = array<i32>} : memref<1024x128xf32, #tpu.memory_space<vmem>>, vector<1024x128xf32>,
    return
  }
  func.func @transform_0(%arg0: i32) -> (i32, i32) {
    %c0_i32 = arith.constant 0 : i32
    %c0_i32_0 = arith.constant 0 : i32
    return %arg0, %c0_i32 : i32, i32
  }
  func.func @transform_1(%arg0: i32) -> (i32, i32) {
    %c0_i32 = arith.constant 0 : i32
    %c0_i32_0 = arith.constant 0 : i32
    %c0_i32_1 = arith.constant 0 : i32
    return %c0_i32, %c0_i32_0 : i32, i32
  }
  func.func @transform_2(%arg0: i32) -> (i32, i32, i32) {
    %c0_i32 = arith.constant 0 : i32
    %c0_i32_0 = arith.constant 0 : i32
    %c0_i32_1 = arith.constant 0 : i32
    return %c0_i32, %arg0, %c0_i32_0 : i32, i32, i32
  }
  func.func @transform_3(%arg0: i32) -> (i32, i32) {
    %c0_i32 = arith.constant 0 : i32
    %c0_i32_0 = arith.constant 0 : i32
    return %arg0, %c0_i32 : i32, i32
  }
  func.func @transform_4(%arg0: i32) -> (i32, i32) {
    %c0_i32 = arith.constant 0 : i32
    %c0_i32_0 = arith.constant 0 : i32
    return %arg0, %c0_i32 : i32, i32
  }
}

module attributes {stable_mosaic.version = 14 : i64} {
  func.func @_mid_body(%arg0: i32, %arg1: memref<2x1024x128xf32, #tpu.memory_space<vmem>>, %arg2: memref<1024x128xf32, #tpu.memory_space<vmem>>, %arg3: memref<1024x1xf32, #tpu.memory_space<vmem>>, %arg4: memref<1x128xf32, #tpu.memory_space<vmem>>, %arg5: memref<128x128xf32, #tpu.memory_space<vmem>>, %arg6: memref<1024x128xf32, #tpu.memory_space<vmem>>) attributes {dimension_semantics = [#tpu.dimension_semantics<arbitrary>], iteration_bounds = array<i64: 10>, scalar_prefetch = 0 : i64, scratch_operands = 0 : i64, tpu.core_type = #tpu.core_type<tc>, window_params = [{transform_indices = @transform_0, window_bounds = array<i64: 2, 1024, 128>}, {transform_indices = @transform_1, window_bounds = array<i64: 1024, 128>}, {transform_indices = @transform_2, window_bounds = array<i64: 1024, 1>}, {pipeline_mode = #tpu.pipeline_mode<synchronous>, transform_indices = @transform_3, window_bounds = array<i64: 1, 128>}, {pipeline_mode = #tpu.pipeline_mode<synchronous>, transform_indices = @transform_4, window_bounds = array<i64: 128, 128>}, {transform_indices = @transform_5, window_bounds = array<i64: 1024, 128>}]} {
    %get3A = arith.constant 0 : index
    %get3A_0 = arith.constant 0 : index
    %get3A_1 = arith.constant 0 : index
    %get3A_2 = vector.load %arg1[%get3A, %get3A_0, %get3A_1] : memref<2x1024x128xf32, #tpu.memory_space<vmem>>, vector<2x1024x128xf32>
    %get3A_3 = arith.constant 0 : index
    %get3A_4 = arith.constant 0 : index
    %get3A_5 = vector.load %arg3[%get3A_3, %get3A_4] : memref<1024x1xf32, #tpu.memory_space<vmem>>, vector<1024x1xf32>
    %slice3A = vector.extract_strided_slice %get3A_2 {offsets = [0, 0, 0], sizes = [1, 1024, 128], strides = [1, 1, 1]} : vector<2x1024x128xf32> to vector<1x1024x128xf32>
    %squeeze3A = vector.shape_cast %slice3A : vector<1x1024x128xf32> to vector<1024x128xf32>
    %slice3A_6 = vector.extract_strided_slice %get3A_2 {offsets = [1, 0, 0], sizes = [1, 1024, 128], strides = [1, 1, 1]} : vector<2x1024x128xf32> to vector<1x1024x128xf32>
    %squeeze3A_7 = vector.shape_cast %slice3A_6 : vector<1x1024x128xf32> to vector<1024x128xf32>
    %add3A = arith.addf %squeeze3A, %squeeze3A_7 : vector<1024x128xf32>
    %get3A_8 = arith.constant 0 : index
    %get3A_9 = arith.constant 0 : index
    %get3A_10 = vector.load %arg2[%get3A_8, %get3A_9] : memref<1024x128xf32, #tpu.memory_space<vmem>>, vector<1024x128xf32>
    %add3A_11 = arith.addf %add3A, %get3A_10 : vector<1024x128xf32>
    %mul3A = vector.broadcast %get3A_5 : vector<1024x1xf32> to vector<1024x128xf32>
    %mul3A_12 = arith.mulf %add3A_11, %mul3A : vector<1024x128xf32>
    %get3A_13 = arith.constant 0 : index
    %get3A_14 = arith.constant 0 : index
    %get3A_15 = vector.load %arg4[%get3A_13, %get3A_14] : memref<1x128xf32, #tpu.memory_space<vmem>>, vector<1x128xf32>
    %add3A_16 = vector.broadcast %get3A_15 : vector<1x128xf32> to vector<1024x128xf32>
    %add3A_17 = arith.addf %mul3A_12, %add3A_16 : vector<1024x128xf32>
    %max3A = arith.constant 0.000000e+00 : f32
    %max3A_18 = vector.broadcast %max3A : f32 to vector<1024x128xf32>
    %max3A_19 = arith.maximumf %add3A_17, %max3A_18 : vector<1024x128xf32>
    %mul3A_20 = arith.constant 1024 : i32
    %mul3A_21 = arith.muli %arg0, %mul3A_20 : i32
    %iota3A = tpu.iota {dimensions = array<i32: 0>} : vector<1024x1xi32>
    %add3A_22 = vector.broadcast %mul3A_21 : i32 to vector<1024x1xi32>
    %add3A_23 = arith.addi %add3A_22, %iota3A : vector<1024x1xi32>
    %lt3A = arith.constant 10000 : i32
    %lt3A_24 = vector.broadcast %lt3A : i32 to vector<1024x1xi32>
    %lt3A_25 = arith.cmpi slt, %add3A_23, %lt3A_24 : vector<1024x1xi32>
    %jit3A = arith.constant 0.000000e+00 : f32
    %broadcast_in_dim3A = vector.shape_cast %lt3A_25 : vector<1024x1xi1> to vector<1024x1xi1>
    %broadcast_in_dim3A_26 = vector.broadcast %broadcast_in_dim3A : vector<1024x1xi1> to vector<1024x128xi1>
    %broadcast_in_dim3A_27 = vector.broadcast %jit3A : f32 to vector<1024x128xf32>
    %select_n3A = arith.select %broadcast_in_dim3A_26, %max3A_19, %broadcast_in_dim3A_27 : vector<1024x128xi1>, vector<1024x128xf32>
    %get3A_28 = arith.constant 0 : index
    %get3A_29 = arith.constant 0 : index
    %get3A_30 = vector.load %arg5[%get3A_28, %get3A_29] : memref<128x128xf32, #tpu.memory_space<vmem>>, vector<128x128xf32>
    %dot_general3A = arith.constant dense<0.000000e+00> : vector<1024x128xf32>
    %dot_general3A_31 = tpu.matmul %select_n3A, %get3A_30, %dot_general3A {dimension_numbers = #tpu.dot_dimension_numbers<[1], [0], [0], [1], [0, 0, 1, 1], [], []>, transpose_lhs_hint = false} : vector<1024x128xf32>, vector<128x128xf32>, vector<1024x128xf32> -> vector<1024x128xf32>
    %mul3A_32 = vector.broadcast %get3A_5 : vector<1024x1xf32> to vector<1024x128xf32>
    %mul3A_33 = arith.mulf %dot_general3A_31, %mul3A_32 : vector<1024x128xf32>
    %swap3A = arith.constant 0 : index
    %swap3A_34 = arith.constant 0 : index
    %swap3A_35 = vector.load %arg6[%swap3A, %swap3A_34] : memref<1024x128xf32, #tpu.memory_space<vmem>>, vector<1024x128xf32>
    tpu.vector_store %arg6[%swap3A, %swap3A_34], %mul3A_33 {strides = array<i32>} : memref<1024x128xf32, #tpu.memory_space<vmem>>, vector<1024x128xf32>,
    return
  }
  func.func @transform_0(%arg0: i32) -> (i32, i32, i32) {
    %c0_i32 = arith.constant 0 : i32
    %c0_i32_0 = arith.constant 0 : i32
    %c0_i32_1 = arith.constant 0 : i32
    return %c0_i32, %arg0, %c0_i32_0 : i32, i32, i32
  }
  func.func @transform_1(%arg0: i32) -> (i32, i32) {
    %c0_i32 = arith.constant 0 : i32
    %c0_i32_0 = arith.constant 0 : i32
    return %arg0, %c0_i32 : i32, i32
  }
  func.func @transform_2(%arg0: i32) -> (i32, i32) {
    %c0_i32 = arith.constant 0 : i32
    %c0_i32_0 = arith.constant 0 : i32
    return %arg0, %c0_i32 : i32, i32
  }
  func.func @transform_3(%arg0: i32) -> (i32, i32) {
    %c0_i32 = arith.constant 0 : i32
    %c0_i32_0 = arith.constant 0 : i32
    %c0_i32_1 = arith.constant 0 : i32
    return %c0_i32, %c0_i32_0 : i32, i32
  }
  func.func @transform_4(%arg0: i32) -> (i32, i32) {
    %c0_i32 = arith.constant 0 : i32
    %c0_i32_0 = arith.constant 0 : i32
    %c0_i32_1 = arith.constant 0 : i32
    return %c0_i32, %c0_i32_0 : i32, i32
  }
  func.func @transform_5(%arg0: i32) -> (i32, i32) {
    %c0_i32 = arith.constant 0 : i32
    %c0_i32_0 = arith.constant 0 : i32
    return %arg0, %c0_i32 : i32, i32
  }
}

module attributes {stable_mosaic.version = 14 : i64} {
  func.func @_final_body(%arg0: i32, %arg1: memref<2x1024x128xf32, #tpu.memory_space<vmem>>, %arg2: memref<1024x128xf32, #tpu.memory_space<vmem>>, %arg3: memref<1024x1xf32, #tpu.memory_space<vmem>>, %arg4: memref<1x128xf32, #tpu.memory_space<vmem>>, %arg5: memref<1024x1xi32, #tpu.memory_space<vmem>>, %arg6: memref<128x8xf32, #tpu.memory_space<vmem>>, %arg7: memref<1x8xf32, #tpu.memory_space<vmem>>, %arg8: memref<64x8xf32, #tpu.memory_space<vmem>>, %arg9: memref<64x128xf32, #tpu.memory_space<vmem>>) attributes {dimension_semantics = [#tpu.dimension_semantics<arbitrary>], iteration_bounds = array<i64: 10>, scalar_prefetch = 0 : i64, scratch_operands = 1 : i64, tpu.core_type = #tpu.core_type<tc>, window_params = [{transform_indices = @transform_0, window_bounds = array<i64: 2, 1024, 128>}, {transform_indices = @transform_1, window_bounds = array<i64: 1024, 128>}, {transform_indices = @transform_2, window_bounds = array<i64: 1024, 1>}, {pipeline_mode = #tpu.pipeline_mode<synchronous>, transform_indices = @transform_3, window_bounds = array<i64: 1, 128>}, {transform_indices = @transform_4, window_bounds = array<i64: 1024, 1>}, {pipeline_mode = #tpu.pipeline_mode<synchronous>, transform_indices = @transform_5, window_bounds = array<i64: 128, 8>}, {pipeline_mode = #tpu.pipeline_mode<synchronous>, transform_indices = @transform_6, window_bounds = array<i64: 1, 8>}, {pipeline_mode = #tpu.pipeline_mode<synchronous>, transform_indices = @transform_7, window_bounds = array<i64: 64, 8>}]} {
    %eq3A = arith.constant 0 : i32
    %eq3A_0 = arith.cmpi eq, %arg0, %eq3A : i32
    %convert_element_type3A = arith.extui %eq3A_0 : i1 to i32
    %cond3A = arith.constant 0 : i32
    %cond3A_1 = arith.cmpi ne, %convert_element_type3A, %cond3A : i32
    scf.if %cond3A_1 {
      %broadcast_in_dim3A = arith.constant 0.000000e+00 : f32
      %broadcast_in_dim3A_42 = vector.broadcast %broadcast_in_dim3A : f32 to vector<64x128xf32>
      %swap3A_43 = arith.constant 0 : index
      %swap3A_44 = arith.constant 0 : index
      %swap3A_45 = vector.load %arg9[%swap3A_43, %swap3A_44] : memref<64x128xf32, #tpu.memory_space<vmem>>, vector<64x128xf32>
      tpu.vector_store %arg9[%swap3A_43, %swap3A_44], %broadcast_in_dim3A_42 {strides = array<i32>} : memref<64x128xf32, #tpu.memory_space<vmem>>, vector<64x128xf32>,
    } else {
    }
    %get3A = arith.constant 0 : index
    %get3A_2 = arith.constant 0 : index
    %get3A_3 = arith.constant 0 : index
    %get3A_4 = vector.load %arg1[%get3A, %get3A_2, %get3A_3] : memref<2x1024x128xf32, #tpu.memory_space<vmem>>, vector<2x1024x128xf32>
    %slice3A = vector.extract_strided_slice %get3A_4 {offsets = [0, 0, 0], sizes = [1, 1024, 128], strides = [1, 1, 1]} : vector<2x1024x128xf32> to vector<1x1024x128xf32>
    %squeeze3A = vector.shape_cast %slice3A : vector<1x1024x128xf32> to vector<1024x128xf32>
    %slice3A_5 = vector.extract_strided_slice %get3A_4 {offsets = [1, 0, 0], sizes = [1, 1024, 128], strides = [1, 1, 1]} : vector<2x1024x128xf32> to vector<1x1024x128xf32>
    %squeeze3A_6 = vector.shape_cast %slice3A_5 : vector<1x1024x128xf32> to vector<1024x128xf32>
    %add3A = arith.addf %squeeze3A, %squeeze3A_6 : vector<1024x128xf32>
    %get3A_7 = arith.constant 0 : index
    %get3A_8 = arith.constant 0 : index
    %get3A_9 = vector.load %arg2[%get3A_7, %get3A_8] : memref<1024x128xf32, #tpu.memory_space<vmem>>, vector<1024x128xf32>
    %add3A_10 = arith.addf %add3A, %get3A_9 : vector<1024x128xf32>
    %get3A_11 = arith.constant 0 : index
    %get3A_12 = arith.constant 0 : index
    %get3A_13 = vector.load %arg3[%get3A_11, %get3A_12] : memref<1024x1xf32, #tpu.memory_space<vmem>>, vector<1024x1xf32>
    %mul3A = vector.broadcast %get3A_13 : vector<1024x1xf32> to vector<1024x128xf32>
    %mul3A_14 = arith.mulf %add3A_10, %mul3A : vector<1024x128xf32>
    %get3A_15 = arith.constant 0 : index
    %get3A_16 = arith.constant 0 : index
    %get3A_17 = vector.load %arg4[%get3A_15, %get3A_16] : memref<1x128xf32, #tpu.memory_space<vmem>>, vector<1x128xf32>
    %add3A_18 = vector.broadcast %get3A_17 : vector<1x128xf32> to vector<1024x128xf32>
    %add3A_19 = arith.addf %mul3A_14, %add3A_18 : vector<1024x128xf32>
    %max3A = arith.constant 0.000000e+00 : f32
    %max3A_20 = vector.broadcast %max3A : f32 to vector<1024x128xf32>
    %max3A_21 = arith.maximumf %add3A_19, %max3A_20 : vector<1024x128xf32>
    %get3A_22 = arith.constant 0 : index
    %get3A_23 = arith.constant 0 : index
    %get3A_24 = vector.load %arg5[%get3A_22, %get3A_23] : memref<1024x1xi32, #tpu.memory_space<vmem>>, vector<1024x1xi32>
    %iota3A = tpu.iota {dimensions = array<i32: 1>} : vector<1x64xi32>
    %eq3A_25 = vector.broadcast %get3A_24 : vector<1024x1xi32> to vector<1024x64xi32>
    %eq3A_26 = vector.broadcast %iota3A : vector<1x64xi32> to vector<1024x64xi32>
    %eq3A_27 = arith.cmpi eq, %eq3A_25, %eq3A_26 : vector<1024x64xi32>
    %convert_element_type3A_28 = arith.extui %eq3A_27 : vector<1024x64xi1> to vector<1024x64xi32>
    %convert_element_type3A_29 = arith.sitofp %convert_element_type3A_28 : vector<1024x64xi32> to vector<1024x64xf32>
    %get3A_30 = arith.constant 0 : index
    %get3A_31 = arith.constant 0 : index
    %get3A_32 = vector.load %arg9[%get3A_30, %get3A_31] : memref<64x128xf32, #tpu.memory_space<vmem>>, vector<64x128xf32>
    %dot_general3A = arith.constant dense<0.000000e+00> : vector<64x128xf32>
    %dot_general3A_33 = tpu.matmul %convert_element_type3A_29, %max3A_21, %dot_general3A {dimension_numbers = #tpu.dot_dimension_numbers<[0], [0], [1], [1], [0, 1, 1, 1], [], []>, transpose_lhs_hint = false} : vector<1024x64xf32>, vector<1024x128xf32>, vector<64x128xf32> -> vector<64x128xf32>
    %add3A_34 = arith.addf %get3A_32, %dot_general3A_33 : vector<64x128xf32>
    %swap3A = arith.constant 0 : index
    %swap3A_35 = arith.constant 0 : index
    %swap3A_36 = vector.load %arg9[%swap3A, %swap3A_35] : memref<64x128xf32, #tpu.memory_space<vmem>>, vector<64x128xf32>
    tpu.vector_store %arg9[%swap3A, %swap3A_35], %add3A_34 {strides = array<i32>} : memref<64x128xf32, #tpu.memory_space<vmem>>, vector<64x128xf32>,
    %eq3A_37 = arith.constant 9 : i32
    %eq3A_38 = arith.cmpi eq, %arg0, %eq3A_37 : i32
    %convert_element_type3A_39 = arith.extui %eq3A_38 : i1 to i32
    %cond3A_40 = arith.constant 0 : i32
    %cond3A_41 = arith.cmpi ne, %convert_element_type3A_39, %cond3A_40 : i32
    scf.if %cond3A_41 {
      %get3A_42 = arith.constant 0 : index
      %get3A_43 = arith.constant 0 : index
      %get3A_44 = vector.load %arg9[%get3A_42, %get3A_43] : memref<64x128xf32, #tpu.memory_space<vmem>>, vector<64x128xf32>
      %get3A_45 = arith.constant 0 : index
      %get3A_46 = arith.constant 0 : index
      %get3A_47 = vector.load %arg6[%get3A_45, %get3A_46] : memref<128x8xf32, #tpu.memory_space<vmem>>, vector<128x8xf32>
      %dot_general3A_48 = arith.constant dense<0.000000e+00> : vector<64x8xf32>
      %dot_general3A_49 = tpu.matmul %get3A_44, %get3A_47, %dot_general3A_48 {dimension_numbers = #tpu.dot_dimension_numbers<[1], [0], [0], [1], [0, 0, 1, 1], [], []>, transpose_lhs_hint = false} : vector<64x128xf32>, vector<128x8xf32>, vector<64x8xf32> -> vector<64x8xf32>
      %get3A_50 = arith.constant 0 : index
      %get3A_51 = arith.constant 0 : index
      %get3A_52 = vector.load %arg7[%get3A_50, %get3A_51] : memref<1x8xf32, #tpu.memory_space<vmem>>, vector<1x8xf32>
      %add3A_53 = vector.broadcast %get3A_52 : vector<1x8xf32> to vector<64x8xf32>
      %add3A_54 = arith.addf %dot_general3A_49, %add3A_53 : vector<64x8xf32>
      %swap3A_55 = arith.constant 0 : index
      %swap3A_56 = arith.constant 0 : index
      %swap3A_57 = vector.load %arg8[%swap3A_55, %swap3A_56] : memref<64x8xf32, #tpu.memory_space<vmem>>, vector<64x8xf32>
      tpu.vector_store %arg8[%swap3A_55, %swap3A_56], %add3A_54 {strides = array<i32>} : memref<64x8xf32, #tpu.memory_space<vmem>>, vector<64x8xf32>,
    } else {
    }
    return
  }
  func.func @transform_0(%arg0: i32) -> (i32, i32, i32) {
    %c0_i32 = arith.constant 0 : i32
    %c0_i32_0 = arith.constant 0 : i32
    %c0_i32_1 = arith.constant 0 : i32
    return %c0_i32, %arg0, %c0_i32_0 : i32, i32, i32
  }
  func.func @transform_1(%arg0: i32) -> (i32, i32) {
    %c0_i32 = arith.constant 0 : i32
    %c0_i32_0 = arith.constant 0 : i32
    return %arg0, %c0_i32 : i32, i32
  }
  func.func @transform_2(%arg0: i32) -> (i32, i32) {
    %c0_i32 = arith.constant 0 : i32
    %c0_i32_0 = arith.constant 0 : i32
    return %arg0, %c0_i32 : i32, i32
  }
  func.func @transform_3(%arg0: i32) -> (i32, i32) {
    %c0_i32 = arith.constant 0 : i32
    %c0_i32_0 = arith.constant 0 : i32
    %c0_i32_1 = arith.constant 0 : i32
    return %c0_i32, %c0_i32_0 : i32, i32
  }
  func.func @transform_4(%arg0: i32) -> (i32, i32) {
    %c0_i32 = arith.constant 0 : i32
    %c0_i32_0 = arith.constant 0 : i32
    return %arg0, %c0_i32 : i32, i32
  }
  func.func @transform_5(%arg0: i32) -> (i32, i32) {
    %c0_i32 = arith.constant 0 : i32
    %c0_i32_0 = arith.constant 0 : i32
    %c0_i32_1 = arith.constant 0 : i32
    return %c0_i32, %c0_i32_0 : i32, i32
  }
  func.func @transform_6(%arg0: i32) -> (i32, i32) {
    %c0_i32 = arith.constant 0 : i32
    %c0_i32_0 = arith.constant 0 : i32
    %c0_i32_1 = arith.constant 0 : i32
    return %c0_i32, %c0_i32_0 : i32, i32
  }
  func.func @transform_7(%arg0: i32) -> (i32, i32) {
    %c0_i32 = arith.constant 0 : i32
    %c0_i32_0 = arith.constant 0 : i32
    %c0_i32_1 = arith.constant 0 : i32
    return %c0_i32, %c0_i32_0 : i32, i32
  }
}

</mosaic_0001>

<sc_bundles>
// kernel: kernel.10.cloned.1.call-start
scs
__scs_entry_jumppad:
0x0: {  	(pc) =	sbr.rel $0x88, $3  }
0x1: {  	(tag) =	ssettag $0x0;
	lr =	simm.s32 $0x1  }
0x2: {  	[smem:$0x3F96] =	sst lr;
	_ =	strace $0xD0000000  }
0x3: {  	_ = 	snop  }
0x4: {  	_ = 	snop  }
0x5: {  	_ = 	snop  }
0x6: {  	_ = 	snop  }
0x7: {  	_ = 	snop  }
__scs_overlays_trampoline_lowered:
0x8: {  	[smem:$0x3FA5] =	sst s0  }
0x9: {  	[smem:$0x3FA6] =	sst s1  }
0xa: {  	[smem:$0x3FA7] =	sst s2  }
0xb: {  	[smem:$0x3FA8] =	sst s3  }
0xc: {  	[smem:$0x3FA9] =	sst s4  }
0xd: {  	[smem:$0x3FAA] =	sst s5  }
0xe: {  	[smem:$0x3FAB] =	sst s6  }
0xf: {  	[smem:$0x3FAC] =	sst s7  }
0x10: {  	[smem:$0x3FAD] =	sst s8  }
0x11: {  	[smem:$0x3FAE] =	sst s9;
	s0 =	simm.s32 @!p0 $0x0  }
0x12: {  	s1 =	sld [smem:$0x3F94];
	s0 =	simm.s32 @p0 $0x1  }
0x13: {  	[smem:$0x3FAF] =	sst s0;
	s0 =	simm.s32 @!p1 $0x0  }
0x14: {  	s2 =	sld [smem:$0x3F93];
	s0 =	simm.s32 @p1 $0x1  }
0x15: {  	[smem:$0x3FB0] =	sst s0;
	s0 =	simm.s32 @!p2 $0x0  }
0x16: {  	s3 =	sld [smem:$0x3FDB];
	s0 =	simm.s32 @p2 $0x1  }
0x17: {  	s4 =	simm.s32 $0x1BF5;
	[smem:$0x3FB2] =	sst s0  }
0x18: {  	s0 =	sld [smem:$0x3F95];
	_ =	swait.ge [sflag:s4], $0x0  }
0x19: {  	s7 =	sld [smem:$0x3F96]  }
0x1a: {  	s8 =	sadd.s32 $0xFFFFE003, lr  }
0x1b: {  	s9 =	sadd.s32 $0xFFFFFEF7, lr;
	s5 =	simm.s32 $0xFFFFFFFF;
	p2 =	slt.u32 s8, $0xFFFFF086  }
0x1c: {  	p1 =	slt.u32 s9, $0xF7A;
	s5 =	simm.s32 @!p2 $0x0  }
0x1d: {  	s5 =	simm.s32 @p1 $0x1;
	p0 =	seq.s32 s7, s2  }
0x1e: {  	s7 =	smul.u32 @!p0 $0xF7A, s2;
	p2 =	seq.s32 @!p0 s5, $0x0  }
0x1f: {  	s9 =	smul.u32 $0xF7A, s1;
	s8 =	simm.s32 @!p0 $0x1BF5;
	p2 =	por !p2, p0  }
0x20: {  	[sflag:s8] =	ssyncset.s32 @!p0 $0xFFFFF086;
	s6 =	sadd.s32 @!p0 s3, s7;
	s7 =	simm.s32 @!p0 $0x108  }
0x21: {  	s3 =	sadd.s32 s3, s9;
	s6 =	sadd.s32 @!p0 $0x88, s6;
	s7 =	simm.s32 @p2 $0x1082  }
0x22: {  	[simem:s7], [sflag:s8] =	dma.local @!p0 [hbm:s6], $0xF7A  }
0x23: {  	s9 =	sor.u32 $0xD0000000, s2;
	s6 =	simm.s32 $0x108;
	_ =	swait.ge @!p0 [sflag:s8], $0x0  }
0x24: {  	s3 =	sadd.s32 $0x88, s3;
	s6 =	simm.s32 @!p1 $0x1082;
	[sflag:s4] =	ssyncset.s32 $0xFFFFF086  }
0x25: {  	[simem:s6], [sflag:s4] =	dma.local [hbm:s3], $0xF7A  }
0x26: {  	[smem:$0x3F96] =	sst s1;
	(tag) =	ssettag s2;
	_ =	strace s9  }
0x27: {  	s1 =	sld [smem:$0x3FA6]  }
0x28: {  	s2 =	sld [smem:$0x3FA7]  }
0x29: {  	s4 =	sld [smem:$0x3FA9]  }
0x2a: {  	p0 =	seq.s32 s5, $0x0;
	s5 =	sld [smem:$0x3FAA]  }
0x2b: {  	s6 =	sld [smem:$0x3FAB]  }
0x2c: {  	s7 =	sld [smem:$0x3FAC]  }
0x2d: {  	s3 =	simm.s32 $0x108;
	s8 =	sld [smem:$0x3FAD]  }
0x2e: {  	s3 =	simm.s32 @!p0 $0x1082;
	s9 =	sld [smem:$0x3FAE]  }
0x2f: {  	lr =	sadd.s32 s0, s3;
	s0 =	sld [smem:$0x3FA5]  }
0x30: {  	s3 =	sld [smem:$0x3FA8]  }
0x31: {  	[smem:$0x3FB1] =	sst s10  }
0x32: {  	s10 =	sld [smem:$0x3FAF];
	_ =	sdelay $0x3  }
0x33: {  	p0 =	seq.s32 s10, $0x1;
	s10 =	sld [smem:$0x3FB1];
	_ =	sdelay $0x3  }
0x34: {  	[smem:$0x3FB1] =	sst s10  }
0x35: {  	s10 =	sld [smem:$0x3FB0];
	_ =	sdelay $0x3  }
0x36: {  	p1 =	seq.s32 s10, $0x1;
	s10 =	sld [smem:$0x3FB1];
	_ =	sdelay $0x3  }
0x37: {  	[smem:$0x3FB1] =	sst s10  }
0x38: {  	s10 =	sld [smem:$0x3FB2]  }
0x39: {  	_ = 	snop;
	(pc) =	sbr.ind lr, $3  }
0x3a: {  	_ = 	snop  }
0x3b: {  	_ = 	snop  }
0x3c: {  	p2 =	seq.s32 s10, $0x1;
	s10 =	sld [smem:$0x3FB1]  }
0x3d: {  	_ =	shalt  }
0x3e: {  	_ =	shalt  }
0x3f: {  	_ =	shalt  }
0x40: {  	_ =	shalt  }
0x41: {  	_ =	shalt  }
0x42: {  	_ =	shalt  }
0x43: {  	_ =	shalt  }
0x44: {  	_ =	shalt  }
0x45: {  	_ =	shalt  }
0x46: {  	_ =	shalt  }
0x47: {  	_ =	shalt  }
0x48: {  	_ =	shalt  }
0x49: {  	_ =	shalt  }
0x4a: {  	_ =	shalt  }
0x4b: {  	_ =	shalt  }
0x4c: {  	_ =	shalt  }
0x4d: {  	_ =	shalt  }
0x4e: {  	_ =	shalt  }
0x4f: {  	_ =	shalt  }
0x50: {  	_ =	shalt  }
0x51: {  	_ =	shalt  }
0x52: {  	_ =	shalt  }
0x53: {  	_ =	shalt  }
0x54: {  	_ =	shalt  }
0x55: {  	_ =	shalt  }
0x56: {  	_ =	shalt  }
0x57: {  	_ =	shalt  }
0x58: {  	_ =	shalt  }
0x59: {  	_ =	shalt  }
0x5a: {  	_ =	shalt  }
0x5b: {  	_ =	shalt  }
0x5c: {  	_ =	shalt  }
0x5d: {  	_ =	shalt  }
0x5e: {  	_ =	shalt  }
0x5f: {  	_ =	shalt  }
0x60: {  	_ =	shalt  }
0x61: {  	_ =	shalt  }
0x62: {  	_ =	shalt  }
0x63: {  	_ =	shalt  }
0x64: {  	_ =	shalt  }
0x65: {  	_ =	shalt  }
0x66: {  	_ =	shalt  }
0x67: {  	_ =	shalt  }
0x68: {  	_ =	shalt  }
0x69: {  	_ =	shalt  }
0x6a: {  	_ =	shalt  }
0x6b: {  	_ =	shalt  }
0x6c: {  	_ =	shalt  }
0x6d: {  	_ =	shalt  }
0x6e: {  	_ =	shalt  }
0x6f: {  	_ =	shalt  }
0x70: {  	_ =	shalt  }
0x71: {  	_ =	shalt  }
0x72: {  	_ =	shalt  }
0x73: {  	_ =	shalt  }
0x74: {  	_ =	shalt  }
0x75: {  	_ =	shalt  }
0x76: {  	_ =	shalt  }
0x77: {  	_ =	shalt  }
0x78: {  	_ =	shalt  }
0x79: {  	_ =	shalt  }
0x7a: {  	_ =	shalt  }
0x7b: {  	_ =	shalt  }
0x7c: {  	_ =	shalt  }
0x7d: {  	_ =	shalt  }
0x7e: {  	_ =	shalt  }
0x7f: {  	_ =	shalt  }
0x80: {  	_ =	shalt  }
0x81: {  	_ =	shalt  }
0x82: {  	_ =	shalt  }
0x83: {  	_ =	shalt  }
0x84: {  	_ =	shalt  }
0x85: {  	_ =	shalt  }
0x86: {  	_ =	shalt  }
0x87: {  	_ =	shalt  }
.Lfunc_end0:
.L_simem_size_0:
called_computation_lowered:
.L_overlay_start_0:
0x88: {  	s2 =	sld [smem:$0x3FD9]  }
0x89: {  	s3 =	sld [smem:$0x3FFE];
	_ =	sdelay $0x1  }
0x8a: {  	s1 =	srdreg.scid  }
0x8b: {  	s0 =	sand.u32 $0x1, s1  }
0x8c: {  	s16 =	sshll.u32 s0, $0xA;
	s2 =	sadd.s32 s3, s2  }
0x8d: {  	s2 =	sadd.s32 s2, s16  }
0x8e: {  	[smem:$0x3FBD] =	sst s2  }
0x8f: {  	_ = 	snop  }
0x90: {  	(tm) =	ssettm $0x1  }
0x91: {  	s17 =	sld [smem:$0x3FFB];
	_ =	sdelay $0x3  }
0x92: {  	_ =	strace s17  }
0x93: {  	s2 =	sld [smem:$0x3FFC];
	_ =	sdelay $0x3  }
0x94: {  	_ =	strace s2  }
0x95: {  	s2 =	sld [smem:$0x3FFD];
	_ =	sdelay $0x3  }
0x96: {  	_ =	strace s2  }
0x97: {  	_ =	strace $0x8FFFFFFF  }
0x98: {  	s18 =	sld [smem:$0x3FDB];
	_ =	sdelay $0x1  }
0x99: {  	s19 =	simm.s32 $_scs_section_size  }
0x9a: {  	s4 =	simm.s32 $_size__tile_overlayer_lowered;
	s5 =	simm.s32 $_tile_overlayer_lowered  }
0x9b: {  	s22 =	simm.s32 $0x1BFF;
	s21 =	sshll.u32 s5, $0x1;
	s2 =	sadd.s32 s19, s18  }
0x9c: {  	s6 =	simm.s32 $0x0;
	s20 =	sshll.u32 s4, $0x1;
	s4 =	sadd.s32 s21, s2  }
0x9d: {  	[timem:s6], [sflag:s22] =	dma.local [hbm:s4], s20  }
0x9e: {  	_ =	swait.ge [sflag:s22], s20  }
0x9f: {  	s3 =	ssub.s32 $0x0, s20;
	[sflag:s22] =	ssyncset.done $0x0  }
0xa0: {  	[sflag:s22] =	ssyncadd.s32 s3;
	_ =	sdelay $0x1  }
0xa1: {  	s23 =	simm.s32 $0x1B8B  }
0xa2: {  	_ =	swait.ge [sflag:s23], $0x1  }
0xa3: {  	[sflag:s23] =	ssyncset.done $0x0  }
0xa4: {  	s25 =	simm.s32 $0x1B8E;
	s24 =	sld [smem:$0x3FFE];
	[sflag:s23] =	ssyncadd.s32 $0xFFFFFFFF  }
0xa5: {  	s26 =	simm.s32 $execute0_lowered;
	[smem:$0x3FD2] =	sst s25  }
0xa6: {  	s4 =	sshll.u32 s26, $0x1;
	_ =	strace $0x80000046;
	[dreg:$0x1] =	wrdreg $0xFFFFFFFF  }
0xa7: {  	s28 =	simm.s32 $_size_execute0_lowered;
	s2 =	sadd.s32 s2, s4;
	[dreg:$0x0] =	wrdreg $0x0  }
0xa8: {  	s4 =	sshll.u32 s28, $0x1;
	[dreg:$0x2] =	wrdreg s2  }
0xa9: {  	[dreg:$0x3] =	wrdreg s4  }
0xaa: {  	[dreg:$0x4] =	wrdreg $0xC0  }
0xab: {  	_ =	task [dreg:s6], $0x5FFFF  }
0xac: {  	[dreg:$0x1] =	wrdreg $0xFFFFFFFF  }
0xad: {  	[dreg:$0x0] =	wrdreg $0x60  }
0xae: {  	[dreg:$0x2] =	wrdreg s24  }
0xaf: {  	[dreg:$0x3] =	wrdreg $0x0  }
0xb0: {  	[dreg:$0x4] =	wrdreg $0x9  }
0xb1: {  	_ =	task.clear_ibuf [dreg:s6], $0x5FFFF;
	_ =	strace $0x90000046  }
0xb2: {  	s29 =	simm.s32 $0x9;
	_ =	strace $0x80000048  }
0xb3: {  	_ =	swait.ge [sflag:s29], $0x1  }
0xb4: {  	[sflag:s29] =	ssyncadd.s32 $0xFFFFFFFF  }
0xb5: {  	_ =	strace $0x90000048  }
0xb6: {  	_ =	sfence  }
0xb7: {  	s30 =	sld [smem:$0x0];
	_ =	sdelay $0x2  }
0xb8: {  	s31 =	sshll.u32 s1, $0xD;
	s1 =	sshrl.u32 s1, $0x2  }
0xb9: {  	s3 =	sand.u32 $0x4000, s31;
	s1 =	sadd.s32 s1, s30  }
0xba: {  	s0 =	sor.u32 s3, s0;
	s1 =	sshll.u32 s1, $0x11  }
0xbb: {  	s0 =	sor.u32 s1, s0  }
0xbc: {  	s0 =	sadd.s32 $0x8F2B, s0  }
0xbd: {  	[sflag:s0] =	ssyncadd.remote.s32 $0x1  }
0xbe: {  	_ =	sfence.sel $0xFFFF  }
0xbf: {  	[dreg:$0x0] =	wrdreg $0xFFFFFFFF;
	(pc) =	sbr.abs _section_cstart, $3  }
0xc0: {  	[dreg:$0x1] =	wrdreg $0xFFFFFFFF  }
0xc1: {  	_ =	task.clear_ibuf [dreg:s6], $0x2FFFF;
	_ =	strace $0x9FFFFFFF  }
0xc2: {  	(tm) =	ssettm $0x7FFFFFFF  }
0xc3: {  	_ =	shalt  }
tec
execute0_lowered:
.L_overlay_start_1:
0x0: {  	(tag) =	ssettag $0x1  }
0x1: {  	s7 =	rddreg [dreg:$0x0]  }
0x2: {  	s0 =	srdreg.scid;
	s2 =	rddreg [dreg:$0x1];
	s3 =	simm.s32 $0x0  }
0x3: {  	s13 =	simm.s32 $0x14000;
	s14 =	simm.s32 $0x80;
	s6 =	sand.u32 $0x1, s0  }
0x4: {  	s15 =	simm.s32 $0x0;
	s0 =	stileid.u32;
	s5 =	smul.u32 $0x140000, s6  }
0x5: {  	[smem:$0x7FF] =	sst s3;
	s1 =	sshll.u32 s6, $0x4;
	s8 =	smul.u32 $0x14000, s0  }
0x6: {  	s10 =	smul.u32 $0x50000, s0;
	s6 =	ssub.s32 $0x2, s6;
	s1 =	sor.u32 s0, s1  }
0x7: {  	s11 =	sshll.u32 s0, $0x6;
	s31 =	sshrl.u32 s6, $0x1;
	s4 =	smul.u32 $0x500, s1  }
0x8: {  	s1 =	rddreg [dreg:$0x2];
	_ =	strace $0x80000047;
	s5 =	sadd.s32 s8, s5  }
0x9: {  	s10 =	sshrl.u32 s10, $0x2;
	s12 =	ssub.s32 s6, s31;
	s6 =	sor.u32 $0x1C01, s11  }
0xa: {  	s11 =	simm.s32 $0x1;
	s8 =	sshrl.u32 s5, $0x3;
	s5 =	sadd.s32 $0xCE00, s7  }
0xb: {  	s10 =	sadd.s32 s10, s2;
	s9 =	sadd.s32 s4, s7;
	s4 =	sadd.s32 $0xF600, s7  }
0xc: {  	s8 =	sadd.s32 s8, s7;
	s10 =	sshrl.u32 s10, $0x3;
	s7 =	sadd.s32 $0x2E00, s9  }
0xd: {  	s8 =	sadd.s32 $0xFE00, s8;
	s9 =	smax.u32 s12, $0x1;
	s12 =	simm.s32 $0x16800  }
.LBB2_1:
0xe: {  	[spmem:s10], [sflag:s6] =	dma.local [hbm:s5], $0x2800  }
0xf: {  	_ =	swait.ge [sflag:s11], $0x2800  }
0x10: {  	[sflag:s11] =	ssyncset.done $0x0  }
0x11: {  	[sflag:s11] =	ssyncadd.s32 $0xFFFFD800  }
0x12: {  	[tilespmem:s12], [sflag:$0x1] =	stream.linear.gather [hbm4b:s4+s3], $0x4000, $0x38;
	[tilespmem:$0x1A800] =	vst v63  }
0x13: {  	_ =	swait.ge [sflag:s11], $0x4000  }
0x14: {  	[sflag:s11] =	ssyncset.done $0x0  }
0x15: {  	[sflag:s11] =	ssyncadd.s32 $0xFFFFC000  }
0x16: {  	[tilespmem:s13], [sflag:$0x1] =	stream.linear.gather [hbm4b:s7+s3], $0x2800, $0x38;
	[tilespmem:$0x1A800] =	vst v63  }
0x17: {  	_ =	swait.ge [sflag:s11], $0x2800  }
0x18: {  	[sflag:s11] =	ssyncset.done $0x0  }
0x19: {  	[sflag:s11] =	ssyncadd.s32 $0xFFFFD800  }
0x1a: {  	s16 =	simm.s32 $0x14000;
	[bflag:$0x0] =	sbarrier.arrive $0xFFFF  }
0x1b: {  	[spmem:s2] =	stream.indirect.scatter.add.f32 [tilespmem:s12], [sflag:$0x1], $0x80, s16, s14, $0xb8;
	[tilespmem:$0x1A800] =	vst v63  }
0x1c: {  	s16 =	simm.s32 $0x200;
	_ =	swait.ge [sflag:s11], $0x4000  }
.LBB2_2:
0x1d: {  	s17 =	sshra.s32 s16, $0x2;
	[sflag:s11] =	ssyncset.done $0x0;
	p0 =	sne.s32 s16, $0x9E00  }
.Ltmp0:
0x1e: {  	s17 =	sadd.s32 $0x14000, s17;
	[sflag:s11] =	ssyncadd.s32 $0xFFFFC000;
	(pc) =	sbr.rel @p0 .LBB2_2-.Ltmp0, $3  }
0x1f: {  	[spmem:s2] =	stream.indirect.scatter.add.f32 [tilespmem:s12], [sflag:$0x1], $0x80, s17, s14, $0xb8;
	[tilespmem:$0x1A800] =	vst v63  }
0x20: {  	s16 =	sadd.s32 $0x200, s16;
	_ =	sdelay $0x1  }
0x21: {  	_ =	swait.ge [sflag:s11], $0x4000  }
0x22: {  	[sflag:s11] =	ssyncset.done $0x0;
	s15 =	sadd.s32 $0x1, s15  }
0x23: {  	[sflag:s11] =	ssyncadd.s32 $0xFFFFC000;
	p0 =	sne.s32 s15, s9  }
.Ltmp1:
0x24: {  	[bflag:$0x0] =	sbarrier.arrive $0xFFFF;
	(pc) =	sbr.rel @p0 .LBB2_1-.Ltmp1, $4  }
0x25: {  	[hbm:s8], [sflag:s6] =	dma.local [spmem:s10], $0x2800  }
0x26: {  	_ =	swait.ge [sflag:s11], $0x2800  }
0x27: {  	[sflag:s11] =	ssyncset.done $0x0  }
0x28: {  	[sflag:s11] =	ssyncadd.s32 $0xFFFFD800  }
0x29: {  	_ =	sfence.sel $0x180000  }
0x2a: {  	[bflag:$0x0] =	sbarrier.arrive $0xFFFF  }
0x2b: {  	p0 =	sne.s32 s0, $0x0;
	_ =	strace $0x90000047  }
0x2c: {  	s0 =	sadd.s32 @!p0 $0x100000, s1;
	[bflag:$0x2] =	sbarrier.arrive $0xFFFF  }
0x2d: {  	[sflag:s0] =	ssyncadd.tile.s32 @!p0 $0x1;
	_ =	shalt  }
.Lfunc_end2:
_tile_overlayer_lowered:
.L_overlay_start_2:
0x2e: {  	(tag) =	ssettag $0x2  }
0x2f: {  	s0 =	rddreg [dreg:$0x0];
	s2 =	stileid.u32  }
0x30: {  	s1 =	rddreg [dreg:$0x1];
	p0 =	sne.s32 s2, $0x0  }
0x31: {  	s3 =	rddreg [dreg:$0x2];
	[bflag:$0x3] =	sbarrier.arrive $0xFFFF;
	s2 =	simm.s32 @!p0 $0x1C01  }
0x32: {  	[timem:s3], [sflag:s2] =	dma.local @!p0 [hbm:s0], s1  }
0x33: {  	s0 =	simm.s32 @!p0 $0x1  }
0x34: {  	_ =	swait.ge @!p0 [sflag:s0], s1  }
0x35: {  	s1 =	ssub.s32 @!p0 $0x0, s1;
	[sflag:s0] =	ssyncset.done @!p0 $0x0  }
0x36: {  	[sflag:s0] =	ssyncadd.s32 @!p0 s1  }
0x37: {  	[bflag:$0x3] =	sbarrier.arrive $0xFFFF  }
0x38: {  	_ =	shalt  }

// kernel: kernel.13.cloned.1.call-start
scs
__scs_entry_jumppad:
0x0: {  	(pc) =	sbr.rel $0x88, $3  }
0x1: {  	(tag) =	ssettag $0x0;
	lr =	simm.s32 $0x1  }
0x2: {  	[smem:$0x3F96] =	sst lr;
	_ =	strace $0xD0000000  }
0x3: {  	_ = 	snop  }
0x4: {  	_ = 	snop  }
0x5: {  	_ = 	snop  }
0x6: {  	_ = 	snop  }
0x7: {  	_ = 	snop  }
__scs_overlays_trampoline_lowered:
0x8: {  	[smem:$0x3FA5] =	sst s0  }
0x9: {  	[smem:$0x3FA6] =	sst s1  }
0xa: {  	[smem:$0x3FA7] =	sst s2  }
0xb: {  	[smem:$0x3FA8] =	sst s3  }
0xc: {  	[smem:$0x3FA9] =	sst s4  }
0xd: {  	[smem:$0x3FAA] =	sst s5  }
0xe: {  	[smem:$0x3FAB] =	sst s6  }
0xf: {  	[smem:$0x3FAC] =	sst s7  }
0x10: {  	[smem:$0x3FAD] =	sst s8  }
0x11: {  	[smem:$0x3FAE] =	sst s9;
	s0 =	simm.s32 @!p0 $0x0  }
0x12: {  	s1 =	sld [smem:$0x3F94];
	s0 =	simm.s32 @p0 $0x1  }
0x13: {  	[smem:$0x3FAF] =	sst s0;
	s0 =	simm.s32 @!p1 $0x0  }
0x14: {  	s2 =	sld [smem:$0x3F93];
	s0 =	simm.s32 @p1 $0x1  }
0x15: {  	[smem:$0x3FB0] =	sst s0;
	s0 =	simm.s32 @!p2 $0x0  }
0x16: {  	s3 =	sld [smem:$0x3FDB];
	s0 =	simm.s32 @p2 $0x1  }
0x17: {  	s4 =	simm.s32 $0x1BF5;
	[smem:$0x3FB2] =	sst s0  }
0x18: {  	s0 =	sld [smem:$0x3F95];
	_ =	swait.ge [sflag:s4], $0x0  }
0x19: {  	s7 =	sld [smem:$0x3F96]  }
0x1a: {  	s8 =	sadd.s32 $0xFFFFE003, lr  }
0x1b: {  	s9 =	sadd.s32 $0xFFFFFEF7, lr;
	s5 =	simm.s32 $0xFFFFFFFF;
	p2 =	slt.u32 s8, $0xFFFFF086  }
0x1c: {  	p1 =	slt.u32 s9, $0xF7A;
	s5 =	simm.s32 @!p2 $0x0  }
0x1d: {  	s5 =	simm.s32 @p1 $0x1;
	p0 =	seq.s32 s7, s2  }
0x1e: {  	s7 =	smul.u32 @!p0 $0xF7A, s2;
	p2 =	seq.s32 @!p0 s5, $0x0  }
0x1f: {  	s9 =	smul.u32 $0xF7A, s1;
	s8 =	simm.s32 @!p0 $0x1BF5;
	p2 =	por !p2, p0  }
0x20: {  	[sflag:s8] =	ssyncset.s32 @!p0 $0xFFFFF086;
	s6 =	sadd.s32 @!p0 s3, s7;
	s7 =	simm.s32 @!p0 $0x108  }
0x21: {  	s3 =	sadd.s32 s3, s9;
	s6 =	sadd.s32 @!p0 $0x88, s6;
	s7 =	simm.s32 @p2 $0x1082  }
0x22: {  	[simem:s7], [sflag:s8] =	dma.local @!p0 [hbm:s6], $0xF7A  }
0x23: {  	s9 =	sor.u32 $0xD0000000, s2;
	s6 =	simm.s32 $0x108;
	_ =	swait.ge @!p0 [sflag:s8], $0x0  }
0x24: {  	s3 =	sadd.s32 $0x88, s3;
	s6 =	simm.s32 @!p1 $0x1082;
	[sflag:s4] =	ssyncset.s32 $0xFFFFF086  }
0x25: {  	[simem:s6], [sflag:s4] =	dma.local [hbm:s3], $0xF7A  }
0x26: {  	[smem:$0x3F96] =	sst s1;
	(tag) =	ssettag s2;
	_ =	strace s9  }
0x27: {  	s1 =	sld [smem:$0x3FA6]  }
0x28: {  	s2 =	sld [smem:$0x3FA7]  }
0x29: {  	s4 =	sld [smem:$0x3FA9]  }
0x2a: {  	p0 =	seq.s32 s5, $0x0;
	s5 =	sld [smem:$0x3FAA]  }
0x2b: {  	s6 =	sld [smem:$0x3FAB]  }
0x2c: {  	s7 =	sld [smem:$0x3FAC]  }
0x2d: {  	s3 =	simm.s32 $0x108;
	s8 =	sld [smem:$0x3FAD]  }
0x2e: {  	s3 =	simm.s32 @!p0 $0x1082;
	s9 =	sld [smem:$0x3FAE]  }
0x2f: {  	lr =	sadd.s32 s0, s3;
	s0 =	sld [smem:$0x3FA5]  }
0x30: {  	s3 =	sld [smem:$0x3FA8]  }
0x31: {  	[smem:$0x3FB1] =	sst s10  }
0x32: {  	s10 =	sld [smem:$0x3FAF];
	_ =	sdelay $0x3  }
0x33: {  	p0 =	seq.s32 s10, $0x1;
	s10 =	sld [smem:$0x3FB1];
	_ =	sdelay $0x3  }
0x34: {  	[smem:$0x3FB1] =	sst s10  }
0x35: {  	s10 =	sld [smem:$0x3FB0];
	_ =	sdelay $0x3  }
0x36: {  	p1 =	seq.s32 s10, $0x1;
	s10 =	sld [smem:$0x3FB1];
	_ =	sdelay $0x3  }
0x37: {  	[smem:$0x3FB1] =	sst s10  }
0x38: {  	s10 =	sld [smem:$0x3FB2]  }
0x39: {  	_ = 	snop;
	(pc) =	sbr.ind lr, $3  }
0x3a: {  	_ = 	snop  }
0x3b: {  	_ = 	snop  }
0x3c: {  	p2 =	seq.s32 s10, $0x1;
	s10 =	sld [smem:$0x3FB1]  }
0x3d: {  	_ =	shalt  }
0x3e: {  	_ =	shalt  }
0x3f: {  	_ =	shalt  }
0x40: {  	_ =	shalt  }
0x41: {  	_ =	shalt  }
0x42: {  	_ =	shalt  }
0x43: {  	_ =	shalt  }
0x44: {  	_ =	shalt  }
0x45: {  	_ =	shalt  }
0x46: {  	_ =	shalt  }
0x47: {  	_ =	shalt  }
0x48: {  	_ =	shalt  }
0x49: {  	_ =	shalt  }
0x4a: {  	_ =	shalt  }
0x4b: {  	_ =	shalt  }
0x4c: {  	_ =	shalt  }
0x4d: {  	_ =	shalt  }
0x4e: {  	_ =	shalt  }
0x4f: {  	_ =	shalt  }
0x50: {  	_ =	shalt  }
0x51: {  	_ =	shalt  }
0x52: {  	_ =	shalt  }
0x53: {  	_ =	shalt  }
0x54: {  	_ =	shalt  }
0x55: {  	_ =	shalt  }
0x56: {  	_ =	shalt  }
0x57: {  	_ =	shalt  }
0x58: {  	_ =	shalt  }
0x59: {  	_ =	shalt  }
0x5a: {  	_ =	shalt  }
0x5b: {  	_ =	shalt  }
0x5c: {  	_ =	shalt  }
0x5d: {  	_ =	shalt  }
0x5e: {  	_ =	shalt  }
0x5f: {  	_ =	shalt  }
0x60: {  	_ =	shalt  }
0x61: {  	_ =	shalt  }
0x62: {  	_ =	shalt  }
0x63: {  	_ =	shalt  }
0x64: {  	_ =	shalt  }
0x65: {  	_ =	shalt  }
0x66: {  	_ =	shalt  }
0x67: {  	_ =	shalt  }
0x68: {  	_ =	shalt  }
0x69: {  	_ =	shalt  }
0x6a: {  	_ =	shalt  }
0x6b: {  	_ =	shalt  }
0x6c: {  	_ =	shalt  }
0x6d: {  	_ =	shalt  }
0x6e: {  	_ =	shalt  }
0x6f: {  	_ =	shalt  }
0x70: {  	_ =	shalt  }
0x71: {  	_ =	shalt  }
0x72: {  	_ =	shalt  }
0x73: {  	_ =	shalt  }
0x74: {  	_ =	shalt  }
0x75: {  	_ =	shalt  }
0x76: {  	_ =	shalt  }
0x77: {  	_ =	shalt  }
0x78: {  	_ =	shalt  }
0x79: {  	_ =	shalt  }
0x7a: {  	_ =	shalt  }
0x7b: {  	_ =	shalt  }
0x7c: {  	_ =	shalt  }
0x7d: {  	_ =	shalt  }
0x7e: {  	_ =	shalt  }
0x7f: {  	_ =	shalt  }
0x80: {  	_ =	shalt  }
0x81: {  	_ =	shalt  }
0x82: {  	_ =	shalt  }
0x83: {  	_ =	shalt  }
0x84: {  	_ =	shalt  }
0x85: {  	_ =	shalt  }
0x86: {  	_ =	shalt  }
0x87: {  	_ =	shalt  }
.Lfunc_end0:
.L_simem_size_0:
called_computation.1_lowered:
.L_overlay_start_0:
0x88: {  	s2 =	sld [smem:$0x3FD9]  }
0x89: {  	s3 =	sld [smem:$0x3FFE];
	_ =	sdelay $0x1  }
0x8a: {  	s1 =	srdreg.scid  }
0x8b: {  	s0 =	sand.u32 $0x1, s1  }
0x8c: {  	s16 =	sshll.u32 s0, $0xA;
	s2 =	sadd.s32 s3, s2  }
0x8d: {  	s2 =	sadd.s32 s2, s16  }
0x8e: {  	[smem:$0x3FBD] =	sst s2  }
0x8f: {  	_ = 	snop  }
0x90: {  	(tm) =	ssettm $0x1  }
0x91: {  	s17 =	sld [smem:$0x3FFB];
	_ =	sdelay $0x3  }
0x92: {  	_ =	strace s17  }
0x93: {  	s2 =	sld [smem:$0x3FFC];
	_ =	sdelay $0x3  }
0x94: {  	_ =	strace s2  }
0x95: {  	s2 =	sld [smem:$0x3FFD];
	_ =	sdelay $0x3  }
0x96: {  	_ =	strace s2  }
0x97: {  	_ =	strace $0x8FFFFFFF  }
0x98: {  	s18 =	sld [smem:$0x3FDB];
	_ =	sdelay $0x1  }
0x99: {  	s19 =	simm.s32 $_scs_section_size  }
0x9a: {  	s4 =	simm.s32 $_size__tile_overlayer_lowered;
	s5 =	simm.s32 $_tile_overlayer_lowered  }
0x9b: {  	s22 =	simm.s32 $0x1BFF;
	s21 =	sshll.u32 s5, $0x1;
	s2 =	sadd.s32 s19, s18  }
0x9c: {  	s6 =	simm.s32 $0x0;
	s20 =	sshll.u32 s4, $0x1;
	s4 =	sadd.s32 s21, s2  }
0x9d: {  	[timem:s6], [sflag:s22] =	dma.local [hbm:s4], s20  }
0x9e: {  	_ =	swait.ge [sflag:s22], s20  }
0x9f: {  	s3 =	ssub.s32 $0x0, s20;
	[sflag:s22] =	ssyncset.done $0x0  }
0xa0: {  	[sflag:s22] =	ssyncadd.s32 s3;
	_ =	sdelay $0x1  }
0xa1: {  	s23 =	simm.s32 $0x1B8B  }
0xa2: {  	_ =	swait.ge [sflag:s23], $0x1  }
0xa3: {  	[sflag:s23] =	ssyncset.done $0x0  }
0xa4: {  	s25 =	simm.s32 $0x1B8E;
	s24 =	sld [smem:$0x3FFE];
	[sflag:s23] =	ssyncadd.s32 $0xFFFFFFFF  }
0xa5: {  	s26 =	simm.s32 $execute0_lowered;
	[smem:$0x3FD2] =	sst s25  }
0xa6: {  	s4 =	sshll.u32 s26, $0x1;
	_ =	strace $0x80000049;
	[dreg:$0x1] =	wrdreg $0xFFFFFFFF  }
0xa7: {  	s28 =	simm.s32 $_size_execute0_lowered;
	s2 =	sadd.s32 s2, s4;
	[dreg:$0x0] =	wrdreg $0x0  }
0xa8: {  	s4 =	sshll.u32 s28, $0x1;
	[dreg:$0x2] =	wrdreg s2  }
0xa9: {  	[dreg:$0x3] =	wrdreg s4  }
0xaa: {  	[dreg:$0x4] =	wrdreg $0xC0  }
0xab: {  	_ =	task [dreg:s6], $0x5FFFF  }
0xac: {  	[dreg:$0x1] =	wrdreg $0xFFFFFFFF  }
0xad: {  	[dreg:$0x0] =	wrdreg $0x60  }
0xae: {  	[dreg:$0x2] =	wrdreg s24  }
0xaf: {  	[dreg:$0x3] =	wrdreg $0x0  }
0xb0: {  	[dreg:$0x4] =	wrdreg $0x9  }
0xb1: {  	_ =	task.clear_ibuf [dreg:s6], $0x5FFFF;
	_ =	strace $0x90000049  }
0xb2: {  	s29 =	simm.s32 $0x9;
	_ =	strace $0x8000004B  }
0xb3: {  	_ =	swait.ge [sflag:s29], $0x1  }
0xb4: {  	[sflag:s29] =	ssyncadd.s32 $0xFFFFFFFF  }
0xb5: {  	_ =	strace $0x9000004B  }
0xb6: {  	_ =	sfence  }
0xb7: {  	s30 =	sld [smem:$0x0];
	_ =	sdelay $0x2  }
0xb8: {  	s31 =	sshll.u32 s1, $0xD;
	s1 =	sshrl.u32 s1, $0x2  }
0xb9: {  	s3 =	sand.u32 $0x4000, s31;
	s1 =	sadd.s32 s1, s30  }
0xba: {  	s0 =	sor.u32 s3, s0;
	s1 =	sshll.u32 s1, $0x11  }
0xbb: {  	s0 =	sor.u32 s1, s0  }
0xbc: {  	s0 =	sadd.s32 $0x8F2B, s0  }
0xbd: {  	[sflag:s0] =	ssyncadd.remote.s32 $0x1  }
0xbe: {  	_ =	sfence.sel $0xFFFF  }
0xbf: {  	[dreg:$0x0] =	wrdreg $0xFFFFFFFF;
	(pc) =	sbr.abs _section_cstart, $3  }
0xc0: {  	[dreg:$0x1] =	wrdreg $0xFFFFFFFF  }
0xc1: {  	_ =	task.clear_ibuf [dreg:s6], $0x2FFFF;
	_ =	strace $0x9FFFFFFF  }
0xc2: {  	(tm) =	ssettm $0x7FFFFFFF  }
0xc3: {  	_ =	shalt  }
tec
execute0_lowered:
.L_overlay_start_1:
0x0: {  	(tag) =	ssettag $0x1  }
0x1: {  	s6 =	rddreg [dreg:$0x0]  }
0x2: {  	s1 =	rddreg [dreg:$0x1]  }
0x3: {  	s2 =	srdreg.scid;
	s0 =	rddreg [dreg:$0x2]  }
0x4: {  	s3 =	simm.s32 $0x0;
	s16 =	simm.s32 $0x15400;
	s17 =	simm.s32 $0x80  }
0x5: {  	s18 =	simm.s32 $0x16800;
	s19 =	simm.s32 $0x1;
	s20 =	simm.s32 $0x1A800  }
0x6: {  	s21 =	simm.s32 $0x2;
	s22 =	simm.s32 $0x15380;
	s23 =	simm.s32 $0x16700  }
0x7: {  	s7 =	sand.u32 $0x1, s2;
	s2 =	stileid.u32;
	[smem:$0x7FF] =	sst s3  }
0x8: {  	s4 =	sadd.s32 $0xF600, s6;
	s11 =	sadd.s32 $0x5FE00, s6;
	s8 =	smul.u32 $0x140000, s7  }
0x9: {  	s12 =	sadd.s32 $0x2E00, s6;
	s5 =	sadd.s32 $0xCE00, s6;
	s9 =	smul.u32 $0x14000, s2  }
0xa: {  	_ =	strace $0x8000004A;
	s24 =	ssub.s32 $0x2, s7;
	s10 =	smul.u32 $0x50000, s2  }
0xb: {  	s25 =	ssub.s32 $0x0, s7;
	s29 =	smul.u32 $0x5000, s2;
	s30 =	sshll.u32 s2, $0x6  }
0xc: {  	s26 =	sshrl.u32 s24, $0x1;
	s14 =	sand.u32 $0x2800, s25;
	s25 =	simm.s32 $0x0  }
0xd: {  	s8 =	sadd.s32 s9, s8;
	s9 =	ssub.s32 s24, s26;
	s28 =	sshrl.u32 s10, $0x2  }
0xe: {  	s10 =	sadd.s32 s29, s14;
	s24 =	simm.s32 $0x16780;
	s8 =	sshrl.u32 s8, $0x3  }
0xf: {  	s13 =	sadd.s32 s28, s1;
	s14 =	sshrl.u32 s10, $0x3;
	s15 =	sadd.s32 $0x1400, s10  }
0x10: {  	s8 =	sadd.s32 s8, s6;
	s6 =	sor.u32 $0x1C03, s30;
	s10 =	sadd.s32 s12, s14  }
0x11: {  	s31 =	sshrl.u32 s15, $0x3;
	s13 =	sshrl.u32 s13, $0x3;
	s15 =	simm.s32 $0x14000  }
0x12: {  	s7 =	sadd.s32 $0x69E00, s8;
	s8 =	smax.u32 s9, $0x1;
	s9 =	sadd.s32 s11, s14  }
0x13: {  	s11 =	sadd.s32 s11, s31;
	s12 =	sadd.s32 s12, s31;
	s14 =	simm.s32 $0x3  }
.LBB2_1:
0x14: {  	[spmem:s13], [sflag:s6] =	dma.local [hbm:s5], $0x2800  }
0x15: {  	_ =	swait.ge [sflag:s14], $0x2800  }
0x16: {  	[sflag:s14] =	ssyncset.done $0x0  }
0x17: {  	[sflag:s14] =	ssyncadd.s32 $0xFFFFD800  }
0x18: {  	[bflag:$0x0] =	sbarrier.arrive $0xFFFF  }
0x19: {  	[tilespmem:s15], [sflag:$0x3] =	stream.linear.gather [hbm4b:s9+s3], $0x1400, $0x38;
	[tilespmem:$0x1E800] =	vst v63  }
0x1a: {  	_ =	swait.ge [sflag:s14], $0x1400  }
0x1b: {  	[sflag:s14] =	ssyncset.done $0x0  }
0x1c: {  	[sflag:s14] =	ssyncadd.s32 $0xFFFFEC00  }
0x1d: {  	[tilespmem:s16], [sflag:$0x3] =	stream.linear.gather [hbm4b:s10+s3], $0x1400, $0x38;
	[tilespmem:$0x1E800] =	vst v63  }
0x1e: {  	_ =	swait.ge [sflag:s14], $0x1400  }
0x1f: {  	[sflag:s14] =	ssyncset.done $0x0  }
0x20: {  	[sflag:s14] =	ssyncadd.s32 $0xFFFFEC00  }
0x21: {  	[tilespmem:s18], [sflag:$0x1] =	stream.indirect.gather [hbm4b:s4+s17], $0x80, s15, s17, $0xb8;
	[tilespmem:$0x1E800] =	vst v63  }
0x22: {  	_ =	swait.ge [sflag:s19], $0x4000  }
0x23: {  	[sflag:s19] =	ssyncset.done $0x0  }
0x24: {  	s26 =	simm.s32 $0x14080;
	[sflag:s19] =	ssyncadd.s32 $0xFFFFC000  }
0x25: {  	[tilespmem:s20], [sflag:$0x2] =	stream.indirect.gather [hbm4b:s4+s17], $0x80, s26, s17, $0xb8;
	[tilespmem:$0x1E800] =	vst v63  }
0x26: {  	s29 =	simm.s32 $0x15400  }
0x27: {  	[spmem:s1] =	stream.indirect.scatter.add.f32 [tilespmem:s18], [sflag:$0x3], $0x80, s29, s17, $0xb8;
	[tilespmem:$0x1E800] =	vst v63  }
0x28: {  	_ =	swait.ge [sflag:s14], $0x4000  }
0x29: {  	[sflag:s14] =	ssyncset.done $0x0  }
0x2a: {  	[sflag:s14] =	ssyncadd.s32 $0xFFFFC000  }
0x2b: {  	_ =	swait.ge [sflag:s21], $0x4000  }
0x2c: {  	[sflag:s21] =	ssyncset.done $0x0  }
0x2d: {  	s30 =	simm.s32 $0x14100;
	[sflag:s21] =	ssyncadd.s32 $0xFFFFC000  }
0x2e: {  	[tilespmem:s18], [sflag:$0x1] =	stream.indirect.gather [hbm4b:s4+s17], $0x80, s30, s17, $0xb8;
	[tilespmem:$0x1E800] =	vst v63  }
0x2f: {  	s31 =	simm.s32 $0x15480  }
0x30: {  	[spmem:s1] =	stream.indirect.scatter.add.f32 [tilespmem:s20], [sflag:$0x3], $0x80, s31, s17, $0xb8;
	[tilespmem:$0x1E800] =	vst v63  }
0x31: {  	_ =	swait.ge [sflag:s14], $0x4000  }
0x32: {  	[sflag:s14] =	ssyncset.done $0x0  }
0x33: {  	[sflag:s14] =	ssyncadd.s32 $0xFFFFC000  }
0x34: {  	_ =	swait.ge [sflag:s19], $0x4000  }
0x35: {  	s28 =	simm.s32 $0x800;
	s26 =	simm.s32 $0x100;
	[sflag:s19] =	ssyncset.done $0x0  }
.LBB2_2:
0x36: {  	s29 =	sadd.s32 $0x14080, s26  }
0x37: {  	[sflag:s19] =	ssyncadd.s32 $0xFFFFC000;
	s30 =	smov.u32 s28;
	s31 =	sadd.s32 $0x400, s28  }
0x38: {  	[tilespmem:s20], [sflag:$0x2] =	stream.indirect.gather [hbm4b:s4+s17], $0x80, s29, s17, $0xb8;
	[tilespmem:$0x1E800] =	vst v63  }
0x39: {  	p0 =	sne.s32 s28, $0x4800;
	s28 =	sadd.s32 $0x15400, s26  }
0x3a: {  	[spmem:s1] =	stream.indirect.scatter.add.f32 [tilespmem:s18], [sflag:$0x3], $0x80, s28, s17, $0xb8;
	[tilespmem:$0x1E800] =	vst v63  }
0x3b: {  	_ =	swait.ge [sflag:s14], $0x4000  }
0x3c: {  	[sflag:s14] =	ssyncset.done $0x0  }
0x3d: {  	[sflag:s14] =	ssyncadd.s32 $0xFFFFC000  }
0x3e: {  	_ =	swait.ge [sflag:s21], $0x4000  }
0x3f: {  	[sflag:s21] =	ssyncset.done $0x0  }
0x40: {  	s28 =	sadd.s32 $0x14100, s26;
	[sflag:s21] =	ssyncadd.s32 $0xFFFFC000  }
0x41: {  	[tilespmem:s18], [sflag:$0x1] =	stream.indirect.gather [hbm4b:s4+s17], $0x80, s28, s17, $0xb8;
	[tilespmem:$0x1E800] =	vst v63  }
0x42: {  	s26 =	sadd.s32 $0x15480, s26  }
0x43: {  	[spmem:s1] =	stream.indirect.scatter.add.f32 [tilespmem:s20], [sflag:$0x3], $0x80, s26, s17, $0xb8;
	[tilespmem:$0x1E800] =	vst v63  }
.Ltmp0:
0x44: {  	_ =	swait.ge [sflag:s14], $0x4000;
	(pc) =	sbr.rel @p0 .LBB2_2-.Ltmp0, $4  }
0x45: {  	[sflag:s14] =	ssyncset.done $0x0  }
0x46: {  	[sflag:s14] =	ssyncadd.s32 $0xFFFFC000  }
0x47: {  	_ =	swait.ge [sflag:s19], $0x4000  }
0x48: {  	s28 =	smov.u32 s31;
	s26 =	sshra.s32 s30, $0x2;
	[sflag:s19] =	ssyncset.done $0x0  }
0x49: {  	s28 =	sadd.s32 $0x14080, s26;
	[sflag:s19] =	ssyncadd.s32 $0xFFFFC000  }
0x4a: {  	[tilespmem:s20], [sflag:$0x2] =	stream.indirect.gather [hbm4b:s4+s17], $0x80, s28, s17, $0xb8;
	[tilespmem:$0x1E800] =	vst v63  }
0x4b: {  	s28 =	sadd.s32 $0x15400, s26  }
0x4c: {  	[spmem:s1] =	stream.indirect.scatter.add.f32 [tilespmem:s18], [sflag:$0x3], $0x80, s28, s17, $0xb8;
	[tilespmem:$0x1E800] =	vst v63  }
0x4d: {  	_ =	swait.ge [sflag:s14], $0x4000  }
0x4e: {  	[sflag:s14] =	ssyncset.done $0x0  }
0x4f: {  	[sflag:s14] =	ssyncadd.s32 $0xFFFFC000  }
0x50: {  	_ =	swait.ge [sflag:s21], $0x4000  }
0x51: {  	[sflag:s21] =	ssyncset.done $0x0  }
0x52: {  	s28 =	sadd.s32 $0x14100, s26;
	[sflag:s21] =	ssyncadd.s32 $0xFFFFC000  }
0x53: {  	[tilespmem:s18], [sflag:$0x1] =	stream.indirect.gather [hbm4b:s4+s17], $0x80, s28, s17, $0xb8;
	[tilespmem:$0x1E800] =	vst v63  }
0x54: {  	s29 =	sadd.s32 $0x15480, s26  }
0x55: {  	[spmem:s1] =	stream.indirect.scatter.add.f32 [tilespmem:s20], [sflag:$0x3], $0x80, s29, s17, $0xb8;
	[tilespmem:$0x1E800] =	vst v63  }
0x56: {  	_ =	swait.ge [sflag:s14], $0x4000  }
0x57: {  	[sflag:s14] =	ssyncset.done $0x0  }
0x58: {  	[sflag:s14] =	ssyncadd.s32 $0xFFFFC000  }
0x59: {  	_ =	swait.ge [sflag:s19], $0x4000  }
0x5a: {  	[sflag:s19] =	ssyncset.done $0x0  }
0x5b: {  	[sflag:s19] =	ssyncadd.s32 $0xFFFFC000  }
0x5c: {  	[tilespmem:s20], [sflag:$0x2] =	stream.indirect.gather [hbm4b:s4+s17], $0x80, s22, s17, $0xb8;
	[tilespmem:$0x1E800] =	vst v63  }
0x5d: {  	_ = 	snop  }
0x5e: {  	[spmem:s1] =	stream.indirect.scatter.add.f32 [tilespmem:s18], [sflag:$0x3], $0x80, s23, s17, $0xb8;
	[tilespmem:$0x1E800] =	vst v63  }
0x5f: {  	_ =	swait.ge [sflag:s14], $0x4000  }
0x60: {  	[sflag:s14] =	ssyncset.done $0x0  }
0x61: {  	[sflag:s14] =	ssyncadd.s32 $0xFFFFC000  }
0x62: {  	_ =	swait.ge [sflag:s21], $0x4000  }
0x63: {  	[sflag:s21] =	ssyncset.done $0x0  }
0x64: {  	[sflag:s21] =	ssyncadd.s32 $0xFFFFC000  }
0x65: {  	[spmem:s1] =	stream.indirect.scatter.add.f32 [tilespmem:s20], [sflag:$0x3], $0x80, s24, s17, $0xb8;
	[tilespmem:$0x1E800] =	vst v63  }
0x66: {  	_ =	swait.ge [sflag:s14], $0x4000  }
0x67: {  	[sflag:s14] =	ssyncset.done $0x0  }
0x68: {  	s30 =	simm.s32 $0x0;
	[sflag:s14] =	ssyncadd.s32 $0xFFFFC000  }
0x69: {  	[tilespmem:s15], [sflag:$0x3] =	stream.linear.gather [hbm4b:s11+s30], $0x1400, $0x38;
	[tilespmem:$0x1E800] =	vst v63  }
0x6a: {  	_ =	swait.ge [sflag:s14], $0x1400  }
0x6b: {  	[sflag:s14] =	ssyncset.done $0x0  }
0x6c: {  	[sflag:s14] =	ssyncadd.s32 $0xFFFFEC00  }
0x6d: {  	[tilespmem:s16], [sflag:$0x3] =	stream.linear.gather [hbm4b:s12+s30], $0x1400, $0x38;
	[tilespmem:$0x1E800] =	vst v63  }
0x6e: {  	_ =	swait.ge [sflag:s14], $0x1400  }
0x6f: {  	[sflag:s14] =	ssyncset.done $0x0  }
0x70: {  	[sflag:s14] =	ssyncadd.s32 $0xFFFFEC00  }
0x71: {  	[tilespmem:s18], [sflag:$0x1] =	stream.indirect.gather [hbm4b:s4+s17], $0x80, s15, s17, $0xb8;
	[tilespmem:$0x1E800] =	vst v63  }
0x72: {  	_ =	swait.ge [sflag:s19], $0x4000  }
0x73: {  	[sflag:s19] =	ssyncset.done $0x0  }
0x74: {  	s31 =	simm.s32 $0x14080;
	[sflag:s19] =	ssyncadd.s32 $0xFFFFC000  }
0x75: {  	[tilespmem:s20], [sflag:$0x2] =	stream.indirect.gather [hbm4b:s4+s17], $0x80, s31, s17, $0xb8;
	[tilespmem:$0x1E800] =	vst v63  }
0x76: {  	s29 =	simm.s32 $0x15400  }
0x77: {  	[spmem:s1] =	stream.indirect.scatter.add.f32 [tilespmem:s18], [sflag:$0x3], $0x80, s29, s17, $0xb8;
	[tilespmem:$0x1E800] =	vst v63  }
0x78: {  	_ =	swait.ge [sflag:s14], $0x4000  }
0x79: {  	[sflag:s14] =	ssyncset.done $0x0  }
0x7a: {  	[sflag:s14] =	ssyncadd.s32 $0xFFFFC000  }
0x7b: {  	_ =	swait.ge [sflag:s21], $0x4000  }
0x7c: {  	[sflag:s21] =	ssyncset.done $0x0  }
0x7d: {  	s30 =	simm.s32 $0x14100;
	[sflag:s21] =	ssyncadd.s32 $0xFFFFC000  }
0x7e: {  	[tilespmem:s18], [sflag:$0x1] =	stream.indirect.gather [hbm4b:s4+s17], $0x80, s30, s17, $0xb8;
	[tilespmem:$0x1E800] =	vst v63  }
0x7f: {  	s31 =	simm.s32 $0x15480  }
0x80: {  	[spmem:s1] =	stream.indirect.scatter.add.f32 [tilespmem:s20], [sflag:$0x3], $0x80, s31, s17, $0xb8;
	[tilespmem:$0x1E800] =	vst v63  }
0x81: {  	_ =	swait.ge [sflag:s14], $0x4000  }
0x82: {  	[sflag:s14] =	ssyncset.done $0x0  }
0x83: {  	[sflag:s14] =	ssyncadd.s32 $0xFFFFC000  }
0x84: {  	_ =	swait.ge [sflag:s19], $0x4000  }
0x85: {  	s26 =	simm.s32 $0x100;
	s28 =	simm.s32 $0x800;
	[sflag:s19] =	ssyncset.done $0x0  }
.LBB2_4:
0x86: {  	s29 =	sadd.s32 $0x14080, s26  }
0x87: {  	[sflag:s19] =	ssyncadd.s32 $0xFFFFC000;
	s30 =	smov.u32 s28;
	s31 =	sadd.s32 $0x400, s28  }
0x88: {  	[tilespmem:s20], [sflag:$0x2] =	stream.indirect.gather [hbm4b:s4+s17], $0x80, s29, s17, $0xb8;
	[tilespmem:$0x1E800] =	vst v63  }
0x89: {  	p0 =	sne.s32 s28, $0x4800;
	s28 =	sadd.s32 $0x15400, s26  }
0x8a: {  	[spmem:s1] =	stream.indirect.scatter.add.f32 [tilespmem:s18], [sflag:$0x3], $0x80, s28, s17, $0xb8;
	[tilespmem:$0x1E800] =	vst v63  }
0x8b: {  	_ =	swait.ge [sflag:s14], $0x4000  }
0x8c: {  	[sflag:s14] =	ssyncset.done $0x0  }
0x8d: {  	[sflag:s14] =	ssyncadd.s32 $0xFFFFC000  }
0x8e: {  	_ =	swait.ge [sflag:s21], $0x4000  }
0x8f: {  	[sflag:s21] =	ssyncset.done $0x0  }
0x90: {  	s28 =	sadd.s32 $0x14100, s26;
	[sflag:s21] =	ssyncadd.s32 $0xFFFFC000  }
0x91: {  	[tilespmem:s18], [sflag:$0x1] =	stream.indirect.gather [hbm4b:s4+s17], $0x80, s28, s17, $0xb8;
	[tilespmem:$0x1E800] =	vst v63  }
0x92: {  	s26 =	sadd.s32 $0x15480, s26  }
0x93: {  	[spmem:s1] =	stream.indirect.scatter.add.f32 [tilespmem:s20], [sflag:$0x3], $0x80, s26, s17, $0xb8;
	[tilespmem:$0x1E800] =	vst v63  }
.Ltmp1:
0x94: {  	_ =	swait.ge [sflag:s14], $0x4000;
	(pc) =	sbr.rel @p0 .LBB2_4-.Ltmp1, $4  }
0x95: {  	[sflag:s14] =	ssyncset.done $0x0  }
0x96: {  	[sflag:s14] =	ssyncadd.s32 $0xFFFFC000  }
0x97: {  	_ =	swait.ge [sflag:s19], $0x4000  }
0x98: {  	s28 =	smov.u32 s31;
	s26 =	sshra.s32 s30, $0x2;
	[sflag:s19] =	ssyncset.done $0x0  }
0x99: {  	s28 =	sadd.s32 $0x14080, s26;
	[sflag:s19] =	ssyncadd.s32 $0xFFFFC000  }
0x9a: {  	[tilespmem:s20], [sflag:$0x2] =	stream.indirect.gather [hbm4b:s4+s17], $0x80, s28, s17, $0xb8;
	[tilespmem:$0x1E800] =	vst v63  }
0x9b: {  	s29 =	sadd.s32 $0x15400, s26  }
0x9c: {  	[spmem:s1] =	stream.indirect.scatter.add.f32 [tilespmem:s18], [sflag:$0x3], $0x80, s29, s17, $0xb8;
	[tilespmem:$0x1E800] =	vst v63  }
0x9d: {  	_ =	swait.ge [sflag:s14], $0x4000  }
0x9e: {  	[sflag:s14] =	ssyncset.done $0x0  }
0x9f: {  	[sflag:s14] =	ssyncadd.s32 $0xFFFFC000  }
0xa0: {  	_ =	swait.ge [sflag:s21], $0x4000  }
0xa1: {  	[sflag:s21] =	ssyncset.done $0x0  }
0xa2: {  	s30 =	sadd.s32 $0x14100, s26;
	[sflag:s21] =	ssyncadd.s32 $0xFFFFC000  }
0xa3: {  	[tilespmem:s18], [sflag:$0x1] =	stream.indirect.gather [hbm4b:s4+s17], $0x80, s30, s17, $0xb8;
	[tilespmem:$0x1E800] =	vst v63  }
0xa4: {  	s31 =	sadd.s32 $0x15480, s26  }
0xa5: {  	[spmem:s1] =	stream.indirect.scatter.add.f32 [tilespmem:s20], [sflag:$0x3], $0x80, s31, s17, $0xb8;
	[tilespmem:$0x1E800] =	vst v63  }
0xa6: {  	_ =	swait.ge [sflag:s14], $0x4000  }
0xa7: {  	[sflag:s14] =	ssyncset.done $0x0  }
0xa8: {  	[sflag:s14] =	ssyncadd.s32 $0xFFFFC000  }
0xa9: {  	_ =	swait.ge [sflag:s19], $0x4000  }
0xaa: {  	[sflag:s19] =	ssyncset.done $0x0  }
0xab: {  	[sflag:s19] =	ssyncadd.s32 $0xFFFFC000  }
0xac: {  	[tilespmem:s20], [sflag:$0x2] =	stream.indirect.gather [hbm4b:s4+s17], $0x80, s22, s17, $0xb8;
	[tilespmem:$0x1E800] =	vst v63  }
0xad: {  	_ = 	snop  }
0xae: {  	[spmem:s1] =	stream.indirect.scatter.add.f32 [tilespmem:s18], [sflag:$0x3], $0x80, s23, s17, $0xb8;
	[tilespmem:$0x1E800] =	vst v63  }
0xaf: {  	_ =	swait.ge [sflag:s14], $0x4000  }
0xb0: {  	[sflag:s14] =	ssyncset.done $0x0  }
0xb1: {  	[sflag:s14] =	ssyncadd.s32 $0xFFFFC000  }
0xb2: {  	_ =	swait.ge [sflag:s21], $0x4000  }
0xb3: {  	[sflag:s21] =	ssyncset.done $0x0  }
0xb4: {  	[sflag:s21] =	ssyncadd.s32 $0xFFFFC000  }
0xb5: {  	[spmem:s1] =	stream.indirect.scatter.add.f32 [tilespmem:s20], [sflag:$0x3], $0x80, s24, s17, $0xb8;
	[tilespmem:$0x1E800] =	vst v63  }
0xb6: {  	_ =	swait.ge [sflag:s14], $0x4000  }
0xb7: {  	s25 =	sadd.s32 $0x1, s25;
	[sflag:s14] =	ssyncset.done $0x0  }
0xb8: {  	p0 =	sne.s32 s25, s8;
	[sflag:s14] =	ssyncadd.s32 $0xFFFFC000  }
.Ltmp2:
0xb9: {  	[bflag:$0x0] =	sbarrier.arrive $0xFFFF;
	(pc) =	sbr.rel @p0 .LBB2_1-.Ltmp2, $4  }
0xba: {  	[hbm:s7], [sflag:s6] =	dma.local [spmem:s13], $0x2800  }
0xbb: {  	_ =	swait.ge [sflag:s14], $0x2800  }
0xbc: {  	[sflag:s14] =	ssyncset.done $0x0  }
0xbd: {  	[sflag:s14] =	ssyncadd.s32 $0xFFFFD800  }
0xbe: {  	_ =	sfence.sel $0x180000  }
0xbf: {  	[bflag:$0x0] =	sbarrier.arrive $0xFFFF  }
0xc0: {  	p0 =	sne.s32 s2, $0x0;
	_ =	strace $0x9000004A  }
0xc1: {  	s0 =	sadd.s32 @!p0 $0x100000, s0;
	[bflag:$0x2] =	sbarrier.arrive $0xFFFF  }
0xc2: {  	[sflag:s0] =	ssyncadd.tile.s32 @!p0 $0x1;
	_ =	shalt  }
.Lfunc_end2:
_tile_overlayer_lowered:
.L_overlay_start_2:
0xc3: {  	(tag) =	ssettag $0x2  }
0xc4: {  	s0 =	rddreg [dreg:$0x0];
	s2 =	stileid.u32  }
0xc5: {  	s1 =	rddreg [dreg:$0x1];
	p0 =	sne.s32 s2, $0x0  }
0xc6: {  	s3 =	rddreg [dreg:$0x2];
	[bflag:$0x3] =	sbarrier.arrive $0xFFFF;
	s2 =	simm.s32 @!p0 $0x1C03  }
0xc7: {  	[timem:s3], [sflag:s2] =	dma.local @!p0 [hbm:s0], s1  }
0xc8: {  	s0 =	simm.s32 @!p0 $0x3  }
0xc9: {  	_ =	swait.ge @!p0 [sflag:s0], s1  }
0xca: {  	s1 =	ssub.s32 @!p0 $0x0, s1;
	[sflag:s0] =	ssyncset.done @!p0 $0x0  }
0xcb: {  	[sflag:s0] =	ssyncadd.s32 @!p0 s1  }
0xcc: {  	[bflag:$0x3] =	sbarrier.arrive $0xFFFF  }
0xcd: {  	_ =	shalt  }

// kernel: kernel.16.cloned.1.call-start
scs
__scs_entry_jumppad:
0x0: {  	(pc) =	sbr.rel $0x88, $3  }
0x1: {  	(tag) =	ssettag $0x0;
	lr =	simm.s32 $0x1  }
0x2: {  	[smem:$0x3F96] =	sst lr;
	_ =	strace $0xD0000000  }
0x3: {  	_ = 	snop  }
0x4: {  	_ = 	snop  }
0x5: {  	_ = 	snop  }
0x6: {  	_ = 	snop  }
0x7: {  	_ = 	snop  }
__scs_overlays_trampoline_lowered:
0x8: {  	[smem:$0x3FA5] =	sst s0  }
0x9: {  	[smem:$0x3FA6] =	sst s1  }
0xa: {  	[smem:$0x3FA7] =	sst s2  }
0xb: {  	[smem:$0x3FA8] =	sst s3  }
0xc: {  	[smem:$0x3FA9] =	sst s4  }
0xd: {  	[smem:$0x3FAA] =	sst s5  }
0xe: {  	[smem:$0x3FAB] =	sst s6  }
0xf: {  	[smem:$0x3FAC] =	sst s7  }
0x10: {  	[smem:$0x3FAD] =	sst s8  }
0x11: {  	[smem:$0x3FAE] =	sst s9;
	s0 =	simm.s32 @!p0 $0x0  }
0x12: {  	s1 =	sld [smem:$0x3F94];
	s0 =	simm.s32 @p0 $0x1  }
0x13: {  	[smem:$0x3FAF] =	sst s0;
	s0 =	simm.s32 @!p1 $0x0  }
0x14: {  	s2 =	sld [smem:$0x3F93];
	s0 =	simm.s32 @p1 $0x1  }
0x15: {  	[smem:$0x3FB0] =	sst s0;
	s0 =	simm.s32 @!p2 $0x0  }
0x16: {  	s3 =	sld [smem:$0x3FDB];
	s0 =	simm.s32 @p2 $0x1  }
0x17: {  	s4 =	simm.s32 $0x1BF5;
	[smem:$0x3FB2] =	sst s0  }
0x18: {  	s0 =	sld [smem:$0x3F95];
	_ =	swait.ge [sflag:s4], $0x0  }
0x19: {  	s7 =	sld [smem:$0x3F96]  }
0x1a: {  	s8 =	sadd.s32 $0xFFFFE003, lr  }
0x1b: {  	s9 =	sadd.s32 $0xFFFFFEF7, lr;
	s5 =	simm.s32 $0xFFFFFFFF;
	p2 =	slt.u32 s8, $0xFFFFF086  }
0x1c: {  	p1 =	slt.u32 s9, $0xF7A;
	s5 =	simm.s32 @!p2 $0x0  }
0x1d: {  	s5 =	simm.s32 @p1 $0x1;
	p0 =	seq.s32 s7, s2  }
0x1e: {  	s7 =	smul.u32 @!p0 $0xF7A, s2;
	p2 =	seq.s32 @!p0 s5, $0x0  }
0x1f: {  	s9 =	smul.u32 $0xF7A, s1;
	s8 =	simm.s32 @!p0 $0x1BF5;
	p2 =	por !p2, p0  }
0x20: {  	[sflag:s8] =	ssyncset.s32 @!p0 $0xFFFFF086;
	s6 =	sadd.s32 @!p0 s3, s7;
	s7 =	simm.s32 @!p0 $0x108  }
0x21: {  	s3 =	sadd.s32 s3, s9;
	s6 =	sadd.s32 @!p0 $0x88, s6;
	s7 =	simm.s32 @p2 $0x1082  }
0x22: {  	[simem:s7], [sflag:s8] =	dma.local @!p0 [hbm:s6], $0xF7A  }
0x23: {  	s9 =	sor.u32 $0xD0000000, s2;
	s6 =	simm.s32 $0x108;
	_ =	swait.ge @!p0 [sflag:s8], $0x0  }
0x24: {  	s3 =	sadd.s32 $0x88, s3;
	s6 =	simm.s32 @!p1 $0x1082;
	[sflag:s4] =	ssyncset.s32 $0xFFFFF086  }
0x25: {  	[simem:s6], [sflag:s4] =	dma.local [hbm:s3], $0xF7A  }
0x26: {  	[smem:$0x3F96] =	sst s1;
	(tag) =	ssettag s2;
	_ =	strace s9  }
0x27: {  	s1 =	sld [smem:$0x3FA6]  }
0x28: {  	s2 =	sld [smem:$0x3FA7]  }
0x29: {  	s4 =	sld [smem:$0x3FA9]  }
0x2a: {  	p0 =	seq.s32 s5, $0x0;
	s5 =	sld [smem:$0x3FAA]  }
0x2b: {  	s6 =	sld [smem:$0x3FAB]  }
0x2c: {  	s7 =	sld [smem:$0x3FAC]  }
0x2d: {  	s3 =	simm.s32 $0x108;
	s8 =	sld [smem:$0x3FAD]  }
0x2e: {  	s3 =	simm.s32 @!p0 $0x1082;
	s9 =	sld [smem:$0x3FAE]  }
0x2f: {  	lr =	sadd.s32 s0, s3;
	s0 =	sld [smem:$0x3FA5]  }
0x30: {  	s3 =	sld [smem:$0x3FA8]  }
0x31: {  	[smem:$0x3FB1] =	sst s10  }
0x32: {  	s10 =	sld [smem:$0x3FAF];
	_ =	sdelay $0x3  }
0x33: {  	p0 =	seq.s32 s10, $0x1;
	s10 =	sld [smem:$0x3FB1];
	_ =	sdelay $0x3  }
0x34: {  	[smem:$0x3FB1] =	sst s10  }
0x35: {  	s10 =	sld [smem:$0x3FB0];
	_ =	sdelay $0x3  }
0x36: {  	p1 =	seq.s32 s10, $0x1;
	s10 =	sld [smem:$0x3FB1];
	_ =	sdelay $0x3  }
0x37: {  	[smem:$0x3FB1] =	sst s10  }
0x38: {  	s10 =	sld [smem:$0x3FB2]  }
0x39: {  	_ = 	snop;
	(pc) =	sbr.ind lr, $3  }
0x3a: {  	_ = 	snop  }
0x3b: {  	_ = 	snop  }
0x3c: {  	p2 =	seq.s32 s10, $0x1;
	s10 =	sld [smem:$0x3FB1]  }
0x3d: {  	_ =	shalt  }
0x3e: {  	_ =	shalt  }
0x3f: {  	_ =	shalt  }
0x40: {  	_ =	shalt  }
0x41: {  	_ =	shalt  }
0x42: {  	_ =	shalt  }
0x43: {  	_ =	shalt  }
0x44: {  	_ =	shalt  }
0x45: {  	_ =	shalt  }
0x46: {  	_ =	shalt  }
0x47: {  	_ =	shalt  }
0x48: {  	_ =	shalt  }
0x49: {  	_ =	shalt  }
0x4a: {  	_ =	shalt  }
0x4b: {  	_ =	shalt  }
0x4c: {  	_ =	shalt  }
0x4d: {  	_ =	shalt  }
0x4e: {  	_ =	shalt  }
0x4f: {  	_ =	shalt  }
0x50: {  	_ =	shalt  }
0x51: {  	_ =	shalt  }
0x52: {  	_ =	shalt  }
0x53: {  	_ =	shalt  }
0x54: {  	_ =	shalt  }
0x55: {  	_ =	shalt  }
0x56: {  	_ =	shalt  }
0x57: {  	_ =	shalt  }
0x58: {  	_ =	shalt  }
0x59: {  	_ =	shalt  }
0x5a: {  	_ =	shalt  }
0x5b: {  	_ =	shalt  }
0x5c: {  	_ =	shalt  }
0x5d: {  	_ =	shalt  }
0x5e: {  	_ =	shalt  }
0x5f: {  	_ =	shalt  }
0x60: {  	_ =	shalt  }
0x61: {  	_ =	shalt  }
0x62: {  	_ =	shalt  }
0x63: {  	_ =	shalt  }
0x64: {  	_ =	shalt  }
0x65: {  	_ =	shalt  }
0x66: {  	_ =	shalt  }
0x67: {  	_ =	shalt  }
0x68: {  	_ =	shalt  }
0x69: {  	_ =	shalt  }
0x6a: {  	_ =	shalt  }
0x6b: {  	_ =	shalt  }
0x6c: {  	_ =	shalt  }
0x6d: {  	_ =	shalt  }
0x6e: {  	_ =	shalt  }
0x6f: {  	_ =	shalt  }
0x70: {  	_ =	shalt  }
0x71: {  	_ =	shalt  }
0x72: {  	_ =	shalt  }
0x73: {  	_ =	shalt  }
0x74: {  	_ =	shalt  }
0x75: {  	_ =	shalt  }
0x76: {  	_ =	shalt  }
0x77: {  	_ =	shalt  }
0x78: {  	_ =	shalt  }
0x79: {  	_ =	shalt  }
0x7a: {  	_ =	shalt  }
0x7b: {  	_ =	shalt  }
0x7c: {  	_ =	shalt  }
0x7d: {  	_ =	shalt  }
0x7e: {  	_ =	shalt  }
0x7f: {  	_ =	shalt  }
0x80: {  	_ =	shalt  }
0x81: {  	_ =	shalt  }
0x82: {  	_ =	shalt  }
0x83: {  	_ =	shalt  }
0x84: {  	_ =	shalt  }
0x85: {  	_ =	shalt  }
0x86: {  	_ =	shalt  }
0x87: {  	_ =	shalt  }
.Lfunc_end0:
.L_simem_size_0:
called_computation.2_lowered:
.L_overlay_start_0:
0x88: {  	s2 =	sld [smem:$0x3FD9]  }
0x89: {  	s3 =	sld [smem:$0x3FFE];
	_ =	sdelay $0x1  }
0x8a: {  	s1 =	srdreg.scid  }
0x8b: {  	s0 =	sand.u32 $0x1, s1  }
0x8c: {  	s16 =	sshll.u32 s0, $0xA;
	s2 =	sadd.s32 s3, s2  }
0x8d: {  	s2 =	sadd.s32 s2, s16  }
0x8e: {  	[smem:$0x3FBD] =	sst s2  }
0x8f: {  	_ = 	snop  }
0x90: {  	(tm) =	ssettm $0x1  }
0x91: {  	s17 =	sld [smem:$0x3FFB];
	_ =	sdelay $0x3  }
0x92: {  	_ =	strace s17  }
0x93: {  	s2 =	sld [smem:$0x3FFC];
	_ =	sdelay $0x3  }
0x94: {  	_ =	strace s2  }
0x95: {  	s2 =	sld [smem:$0x3FFD];
	_ =	sdelay $0x3  }
0x96: {  	_ =	strace s2  }
0x97: {  	_ =	strace $0x8FFFFFFF  }
0x98: {  	s18 =	sld [smem:$0x3FDB];
	_ =	sdelay $0x1  }
0x99: {  	s19 =	simm.s32 $_scs_section_size  }
0x9a: {  	s4 =	simm.s32 $_size__tile_overlayer_lowered;
	s5 =	simm.s32 $_tile_overlayer_lowered  }
0x9b: {  	s22 =	simm.s32 $0x1BFF;
	s21 =	sshll.u32 s5, $0x1;
	s2 =	sadd.s32 s19, s18  }
0x9c: {  	s6 =	simm.s32 $0x0;
	s20 =	sshll.u32 s4, $0x1;
	s4 =	sadd.s32 s21, s2  }
0x9d: {  	[timem:s6], [sflag:s22] =	dma.local [hbm:s4], s20  }
0x9e: {  	_ =	swait.ge [sflag:s22], s20  }
0x9f: {  	s3 =	ssub.s32 $0x0, s20;
	[sflag:s22] =	ssyncset.done $0x0  }
0xa0: {  	[sflag:s22] =	ssyncadd.s32 s3;
	_ =	sdelay $0x1  }
0xa1: {  	s23 =	simm.s32 $0x1B8B  }
0xa2: {  	_ =	swait.ge [sflag:s23], $0x1  }
0xa3: {  	[sflag:s23] =	ssyncset.done $0x0  }
0xa4: {  	s25 =	simm.s32 $0x1B8E;
	s24 =	sld [smem:$0x3FFE];
	[sflag:s23] =	ssyncadd.s32 $0xFFFFFFFF  }
0xa5: {  	s26 =	simm.s32 $execute0_lowered;
	[smem:$0x3FD2] =	sst s25  }
0xa6: {  	s4 =	sshll.u32 s26, $0x1;
	_ =	strace $0x8000004C;
	[dreg:$0x1] =	wrdreg $0xFFFFFFFF  }
0xa7: {  	s28 =	simm.s32 $_size_execute0_lowered;
	s2 =	sadd.s32 s2, s4;
	[dreg:$0x0] =	wrdreg $0x0  }
0xa8: {  	s4 =	sshll.u32 s28, $0x1;
	[dreg:$0x2] =	wrdreg s2  }
0xa9: {  	[dreg:$0x3] =	wrdreg s4  }
0xaa: {  	[dreg:$0x4] =	wrdreg $0xC0  }
0xab: {  	_ =	task [dreg:s6], $0x5FFFF  }
0xac: {  	[dreg:$0x1] =	wrdreg $0xFFFFFFFF  }
0xad: {  	[dreg:$0x0] =	wrdreg $0x60  }
0xae: {  	[dreg:$0x2] =	wrdreg s24  }
0xaf: {  	[dreg:$0x3] =	wrdreg $0x0  }
0xb0: {  	[dreg:$0x4] =	wrdreg $0x9  }
0xb1: {  	_ =	task.clear_ibuf [dreg:s6], $0x5FFFF;
	_ =	strace $0x9000004C  }
0xb2: {  	s29 =	simm.s32 $0x9;
	_ =	strace $0x8000004E  }
0xb3: {  	_ =	swait.ge [sflag:s29], $0x1  }
0xb4: {  	[sflag:s29] =	ssyncadd.s32 $0xFFFFFFFF  }
0xb5: {  	_ =	strace $0x9000004E  }
0xb6: {  	_ =	sfence  }
0xb7: {  	s30 =	sld [smem:$0x0];
	_ =	sdelay $0x2  }
0xb8: {  	s31 =	sshll.u32 s1, $0xD;
	s1 =	sshrl.u32 s1, $0x2  }
0xb9: {  	s3 =	sand.u32 $0x4000, s31;
	s1 =	sadd.s32 s1, s30  }
0xba: {  	s0 =	sor.u32 s3, s0;
	s1 =	sshll.u32 s1, $0x11  }
0xbb: {  	s0 =	sor.u32 s1, s0  }
0xbc: {  	s0 =	sadd.s32 $0x8F2B, s0  }
0xbd: {  	[sflag:s0] =	ssyncadd.remote.s32 $0x1  }
0xbe: {  	_ =	sfence.sel $0xFFFF  }
0xbf: {  	[dreg:$0x0] =	wrdreg $0xFFFFFFFF;
	(pc) =	sbr.abs _section_cstart, $3  }
0xc0: {  	[dreg:$0x1] =	wrdreg $0xFFFFFFFF  }
0xc1: {  	_ =	task.clear_ibuf [dreg:s6], $0x2FFFF;
	_ =	strace $0x9FFFFFFF  }
0xc2: {  	(tm) =	ssettm $0x7FFFFFFF  }
0xc3: {  	_ =	shalt  }
tec
execute0_lowered:
.L_overlay_start_1:
0x0: {  	(tag) =	ssettag $0x1  }
0x1: {  	s6 =	rddreg [dreg:$0x0]  }
0x2: {  	s1 =	rddreg [dreg:$0x1]  }
0x3: {  	s2 =	srdreg.scid;
	s0 =	rddreg [dreg:$0x2]  }
0x4: {  	s3 =	simm.s32 $0x0;
	s16 =	simm.s32 $0x15400;
	s17 =	simm.s32 $0x80  }
0x5: {  	s18 =	simm.s32 $0x16800;
	s19 =	simm.s32 $0x1;
	s20 =	simm.s32 $0x1A800  }
0x6: {  	s21 =	simm.s32 $0x2;
	s22 =	simm.s32 $0x15380;
	s23 =	simm.s32 $0x16700  }
0x7: {  	s7 =	sand.u32 $0x1, s2;
	s2 =	stileid.u32;
	[smem:$0x7FF] =	sst s3  }
0x8: {  	s4 =	sadd.s32 $0xF600, s6;
	s11 =	sadd.s32 $0x5FE00, s6;
	s8 =	smul.u32 $0x140000, s7  }
0x9: {  	s12 =	sadd.s32 $0x2E00, s6;
	s5 =	sadd.s32 $0xCE00, s6;
	s9 =	smul.u32 $0x14000, s2  }
0xa: {  	_ =	strace $0x8000004D;
	s24 =	ssub.s32 $0x2, s7;
	s10 =	smul.u32 $0x50000, s2  }
0xb: {  	s25 =	ssub.s32 $0x0, s7;
	s29 =	smul.u32 $0x5000, s2;
	s30 =	sshll.u32 s2, $0x6  }
0xc: {  	s26 =	sshrl.u32 s24, $0x1;
	s14 =	sand.u32 $0x2800, s25;
	s25 =	simm.s32 $0x0  }
0xd: {  	s8 =	sadd.s32 s9, s8;
	s9 =	ssub.s32 s24, s26;
	s28 =	sshrl.u32 s10, $0x2  }
0xe: {  	s10 =	sadd.s32 s29, s14;
	s24 =	simm.s32 $0x16780;
	s8 =	sshrl.u32 s8, $0x3  }
0xf: {  	s13 =	sadd.s32 s28, s1;
	s14 =	sshrl.u32 s10, $0x3;
	s15 =	sadd.s32 $0x1400, s10  }
0x10: {  	s8 =	sadd.s32 s8, s6;
	s6 =	sor.u32 $0x1C03, s30;
	s10 =	sadd.s32 s12, s14  }
0x11: {  	s31 =	sshrl.u32 s15, $0x3;
	s13 =	sshrl.u32 s13, $0x3;
	s15 =	simm.s32 $0x14000  }
0x12: {  	s7 =	sadd.s32 $0x69E00, s8;
	s8 =	smax.u32 s9, $0x1;
	s9 =	sadd.s32 s11, s14  }
0x13: {  	s11 =	sadd.s32 s11, s31;
	s12 =	sadd.s32 s12, s31;
	s14 =	simm.s32 $0x3  }
.LBB2_1:
0x14: {  	[spmem:s13], [sflag:s6] =	dma.local [hbm:s5], $0x2800  }
0x15: {  	_ =	swait.ge [sflag:s14], $0x2800  }
0x16: {  	[sflag:s14] =	ssyncset.done $0x0  }
0x17: {  	[sflag:s14] =	ssyncadd.s32 $0xFFFFD800  }
0x18: {  	[bflag:$0x0] =	sbarrier.arrive $0xFFFF  }
0x19: {  	[tilespmem:s15], [sflag:$0x3] =	stream.linear.gather [hbm4b:s9+s3], $0x1400, $0x38;
	[tilespmem:$0x1E800] =	vst v63  }
0x1a: {  	_ =	swait.ge [sflag:s14], $0x1400  }
0x1b: {  	[sflag:s14] =	ssyncset.done $0x0  }
0x1c: {  	[sflag:s14] =	ssyncadd.s32 $0xFFFFEC00  }
0x1d: {  	[tilespmem:s16], [sflag:$0x3] =	stream.linear.gather [hbm4b:s10+s3], $0x1400, $0x38;
	[tilespmem:$0x1E800] =	vst v63  }
0x1e: {  	_ =	swait.ge [sflag:s14], $0x1400  }
0x1f: {  	[sflag:s14] =	ssyncset.done $0x0  }
0x20: {  	[sflag:s14] =	ssyncadd.s32 $0xFFFFEC00  }
0x21: {  	[tilespmem:s18], [sflag:$0x1] =	stream.indirect.gather [hbm4b:s4+s17], $0x80, s15, s17, $0xb8;
	[tilespmem:$0x1E800] =	vst v63  }
0x22: {  	_ =	swait.ge [sflag:s19], $0x4000  }
0x23: {  	[sflag:s19] =	ssyncset.done $0x0  }
0x24: {  	s26 =	simm.s32 $0x14080;
	[sflag:s19] =	ssyncadd.s32 $0xFFFFC000  }
0x25: {  	[tilespmem:s20], [sflag:$0x2] =	stream.indirect.gather [hbm4b:s4+s17], $0x80, s26, s17, $0xb8;
	[tilespmem:$0x1E800] =	vst v63  }
0x26: {  	s29 =	simm.s32 $0x15400  }
0x27: {  	[spmem:s1] =	stream.indirect.scatter.add.f32 [tilespmem:s18], [sflag:$0x3], $0x80, s29, s17, $0xb8;
	[tilespmem:$0x1E800] =	vst v63  }
0x28: {  	_ =	swait.ge [sflag:s14], $0x4000  }
0x29: {  	[sflag:s14] =	ssyncset.done $0x0  }
0x2a: {  	[sflag:s14] =	ssyncadd.s32 $0xFFFFC000  }
0x2b: {  	_ =	swait.ge [sflag:s21], $0x4000  }
0x2c: {  	[sflag:s21] =	ssyncset.done $0x0  }
0x2d: {  	s30 =	simm.s32 $0x14100;
	[sflag:s21] =	ssyncadd.s32 $0xFFFFC000  }
0x2e: {  	[tilespmem:s18], [sflag:$0x1] =	stream.indirect.gather [hbm4b:s4+s17], $0x80, s30, s17, $0xb8;
	[tilespmem:$0x1E800] =	vst v63  }
0x2f: {  	s31 =	simm.s32 $0x15480  }
0x30: {  	[spmem:s1] =	stream.indirect.scatter.add.f32 [tilespmem:s20], [sflag:$0x3], $0x80, s31, s17, $0xb8;
	[tilespmem:$0x1E800] =	vst v63  }
0x31: {  	_ =	swait.ge [sflag:s14], $0x4000  }
0x32: {  	[sflag:s14] =	ssyncset.done $0x0  }
0x33: {  	[sflag:s14] =	ssyncadd.s32 $0xFFFFC000  }
0x34: {  	_ =	swait.ge [sflag:s19], $0x4000  }
0x35: {  	s28 =	simm.s32 $0x800;
	s26 =	simm.s32 $0x100;
	[sflag:s19] =	ssyncset.done $0x0  }
.LBB2_2:
0x36: {  	s29 =	sadd.s32 $0x14080, s26  }
0x37: {  	[sflag:s19] =	ssyncadd.s32 $0xFFFFC000;
	s30 =	smov.u32 s28;
	s31 =	sadd.s32 $0x400, s28  }
0x38: {  	[tilespmem:s20], [sflag:$0x2] =	stream.indirect.gather [hbm4b:s4+s17], $0x80, s29, s17, $0xb8;
	[tilespmem:$0x1E800] =	vst v63  }
0x39: {  	p0 =	sne.s32 s28, $0x4800;
	s28 =	sadd.s32 $0x15400, s26  }
0x3a: {  	[spmem:s1] =	stream.indirect.scatter.add.f32 [tilespmem:s18], [sflag:$0x3], $0x80, s28, s17, $0xb8;
	[tilespmem:$0x1E800] =	vst v63  }
0x3b: {  	_ =	swait.ge [sflag:s14], $0x4000  }
0x3c: {  	[sflag:s14] =	ssyncset.done $0x0  }
0x3d: {  	[sflag:s14] =	ssyncadd.s32 $0xFFFFC000  }
0x3e: {  	_ =	swait.ge [sflag:s21], $0x4000  }
0x3f: {  	[sflag:s21] =	ssyncset.done $0x0  }
0x40: {  	s28 =	sadd.s32 $0x14100, s26;
	[sflag:s21] =	ssyncadd.s32 $0xFFFFC000  }
0x41: {  	[tilespmem:s18], [sflag:$0x1] =	stream.indirect.gather [hbm4b:s4+s17], $0x80, s28, s17, $0xb8;
	[tilespmem:$0x1E800] =	vst v63  }
0x42: {  	s26 =	sadd.s32 $0x15480, s26  }
0x43: {  	[spmem:s1] =	stream.indirect.scatter.add.f32 [tilespmem:s20], [sflag:$0x3], $0x80, s26, s17, $0xb8;
	[tilespmem:$0x1E800] =	vst v63  }
.Ltmp0:
0x44: {  	_ =	swait.ge [sflag:s14], $0x4000;
	(pc) =	sbr.rel @p0 .LBB2_2-.Ltmp0, $4  }
0x45: {  	[sflag:s14] =	ssyncset.done $0x0  }
0x46: {  	[sflag:s14] =	ssyncadd.s32 $0xFFFFC000  }
0x47: {  	_ =	swait.ge [sflag:s19], $0x4000  }
0x48: {  	s28 =	smov.u32 s31;
	s26 =	sshra.s32 s30, $0x2;
	[sflag:s19] =	ssyncset.done $0x0  }
0x49: {  	s28 =	sadd.s32 $0x14080, s26;
	[sflag:s19] =	ssyncadd.s32 $0xFFFFC000  }
0x4a: {  	[tilespmem:s20], [sflag:$0x2] =	stream.indirect.gather [hbm4b:s4+s17], $0x80, s28, s17, $0xb8;
	[tilespmem:$0x1E800] =	vst v63  }
0x4b: {  	s28 =	sadd.s32 $0x15400, s26  }
0x4c: {  	[spmem:s1] =	stream.indirect.scatter.add.f32 [tilespmem:s18], [sflag:$0x3], $0x80, s28, s17, $0xb8;
	[tilespmem:$0x1E800] =	vst v63  }
0x4d: {  	_ =	swait.ge [sflag:s14], $0x4000  }
0x4e: {  	[sflag:s14] =	ssyncset.done $0x0  }
0x4f: {  	[sflag:s14] =	ssyncadd.s32 $0xFFFFC000  }
0x50: {  	_ =	swait.ge [sflag:s21], $0x4000  }
0x51: {  	[sflag:s21] =	ssyncset.done $0x0  }
0x52: {  	s28 =	sadd.s32 $0x14100, s26;
	[sflag:s21] =	ssyncadd.s32 $0xFFFFC000  }
0x53: {  	[tilespmem:s18], [sflag:$0x1] =	stream.indirect.gather [hbm4b:s4+s17], $0x80, s28, s17, $0xb8;
	[tilespmem:$0x1E800] =	vst v63  }
0x54: {  	s29 =	sadd.s32 $0x15480, s26  }
0x55: {  	[spmem:s1] =	stream.indirect.scatter.add.f32 [tilespmem:s20], [sflag:$0x3], $0x80, s29, s17, $0xb8;
	[tilespmem:$0x1E800] =	vst v63  }
0x56: {  	_ =	swait.ge [sflag:s14], $0x4000  }
0x57: {  	[sflag:s14] =	ssyncset.done $0x0  }
0x58: {  	[sflag:s14] =	ssyncadd.s32 $0xFFFFC000  }
0x59: {  	_ =	swait.ge [sflag:s19], $0x4000  }
0x5a: {  	[sflag:s19] =	ssyncset.done $0x0  }
0x5b: {  	[sflag:s19] =	ssyncadd.s32 $0xFFFFC000  }
0x5c: {  	[tilespmem:s20], [sflag:$0x2] =	stream.indirect.gather [hbm4b:s4+s17], $0x80, s22, s17, $0xb8;
	[tilespmem:$0x1E800] =	vst v63  }
0x5d: {  	_ = 	snop  }
0x5e: {  	[spmem:s1] =	stream.indirect.scatter.add.f32 [tilespmem:s18], [sflag:$0x3], $0x80, s23, s17, $0xb8;
	[tilespmem:$0x1E800] =	vst v63  }
0x5f: {  	_ =	swait.ge [sflag:s14], $0x4000  }
0x60: {  	[sflag:s14] =	ssyncset.done $0x0  }
0x61: {  	[sflag:s14] =	ssyncadd.s32 $0xFFFFC000  }
0x62: {  	_ =	swait.ge [sflag:s21], $0x4000  }
0x63: {  	[sflag:s21] =	ssyncset.done $0x0  }
0x64: {  	[sflag:s21] =	ssyncadd.s32 $0xFFFFC000  }
0x65: {  	[spmem:s1] =	stream.indirect.scatter.add.f32 [tilespmem:s20], [sflag:$0x3], $0x80, s24, s17, $0xb8;
	[tilespmem:$0x1E800] =	vst v63  }
0x66: {  	_ =	swait.ge [sflag:s14], $0x4000  }
0x67: {  	[sflag:s14] =	ssyncset.done $0x0  }
0x68: {  	s30 =	simm.s32 $0x0;
	[sflag:s14] =	ssyncadd.s32 $0xFFFFC000  }
0x69: {  	[tilespmem:s15], [sflag:$0x3] =	stream.linear.gather [hbm4b:s11+s30], $0x1400, $0x38;
	[tilespmem:$0x1E800] =	vst v63  }
0x6a: {  	_ =	swait.ge [sflag:s14], $0x1400  }
0x6b: {  	[sflag:s14] =	ssyncset.done $0x0  }
0x6c: {  	[sflag:s14] =	ssyncadd.s32 $0xFFFFEC00  }
0x6d: {  	[tilespmem:s16], [sflag:$0x3] =	stream.linear.gather [hbm4b:s12+s30], $0x1400, $0x38;
	[tilespmem:$0x1E800] =	vst v63  }
0x6e: {  	_ =	swait.ge [sflag:s14], $0x1400  }
0x6f: {  	[sflag:s14] =	ssyncset.done $0x0  }
0x70: {  	[sflag:s14] =	ssyncadd.s32 $0xFFFFEC00  }
0x71: {  	[tilespmem:s18], [sflag:$0x1] =	stream.indirect.gather [hbm4b:s4+s17], $0x80, s15, s17, $0xb8;
	[tilespmem:$0x1E800] =	vst v63  }
0x72: {  	_ =	swait.ge [sflag:s19], $0x4000  }
0x73: {  	[sflag:s19] =	ssyncset.done $0x0  }
0x74: {  	s31 =	simm.s32 $0x14080;
	[sflag:s19] =	ssyncadd.s32 $0xFFFFC000  }
0x75: {  	[tilespmem:s20], [sflag:$0x2] =	stream.indirect.gather [hbm4b:s4+s17], $0x80, s31, s17, $0xb8;
	[tilespmem:$0x1E800] =	vst v63  }
0x76: {  	s29 =	simm.s32 $0x15400  }
0x77: {  	[spmem:s1] =	stream.indirect.scatter.add.f32 [tilespmem:s18], [sflag:$0x3], $0x80, s29, s17, $0xb8;
	[tilespmem:$0x1E800] =	vst v63  }
0x78: {  	_ =	swait.ge [sflag:s14], $0x4000  }
0x79: {  	[sflag:s14] =	ssyncset.done $0x0  }
0x7a: {  	[sflag:s14] =	ssyncadd.s32 $0xFFFFC000  }
0x7b: {  	_ =	swait.ge [sflag:s21], $0x4000  }
0x7c: {  	[sflag:s21] =	ssyncset.done $0x0  }
0x7d: {  	s30 =	simm.s32 $0x14100;
	[sflag:s21] =	ssyncadd.s32 $0xFFFFC000  }
0x7e: {  	[tilespmem:s18], [sflag:$0x1] =	stream.indirect.gather [hbm4b:s4+s17], $0x80, s30, s17, $0xb8;
	[tilespmem:$0x1E800] =	vst v63  }
0x7f: {  	s31 =	simm.s32 $0x15480  }
0x80: {  	[spmem:s1] =	stream.indirect.scatter.add.f32 [tilespmem:s20], [sflag:$0x3], $0x80, s31, s17, $0xb8;
	[tilespmem:$0x1E800] =	vst v63  }
0x81: {  	_ =	swait.ge [sflag:s14], $0x4000  }
0x82: {  	[sflag:s14] =	ssyncset.done $0x0  }
0x83: {  	[sflag:s14] =	ssyncadd.s32 $0xFFFFC000  }
0x84: {  	_ =	swait.ge [sflag:s19], $0x4000  }
0x85: {  	s26 =	simm.s32 $0x100;
	s28 =	simm.s32 $0x800;
	[sflag:s19] =	ssyncset.done $0x0  }
.LBB2_4:
0x86: {  	s29 =	sadd.s32 $0x14080, s26  }
0x87: {  	[sflag:s19] =	ssyncadd.s32 $0xFFFFC000;
	s30 =	smov.u32 s28;
	s31 =	sadd.s32 $0x400, s28  }
0x88: {  	[tilespmem:s20], [sflag:$0x2] =	stream.indirect.gather [hbm4b:s4+s17], $0x80, s29, s17, $0xb8;
	[tilespmem:$0x1E800] =	vst v63  }
0x89: {  	p0 =	sne.s32 s28, $0x4800;
	s28 =	sadd.s32 $0x15400, s26  }
0x8a: {  	[spmem:s1] =	stream.indirect.scatter.add.f32 [tilespmem:s18], [sflag:$0x3], $0x80, s28, s17, $0xb8;
	[tilespmem:$0x1E800] =	vst v63  }
0x8b: {  	_ =	swait.ge [sflag:s14], $0x4000  }
0x8c: {  	[sflag:s14] =	ssyncset.done $0x0  }
0x8d: {  	[sflag:s14] =	ssyncadd.s32 $0xFFFFC000  }
0x8e: {  	_ =	swait.ge [sflag:s21], $0x4000  }
0x8f: {  	[sflag:s21] =	ssyncset.done $0x0  }
0x90: {  	s28 =	sadd.s32 $0x14100, s26;
	[sflag:s21] =	ssyncadd.s32 $0xFFFFC000  }
0x91: {  	[tilespmem:s18], [sflag:$0x1] =	stream.indirect.gather [hbm4b:s4+s17], $0x80, s28, s17, $0xb8;
	[tilespmem:$0x1E800] =	vst v63  }
0x92: {  	s26 =	sadd.s32 $0x15480, s26  }
0x93: {  	[spmem:s1] =	stream.indirect.scatter.add.f32 [tilespmem:s20], [sflag:$0x3], $0x80, s26, s17, $0xb8;
	[tilespmem:$0x1E800] =	vst v63  }
.Ltmp1:
0x94: {  	_ =	swait.ge [sflag:s14], $0x4000;
	(pc) =	sbr.rel @p0 .LBB2_4-.Ltmp1, $4  }
0x95: {  	[sflag:s14] =	ssyncset.done $0x0  }
0x96: {  	[sflag:s14] =	ssyncadd.s32 $0xFFFFC000  }
0x97: {  	_ =	swait.ge [sflag:s19], $0x4000  }
0x98: {  	s28 =	smov.u32 s31;
	s26 =	sshra.s32 s30, $0x2;
	[sflag:s19] =	ssyncset.done $0x0  }
0x99: {  	s28 =	sadd.s32 $0x14080, s26;
	[sflag:s19] =	ssyncadd.s32 $0xFFFFC000  }
0x9a: {  	[tilespmem:s20], [sflag:$0x2] =	stream.indirect.gather [hbm4b:s4+s17], $0x80, s28, s17, $0xb8;
	[tilespmem:$0x1E800] =	vst v63  }
0x9b: {  	s29 =	sadd.s32 $0x15400, s26  }
0x9c: {  	[spmem:s1] =	stream.indirect.scatter.add.f32 [tilespmem:s18], [sflag:$0x3], $0x80, s29, s17, $0xb8;
	[tilespmem:$0x1E800] =	vst v63  }
0x9d: {  	_ =	swait.ge [sflag:s14], $0x4000  }
0x9e: {  	[sflag:s14] =	ssyncset.done $0x0  }
0x9f: {  	[sflag:s14] =	ssyncadd.s32 $0xFFFFC000  }
0xa0: {  	_ =	swait.ge [sflag:s21], $0x4000  }
0xa1: {  	[sflag:s21] =	ssyncset.done $0x0  }
0xa2: {  	s30 =	sadd.s32 $0x14100, s26;
	[sflag:s21] =	ssyncadd.s32 $0xFFFFC000  }
0xa3: {  	[tilespmem:s18], [sflag:$0x1] =	stream.indirect.gather [hbm4b:s4+s17], $0x80, s30, s17, $0xb8;
	[tilespmem:$0x1E800] =	vst v63  }
0xa4: {  	s31 =	sadd.s32 $0x15480, s26  }
0xa5: {  	[spmem:s1] =	stream.indirect.scatter.add.f32 [tilespmem:s20], [sflag:$0x3], $0x80, s31, s17, $0xb8;
	[tilespmem:$0x1E800] =	vst v63  }
0xa6: {  	_ =	swait.ge [sflag:s14], $0x4000  }
0xa7: {  	[sflag:s14] =	ssyncset.done $0x0  }
0xa8: {  	[sflag:s14] =	ssyncadd.s32 $0xFFFFC000  }
0xa9: {  	_ =	swait.ge [sflag:s19], $0x4000  }
0xaa: {  	[sflag:s19] =	ssyncset.done $0x0  }
0xab: {  	[sflag:s19] =	ssyncadd.s32 $0xFFFFC000  }
0xac: {  	[tilespmem:s20], [sflag:$0x2] =	stream.indirect.gather [hbm4b:s4+s17], $0x80, s22, s17, $0xb8;
	[tilespmem:$0x1E800] =	vst v63  }
0xad: {  	_ = 	snop  }
0xae: {  	[spmem:s1] =	stream.indirect.scatter.add.f32 [tilespmem:s18], [sflag:$0x3], $0x80, s23, s17, $0xb8;
	[tilespmem:$0x1E800] =	vst v63  }
0xaf: {  	_ =	swait.ge [sflag:s14], $0x4000  }
0xb0: {  	[sflag:s14] =	ssyncset.done $0x0  }
0xb1: {  	[sflag:s14] =	ssyncadd.s32 $0xFFFFC000  }
0xb2: {  	_ =	swait.ge [sflag:s21], $0x4000  }
0xb3: {  	[sflag:s21] =	ssyncset.done $0x0  }
0xb4: {  	[sflag:s21] =	ssyncadd.s32 $0xFFFFC000  }
0xb5: {  	[spmem:s1] =	stream.indirect.scatter.add.f32 [tilespmem:s20], [sflag:$0x3], $0x80, s24, s17, $0xb8;
	[tilespmem:$0x1E800] =	vst v63  }
0xb6: {  	_ =	swait.ge [sflag:s14], $0x4000  }
0xb7: {  	s25 =	sadd.s32 $0x1, s25;
	[sflag:s14] =	ssyncset.done $0x0  }
0xb8: {  	p0 =	sne.s32 s25, s8;
	[sflag:s14] =	ssyncadd.s32 $0xFFFFC000  }
.Ltmp2:
0xb9: {  	[bflag:$0x0] =	sbarrier.arrive $0xFFFF;
	(pc) =	sbr.rel @p0 .LBB2_1-.Ltmp2, $4  }
0xba: {  	[hbm:s7], [sflag:s6] =	dma.local [spmem:s13], $0x2800  }
0xbb: {  	_ =	swait.ge [sflag:s14], $0x2800  }
0xbc: {  	[sflag:s14] =	ssyncset.done $0x0  }
0xbd: {  	[sflag:s14] =	ssyncadd.s32 $0xFFFFD800  }
0xbe: {  	_ =	sfence.sel $0x180000  }
0xbf: {  	[bflag:$0x0] =	sbarrier.arrive $0xFFFF  }
0xc0: {  	p0 =	sne.s32 s2, $0x0;
	_ =	strace $0x9000004D  }
0xc1: {  	s0 =	sadd.s32 @!p0 $0x100000, s0;
	[bflag:$0x2] =	sbarrier.arrive $0xFFFF  }
0xc2: {  	[sflag:s0] =	ssyncadd.tile.s32 @!p0 $0x1;
	_ =	shalt  }
.Lfunc_end2:
_tile_overlayer_lowered:
.L_overlay_start_2:
0xc3: {  	(tag) =	ssettag $0x2  }
0xc4: {  	s0 =	rddreg [dreg:$0x0];
	s2 =	stileid.u32  }
0xc5: {  	s1 =	rddreg [dreg:$0x1];
	p0 =	sne.s32 s2, $0x0  }
0xc6: {  	s3 =	rddreg [dreg:$0x2];
	[bflag:$0x3] =	sbarrier.arrive $0xFFFF;
	s2 =	simm.s32 @!p0 $0x1C03  }
0xc7: {  	[timem:s3], [sflag:s2] =	dma.local @!p0 [hbm:s0], s1  }
0xc8: {  	s0 =	simm.s32 @!p0 $0x3  }
0xc9: {  	_ =	swait.ge @!p0 [sflag:s0], s1  }
0xca: {  	s1 =	ssub.s32 @!p0 $0x0, s1;
	[sflag:s0] =	ssyncset.done @!p0 $0x0  }
0xcb: {  	[sflag:s0] =	ssyncadd.s32 @!p0 s1  }
0xcc: {  	[bflag:$0x3] =	sbarrier.arrive $0xFFFF  }
0xcd: {  	_ =	shalt  }

// kernel: kernel.19.cloned.1.call-start
scs
__scs_entry_jumppad:
0x0: {  	(pc) =	sbr.rel $0x88, $3  }
0x1: {  	(tag) =	ssettag $0x0;
	lr =	simm.s32 $0x1  }
0x2: {  	[smem:$0x3F96] =	sst lr;
	_ =	strace $0xD0000000  }
0x3: {  	_ = 	snop  }
0x4: {  	_ = 	snop  }
0x5: {  	_ = 	snop  }
0x6: {  	_ = 	snop  }
0x7: {  	_ = 	snop  }
__scs_overlays_trampoline_lowered:
0x8: {  	[smem:$0x3FA5] =	sst s0  }
0x9: {  	[smem:$0x3FA6] =	sst s1  }
0xa: {  	[smem:$0x3FA7] =	sst s2  }
0xb: {  	[smem:$0x3FA8] =	sst s3  }
0xc: {  	[smem:$0x3FA9] =	sst s4  }
0xd: {  	[smem:$0x3FAA] =	sst s5  }
0xe: {  	[smem:$0x3FAB] =	sst s6  }
0xf: {  	[smem:$0x3FAC] =	sst s7  }
0x10: {  	[smem:$0x3FAD] =	sst s8  }
0x11: {  	[smem:$0x3FAE] =	sst s9;
	s0 =	simm.s32 @!p0 $0x0  }
0x12: {  	s1 =	sld [smem:$0x3F94];
	s0 =	simm.s32 @p0 $0x1  }
0x13: {  	[smem:$0x3FAF] =	sst s0;
	s0 =	simm.s32 @!p1 $0x0  }
0x14: {  	s2 =	sld [smem:$0x3F93];
	s0 =	simm.s32 @p1 $0x1  }
0x15: {  	[smem:$0x3FB0] =	sst s0;
	s0 =	simm.s32 @!p2 $0x0  }
0x16: {  	s3 =	sld [smem:$0x3FDB];
	s0 =	simm.s32 @p2 $0x1  }
0x17: {  	s4 =	simm.s32 $0x1BF5;
	[smem:$0x3FB2] =	sst s0  }
0x18: {  	s0 =	sld [smem:$0x3F95];
	_ =	swait.ge [sflag:s4], $0x0  }
0x19: {  	s7 =	sld [smem:$0x3F96]  }
0x1a: {  	s8 =	sadd.s32 $0xFFFFE003, lr  }
0x1b: {  	s9 =	sadd.s32 $0xFFFFFEF7, lr;
	s5 =	simm.s32 $0xFFFFFFFF;
	p2 =	slt.u32 s8, $0xFFFFF086  }
0x1c: {  	p1 =	slt.u32 s9, $0xF7A;
	s5 =	simm.s32 @!p2 $0x0  }
0x1d: {  	s5 =	simm.s32 @p1 $0x1;
	p0 =	seq.s32 s7, s2  }
0x1e: {  	s7 =	smul.u32 @!p0 $0xF7A, s2;
	p2 =	seq.s32 @!p0 s5, $0x0  }
0x1f: {  	s9 =	smul.u32 $0xF7A, s1;
	s8 =	simm.s32 @!p0 $0x1BF5;
	p2 =	por !p2, p0  }
0x20: {  	[sflag:s8] =	ssyncset.s32 @!p0 $0xFFFFF086;
	s6 =	sadd.s32 @!p0 s3, s7;
	s7 =	simm.s32 @!p0 $0x108  }
0x21: {  	s3 =	sadd.s32 s3, s9;
	s6 =	sadd.s32 @!p0 $0x88, s6;
	s7 =	simm.s32 @p2 $0x1082  }
0x22: {  	[simem:s7], [sflag:s8] =	dma.local @!p0 [hbm:s6], $0xF7A  }
0x23: {  	s9 =	sor.u32 $0xD0000000, s2;
	s6 =	simm.s32 $0x108;
	_ =	swait.ge @!p0 [sflag:s8], $0x0  }
0x24: {  	s3 =	sadd.s32 $0x88, s3;
	s6 =	simm.s32 @!p1 $0x1082;
	[sflag:s4] =	ssyncset.s32 $0xFFFFF086  }
0x25: {  	[simem:s6], [sflag:s4] =	dma.local [hbm:s3], $0xF7A  }
0x26: {  	[smem:$0x3F96] =	sst s1;
	(tag) =	ssettag s2;
	_ =	strace s9  }
0x27: {  	s1 =	sld [smem:$0x3FA6]  }
0x28: {  	s2 =	sld [smem:$0x3FA7]  }
0x29: {  	s4 =	sld [smem:$0x3FA9]  }
0x2a: {  	p0 =	seq.s32 s5, $0x0;
	s5 =	sld [smem:$0x3FAA]  }
0x2b: {  	s6 =	sld [smem:$0x3FAB]  }
0x2c: {  	s7 =	sld [smem:$0x3FAC]  }
0x2d: {  	s3 =	simm.s32 $0x108;
	s8 =	sld [smem:$0x3FAD]  }
0x2e: {  	s3 =	simm.s32 @!p0 $0x1082;
	s9 =	sld [smem:$0x3FAE]  }
0x2f: {  	lr =	sadd.s32 s0, s3;
	s0 =	sld [smem:$0x3FA5]  }
0x30: {  	s3 =	sld [smem:$0x3FA8]  }
0x31: {  	[smem:$0x3FB1] =	sst s10  }
0x32: {  	s10 =	sld [smem:$0x3FAF];
	_ =	sdelay $0x3  }
0x33: {  	p0 =	seq.s32 s10, $0x1;
	s10 =	sld [smem:$0x3FB1];
	_ =	sdelay $0x3  }
0x34: {  	[smem:$0x3FB1] =	sst s10  }
0x35: {  	s10 =	sld [smem:$0x3FB0];
	_ =	sdelay $0x3  }
0x36: {  	p1 =	seq.s32 s10, $0x1;
	s10 =	sld [smem:$0x3FB1];
	_ =	sdelay $0x3  }
0x37: {  	[smem:$0x3FB1] =	sst s10  }
0x38: {  	s10 =	sld [smem:$0x3FB2]  }
0x39: {  	_ = 	snop;
	(pc) =	sbr.ind lr, $3  }
0x3a: {  	_ = 	snop  }
0x3b: {  	_ = 	snop  }
0x3c: {  	p2 =	seq.s32 s10, $0x1;
	s10 =	sld [smem:$0x3FB1]  }
0x3d: {  	_ =	shalt  }
0x3e: {  	_ =	shalt  }
0x3f: {  	_ =	shalt  }
0x40: {  	_ =	shalt  }
0x41: {  	_ =	shalt  }
0x42: {  	_ =	shalt  }
0x43: {  	_ =	shalt  }
0x44: {  	_ =	shalt  }
0x45: {  	_ =	shalt  }
0x46: {  	_ =	shalt  }
0x47: {  	_ =	shalt  }
0x48: {  	_ =	shalt  }
0x49: {  	_ =	shalt  }
0x4a: {  	_ =	shalt  }
0x4b: {  	_ =	shalt  }
0x4c: {  	_ =	shalt  }
0x4d: {  	_ =	shalt  }
0x4e: {  	_ =	shalt  }
0x4f: {  	_ =	shalt  }
0x50: {  	_ =	shalt  }
0x51: {  	_ =	shalt  }
0x52: {  	_ =	shalt  }
0x53: {  	_ =	shalt  }
0x54: {  	_ =	shalt  }
0x55: {  	_ =	shalt  }
0x56: {  	_ =	shalt  }
0x57: {  	_ =	shalt  }
0x58: {  	_ =	shalt  }
0x59: {  	_ =	shalt  }
0x5a: {  	_ =	shalt  }
0x5b: {  	_ =	shalt  }
0x5c: {  	_ =	shalt  }
0x5d: {  	_ =	shalt  }
0x5e: {  	_ =	shalt  }
0x5f: {  	_ =	shalt  }
0x60: {  	_ =	shalt  }
0x61: {  	_ =	shalt  }
0x62: {  	_ =	shalt  }
0x63: {  	_ =	shalt  }
0x64: {  	_ =	shalt  }
0x65: {  	_ =	shalt  }
0x66: {  	_ =	shalt  }
0x67: {  	_ =	shalt  }
0x68: {  	_ =	shalt  }
0x69: {  	_ =	shalt  }
0x6a: {  	_ =	shalt  }
0x6b: {  	_ =	shalt  }
0x6c: {  	_ =	shalt  }
0x6d: {  	_ =	shalt  }
0x6e: {  	_ =	shalt  }
0x6f: {  	_ =	shalt  }
0x70: {  	_ =	shalt  }
0x71: {  	_ =	shalt  }
0x72: {  	_ =	shalt  }
0x73: {  	_ =	shalt  }
0x74: {  	_ =	shalt  }
0x75: {  	_ =	shalt  }
0x76: {  	_ =	shalt  }
0x77: {  	_ =	shalt  }
0x78: {  	_ =	shalt  }
0x79: {  	_ =	shalt  }
0x7a: {  	_ =	shalt  }
0x7b: {  	_ =	shalt  }
0x7c: {  	_ =	shalt  }
0x7d: {  	_ =	shalt  }
0x7e: {  	_ =	shalt  }
0x7f: {  	_ =	shalt  }
0x80: {  	_ =	shalt  }
0x81: {  	_ =	shalt  }
0x82: {  	_ =	shalt  }
0x83: {  	_ =	shalt  }
0x84: {  	_ =	shalt  }
0x85: {  	_ =	shalt  }
0x86: {  	_ =	shalt  }
0x87: {  	_ =	shalt  }
.Lfunc_end0:
.L_simem_size_0:
called_computation.3_lowered:
.L_overlay_start_0:
0x88: {  	s2 =	sld [smem:$0x3FD9]  }
0x89: {  	s3 =	sld [smem:$0x3FFE];
	_ =	sdelay $0x1  }
0x8a: {  	s1 =	srdreg.scid  }
0x8b: {  	s0 =	sand.u32 $0x1, s1  }
0x8c: {  	s16 =	sshll.u32 s0, $0xA;
	s2 =	sadd.s32 s3, s2  }
0x8d: {  	s2 =	sadd.s32 s2, s16  }
0x8e: {  	[smem:$0x3FBD] =	sst s2  }
0x8f: {  	_ = 	snop  }
0x90: {  	(tm) =	ssettm $0x1  }
0x91: {  	s17 =	sld [smem:$0x3FFB];
	_ =	sdelay $0x3  }
0x92: {  	_ =	strace s17  }
0x93: {  	s2 =	sld [smem:$0x3FFC];
	_ =	sdelay $0x3  }
0x94: {  	_ =	strace s2  }
0x95: {  	s2 =	sld [smem:$0x3FFD];
	_ =	sdelay $0x3  }
0x96: {  	_ =	strace s2  }
0x97: {  	_ =	strace $0x8FFFFFFF  }
0x98: {  	s18 =	sld [smem:$0x3FDB];
	_ =	sdelay $0x1  }
0x99: {  	s19 =	simm.s32 $_scs_section_size  }
0x9a: {  	s4 =	simm.s32 $_size__tile_overlayer_lowered;
	s5 =	simm.s32 $_tile_overlayer_lowered  }
0x9b: {  	s22 =	simm.s32 $0x1BFF;
	s21 =	sshll.u32 s5, $0x1;
	s2 =	sadd.s32 s19, s18  }
0x9c: {  	s6 =	simm.s32 $0x0;
	s20 =	sshll.u32 s4, $0x1;
	s4 =	sadd.s32 s21, s2  }
0x9d: {  	[timem:s6], [sflag:s22] =	dma.local [hbm:s4], s20  }
0x9e: {  	_ =	swait.ge [sflag:s22], s20  }
0x9f: {  	s3 =	ssub.s32 $0x0, s20;
	[sflag:s22] =	ssyncset.done $0x0  }
0xa0: {  	[sflag:s22] =	ssyncadd.s32 s3;
	_ =	sdelay $0x1  }
0xa1: {  	s23 =	simm.s32 $0x1B8B  }
0xa2: {  	_ =	swait.ge [sflag:s23], $0x1  }
0xa3: {  	[sflag:s23] =	ssyncset.done $0x0  }
0xa4: {  	s25 =	simm.s32 $0x1B8E;
	s24 =	sld [smem:$0x3FFE];
	[sflag:s23] =	ssyncadd.s32 $0xFFFFFFFF  }
0xa5: {  	s26 =	simm.s32 $execute0_lowered;
	[smem:$0x3FD2] =	sst s25  }
0xa6: {  	s4 =	sshll.u32 s26, $0x1;
	_ =	strace $0x8000004F;
	[dreg:$0x1] =	wrdreg $0xFFFFFFFF  }
0xa7: {  	s28 =	simm.s32 $_size_execute0_lowered;
	s2 =	sadd.s32 s2, s4;
	[dreg:$0x0] =	wrdreg $0x0  }
0xa8: {  	s4 =	sshll.u32 s28, $0x1;
	[dreg:$0x2] =	wrdreg s2  }
0xa9: {  	[dreg:$0x3] =	wrdreg s4  }
0xaa: {  	[dreg:$0x4] =	wrdreg $0xC0  }
0xab: {  	_ =	task [dreg:s6], $0x5FFFF  }
0xac: {  	[dreg:$0x1] =	wrdreg $0xFFFFFFFF  }
0xad: {  	[dreg:$0x0] =	wrdreg $0x60  }
0xae: {  	[dreg:$0x2] =	wrdreg s24  }
0xaf: {  	[dreg:$0x3] =	wrdreg $0x0  }
0xb0: {  	[dreg:$0x4] =	wrdreg $0x9  }
0xb1: {  	_ =	task.clear_ibuf [dreg:s6], $0x5FFFF;
	_ =	strace $0x9000004F  }
0xb2: {  	s29 =	simm.s32 $0x9;
	_ =	strace $0x80000051  }
0xb3: {  	_ =	swait.ge [sflag:s29], $0x1  }
0xb4: {  	[sflag:s29] =	ssyncadd.s32 $0xFFFFFFFF  }
0xb5: {  	_ =	strace $0x90000051  }
0xb6: {  	_ =	sfence  }
0xb7: {  	s30 =	sld [smem:$0x0];
	_ =	sdelay $0x2  }
0xb8: {  	s31 =	sshll.u32 s1, $0xD;
	s1 =	sshrl.u32 s1, $0x2  }
0xb9: {  	s3 =	sand.u32 $0x4000, s31;
	s1 =	sadd.s32 s1, s30  }
0xba: {  	s0 =	sor.u32 s3, s0;
	s1 =	sshll.u32 s1, $0x11  }
0xbb: {  	s0 =	sor.u32 s1, s0  }
0xbc: {  	s0 =	sadd.s32 $0x8F2B, s0  }
0xbd: {  	[sflag:s0] =	ssyncadd.remote.s32 $0x1  }
0xbe: {  	_ =	sfence.sel $0xFFFF  }
0xbf: {  	[dreg:$0x0] =	wrdreg $0xFFFFFFFF;
	(pc) =	sbr.abs _section_cstart, $3  }
0xc0: {  	[dreg:$0x1] =	wrdreg $0xFFFFFFFF  }
0xc1: {  	_ =	task.clear_ibuf [dreg:s6], $0x2FFFF;
	_ =	strace $0x9FFFFFFF  }
0xc2: {  	(tm) =	ssettm $0x7FFFFFFF  }
0xc3: {  	_ =	shalt  }
tec
execute0_lowered:
.L_overlay_start_1:
0x0: {  	(tag) =	ssettag $0x1  }
0x1: {  	s6 =	rddreg [dreg:$0x0]  }
0x2: {  	s1 =	rddreg [dreg:$0x1]  }
0x3: {  	s2 =	srdreg.scid;
	s0 =	rddreg [dreg:$0x2]  }
0x4: {  	s3 =	simm.s32 $0x0;
	s16 =	simm.s32 $0x15400;
	s17 =	simm.s32 $0x80  }
0x5: {  	s18 =	simm.s32 $0x16800;
	s19 =	simm.s32 $0x1;
	s20 =	simm.s32 $0x1A800  }
0x6: {  	s21 =	simm.s32 $0x2;
	s22 =	simm.s32 $0x15380;
	s23 =	simm.s32 $0x16700  }
0x7: {  	s7 =	sand.u32 $0x1, s2;
	s2 =	stileid.u32;
	[smem:$0x7FF] =	sst s3  }
0x8: {  	s4 =	sadd.s32 $0xF600, s6;
	s11 =	sadd.s32 $0x5FE00, s6;
	s8 =	smul.u32 $0x140000, s7  }
0x9: {  	s12 =	sadd.s32 $0x2E00, s6;
	s5 =	sadd.s32 $0xCE00, s6;
	s9 =	smul.u32 $0x14000, s2  }
0xa: {  	_ =	strace $0x80000050;
	s24 =	ssub.s32 $0x2, s7;
	s10 =	smul.u32 $0x50000, s2  }
0xb: {  	s25 =	ssub.s32 $0x0, s7;
	s29 =	smul.u32 $0x5000, s2;
	s30 =	sshll.u32 s2, $0x6  }
0xc: {  	s26 =	sshrl.u32 s24, $0x1;
	s14 =	sand.u32 $0x2800, s25;
	s25 =	simm.s32 $0x0  }
0xd: {  	s8 =	sadd.s32 s9, s8;
	s9 =	ssub.s32 s24, s26;
	s28 =	sshrl.u32 s10, $0x2  }
0xe: {  	s10 =	sadd.s32 s29, s14;
	s24 =	simm.s32 $0x16780;
	s8 =	sshrl.u32 s8, $0x3  }
0xf: {  	s13 =	sadd.s32 s28, s1;
	s14 =	sshrl.u32 s10, $0x3;
	s15 =	sadd.s32 $0x1400, s10  }
0x10: {  	s8 =	sadd.s32 s8, s6;
	s6 =	sor.u32 $0x1C03, s30;
	s10 =	sadd.s32 s12, s14  }
0x11: {  	s31 =	sshrl.u32 s15, $0x3;
	s13 =	sshrl.u32 s13, $0x3;
	s15 =	simm.s32 $0x14000  }
0x12: {  	s7 =	sadd.s32 $0x69E00, s8;
	s8 =	smax.u32 s9, $0x1;
	s9 =	sadd.s32 s11, s14  }
0x13: {  	s11 =	sadd.s32 s11, s31;
	s12 =	sadd.s32 s12, s31;
	s14 =	simm.s32 $0x3  }
.LBB2_1:
0x14: {  	[spmem:s13], [sflag:s6] =	dma.local [hbm:s5], $0x2800  }
0x15: {  	_ =	swait.ge [sflag:s14], $0x2800  }
0x16: {  	[sflag:s14] =	ssyncset.done $0x0  }
0x17: {  	[sflag:s14] =	ssyncadd.s32 $0xFFFFD800  }
0x18: {  	[bflag:$0x0] =	sbarrier.arrive $0xFFFF  }
0x19: {  	[tilespmem:s15], [sflag:$0x3] =	stream.linear.gather [hbm4b:s9+s3], $0x1400, $0x38;
	[tilespmem:$0x1E800] =	vst v63  }
0x1a: {  	_ =	swait.ge [sflag:s14], $0x1400  }
0x1b: {  	[sflag:s14] =	ssyncset.done $0x0  }
0x1c: {  	[sflag:s14] =	ssyncadd.s32 $0xFFFFEC00  }
0x1d: {  	[tilespmem:s16], [sflag:$0x3] =	stream.linear.gather [hbm4b:s10+s3], $0x1400, $0x38;
	[tilespmem:$0x1E800] =	vst v63  }
0x1e: {  	_ =	swait.ge [sflag:s14], $0x1400  }
0x1f: {  	[sflag:s14] =	ssyncset.done $0x0  }
0x20: {  	[sflag:s14] =	ssyncadd.s32 $0xFFFFEC00  }
0x21: {  	[tilespmem:s18], [sflag:$0x1] =	stream.indirect.gather [hbm4b:s4+s17], $0x80, s15, s17, $0xb8;
	[tilespmem:$0x1E800] =	vst v63  }
0x22: {  	_ =	swait.ge [sflag:s19], $0x4000  }
0x23: {  	[sflag:s19] =	ssyncset.done $0x0  }
0x24: {  	s26 =	simm.s32 $0x14080;
	[sflag:s19] =	ssyncadd.s32 $0xFFFFC000  }
0x25: {  	[tilespmem:s20], [sflag:$0x2] =	stream.indirect.gather [hbm4b:s4+s17], $0x80, s26, s17, $0xb8;
	[tilespmem:$0x1E800] =	vst v63  }
0x26: {  	s29 =	simm.s32 $0x15400  }
0x27: {  	[spmem:s1] =	stream.indirect.scatter.add.f32 [tilespmem:s18], [sflag:$0x3], $0x80, s29, s17, $0xb8;
	[tilespmem:$0x1E800] =	vst v63  }
0x28: {  	_ =	swait.ge [sflag:s14], $0x4000  }
0x29: {  	[sflag:s14] =	ssyncset.done $0x0  }
0x2a: {  	[sflag:s14] =	ssyncadd.s32 $0xFFFFC000  }
0x2b: {  	_ =	swait.ge [sflag:s21], $0x4000  }
0x2c: {  	[sflag:s21] =	ssyncset.done $0x0  }
0x2d: {  	s30 =	simm.s32 $0x14100;
	[sflag:s21] =	ssyncadd.s32 $0xFFFFC000  }
0x2e: {  	[tilespmem:s18], [sflag:$0x1] =	stream.indirect.gather [hbm4b:s4+s17], $0x80, s30, s17, $0xb8;
	[tilespmem:$0x1E800] =	vst v63  }
0x2f: {  	s31 =	simm.s32 $0x15480  }
0x30: {  	[spmem:s1] =	stream.indirect.scatter.add.f32 [tilespmem:s20], [sflag:$0x3], $0x80, s31, s17, $0xb8;
	[tilespmem:$0x1E800] =	vst v63  }
0x31: {  	_ =	swait.ge [sflag:s14], $0x4000  }
0x32: {  	[sflag:s14] =	ssyncset.done $0x0  }
0x33: {  	[sflag:s14] =	ssyncadd.s32 $0xFFFFC000  }
0x34: {  	_ =	swait.ge [sflag:s19], $0x4000  }
0x35: {  	s28 =	simm.s32 $0x800;
	s26 =	simm.s32 $0x100;
	[sflag:s19] =	ssyncset.done $0x0  }
.LBB2_2:
0x36: {  	s29 =	sadd.s32 $0x14080, s26  }
0x37: {  	[sflag:s19] =	ssyncadd.s32 $0xFFFFC000;
	s30 =	smov.u32 s28;
	s31 =	sadd.s32 $0x400, s28  }
0x38: {  	[tilespmem:s20], [sflag:$0x2] =	stream.indirect.gather [hbm4b:s4+s17], $0x80, s29, s17, $0xb8;
	[tilespmem:$0x1E800] =	vst v63  }
0x39: {  	p0 =	sne.s32 s28, $0x4800;
	s28 =	sadd.s32 $0x15400, s26  }
0x3a: {  	[spmem:s1] =	stream.indirect.scatter.add.f32 [tilespmem:s18], [sflag:$0x3], $0x80, s28, s17, $0xb8;
	[tilespmem:$0x1E800] =	vst v63  }
0x3b: {  	_ =	swait.ge [sflag:s14], $0x4000  }
0x3c: {  	[sflag:s14] =	ssyncset.done $0x0  }
0x3d: {  	[sflag:s14] =	ssyncadd.s32 $0xFFFFC000  }
0x3e: {  	_ =	swait.ge [sflag:s21], $0x4000  }
0x3f: {  	[sflag:s21] =	ssyncset.done $0x0  }
0x40: {  	s28 =	sadd.s32 $0x14100, s26;
	[sflag:s21] =	ssyncadd.s32 $0xFFFFC000  }
0x41: {  	[tilespmem:s18], [sflag:$0x1] =	stream.indirect.gather [hbm4b:s4+s17], $0x80, s28, s17, $0xb8;
	[tilespmem:$0x1E800] =	vst v63  }
0x42: {  	s26 =	sadd.s32 $0x15480, s26  }
0x43: {  	[spmem:s1] =	stream.indirect.scatter.add.f32 [tilespmem:s20], [sflag:$0x3], $0x80, s26, s17, $0xb8;
	[tilespmem:$0x1E800] =	vst v63  }
.Ltmp0:
0x44: {  	_ =	swait.ge [sflag:s14], $0x4000;
	(pc) =	sbr.rel @p0 .LBB2_2-.Ltmp0, $4  }
0x45: {  	[sflag:s14] =	ssyncset.done $0x0  }
0x46: {  	[sflag:s14] =	ssyncadd.s32 $0xFFFFC000  }
0x47: {  	_ =	swait.ge [sflag:s19], $0x4000  }
0x48: {  	s28 =	smov.u32 s31;
	s26 =	sshra.s32 s30, $0x2;
	[sflag:s19] =	ssyncset.done $0x0  }
0x49: {  	s28 =	sadd.s32 $0x14080, s26;
	[sflag:s19] =	ssyncadd.s32 $0xFFFFC000  }
0x4a: {  	[tilespmem:s20], [sflag:$0x2] =	stream.indirect.gather [hbm4b:s4+s17], $0x80, s28, s17, $0xb8;
	[tilespmem:$0x1E800] =	vst v63  }
0x4b: {  	s28 =	sadd.s32 $0x15400, s26  }
0x4c: {  	[spmem:s1] =	stream.indirect.scatter.add.f32 [tilespmem:s18], [sflag:$0x3], $0x80, s28, s17, $0xb8;
	[tilespmem:$0x1E800] =	vst v63  }
0x4d: {  	_ =	swait.ge [sflag:s14], $0x4000  }
0x4e: {  	[sflag:s14] =	ssyncset.done $0x0  }
0x4f: {  	[sflag:s14] =	ssyncadd.s32 $0xFFFFC000  }
0x50: {  	_ =	swait.ge [sflag:s21], $0x4000  }
0x51: {  	[sflag:s21] =	ssyncset.done $0x0  }
0x52: {  	s28 =	sadd.s32 $0x14100, s26;
	[sflag:s21] =	ssyncadd.s32 $0xFFFFC000  }
0x53: {  	[tilespmem:s18], [sflag:$0x1] =	stream.indirect.gather [hbm4b:s4+s17], $0x80, s28, s17, $0xb8;
	[tilespmem:$0x1E800] =	vst v63  }
0x54: {  	s29 =	sadd.s32 $0x15480, s26  }
0x55: {  	[spmem:s1] =	stream.indirect.scatter.add.f32 [tilespmem:s20], [sflag:$0x3], $0x80, s29, s17, $0xb8;
	[tilespmem:$0x1E800] =	vst v63  }
0x56: {  	_ =	swait.ge [sflag:s14], $0x4000  }
0x57: {  	[sflag:s14] =	ssyncset.done $0x0  }
0x58: {  	[sflag:s14] =	ssyncadd.s32 $0xFFFFC000  }
0x59: {  	_ =	swait.ge [sflag:s19], $0x4000  }
0x5a: {  	[sflag:s19] =	ssyncset.done $0x0  }
0x5b: {  	[sflag:s19] =	ssyncadd.s32 $0xFFFFC000  }
0x5c: {  	[tilespmem:s20], [sflag:$0x2] =	stream.indirect.gather [hbm4b:s4+s17], $0x80, s22, s17, $0xb8;
	[tilespmem:$0x1E800] =	vst v63  }
0x5d: {  	_ = 	snop  }
0x5e: {  	[spmem:s1] =	stream.indirect.scatter.add.f32 [tilespmem:s18], [sflag:$0x3], $0x80, s23, s17, $0xb8;
	[tilespmem:$0x1E800] =	vst v63  }
0x5f: {  	_ =	swait.ge [sflag:s14], $0x4000  }
0x60: {  	[sflag:s14] =	ssyncset.done $0x0  }
0x61: {  	[sflag:s14] =	ssyncadd.s32 $0xFFFFC000  }
0x62: {  	_ =	swait.ge [sflag:s21], $0x4000  }
0x63: {  	[sflag:s21] =	ssyncset.done $0x0  }
0x64: {  	[sflag:s21] =	ssyncadd.s32 $0xFFFFC000  }
0x65: {  	[spmem:s1] =	stream.indirect.scatter.add.f32 [tilespmem:s20], [sflag:$0x3], $0x80, s24, s17, $0xb8;
	[tilespmem:$0x1E800] =	vst v63  }
0x66: {  	_ =	swait.ge [sflag:s14], $0x4000  }
0x67: {  	[sflag:s14] =	ssyncset.done $0x0  }
0x68: {  	s30 =	simm.s32 $0x0;
	[sflag:s14] =	ssyncadd.s32 $0xFFFFC000  }
0x69: {  	[tilespmem:s15], [sflag:$0x3] =	stream.linear.gather [hbm4b:s11+s30], $0x1400, $0x38;
	[tilespmem:$0x1E800] =	vst v63  }
0x6a: {  	_ =	swait.ge [sflag:s14], $0x1400  }
0x6b: {  	[sflag:s14] =	ssyncset.done $0x0  }
0x6c: {  	[sflag:s14] =	ssyncadd.s32 $0xFFFFEC00  }
0x6d: {  	[tilespmem:s16], [sflag:$0x3] =	stream.linear.gather [hbm4b:s12+s30], $0x1400, $0x38;
	[tilespmem:$0x1E800] =	vst v63  }
0x6e: {  	_ =	swait.ge [sflag:s14], $0x1400  }
0x6f: {  	[sflag:s14] =	ssyncset.done $0x0  }
0x70: {  	[sflag:s14] =	ssyncadd.s32 $0xFFFFEC00  }
0x71: {  	[tilespmem:s18], [sflag:$0x1] =	stream.indirect.gather [hbm4b:s4+s17], $0x80, s15, s17, $0xb8;
	[tilespmem:$0x1E800] =	vst v63  }
0x72: {  	_ =	swait.ge [sflag:s19], $0x4000  }
0x73: {  	[sflag:s19] =	ssyncset.done $0x0  }
0x74: {  	s31 =	simm.s32 $0x14080;
	[sflag:s19] =	ssyncadd.s32 $0xFFFFC000  }
0x75: {  	[tilespmem:s20], [sflag:$0x2] =	stream.indirect.gather [hbm4b:s4+s17], $0x80, s31, s17, $0xb8;
	[tilespmem:$0x1E800] =	vst v63  }
0x76: {  	s29 =	simm.s32 $0x15400  }
0x77: {  	[spmem:s1] =	stream.indirect.scatter.add.f32 [tilespmem:s18], [sflag:$0x3], $0x80, s29, s17, $0xb8;
	[tilespmem:$0x1E800] =	vst v63  }
0x78: {  	_ =	swait.ge [sflag:s14], $0x4000  }
0x79: {  	[sflag:s14] =	ssyncset.done $0x0  }
0x7a: {  	[sflag:s14] =	ssyncadd.s32 $0xFFFFC000  }
0x7b: {  	_ =	swait.ge [sflag:s21], $0x4000  }
0x7c: {  	[sflag:s21] =	ssyncset.done $0x0  }
0x7d: {  	s30 =	simm.s32 $0x14100;
	[sflag:s21] =	ssyncadd.s32 $0xFFFFC000  }
0x7e: {  	[tilespmem:s18], [sflag:$0x1] =	stream.indirect.gather [hbm4b:s4+s17], $0x80, s30, s17, $0xb8;
	[tilespmem:$0x1E800] =	vst v63  }
0x7f: {  	s31 =	simm.s32 $0x15480  }
0x80: {  	[spmem:s1] =	stream.indirect.scatter.add.f32 [tilespmem:s20], [sflag:$0x3], $0x80, s31, s17, $0xb8;
	[tilespmem:$0x1E800] =	vst v63  }
0x81: {  	_ =	swait.ge [sflag:s14], $0x4000  }
0x82: {  	[sflag:s14] =	ssyncset.done $0x0  }
0x83: {  	[sflag:s14] =	ssyncadd.s32 $0xFFFFC000  }
0x84: {  	_ =	swait.ge [sflag:s19], $0x4000  }
0x85: {  	s26 =	simm.s32 $0x100;
	s28 =	simm.s32 $0x800;
	[sflag:s19] =	ssyncset.done $0x0  }
.LBB2_4:
0x86: {  	s29 =	sadd.s32 $0x14080, s26  }
0x87: {  	[sflag:s19] =	ssyncadd.s32 $0xFFFFC000;
	s30 =	smov.u32 s28;
	s31 =	sadd.s32 $0x400, s28  }
0x88: {  	[tilespmem:s20], [sflag:$0x2] =	stream.indirect.gather [hbm4b:s4+s17], $0x80, s29, s17, $0xb8;
	[tilespmem:$0x1E800] =	vst v63  }
0x89: {  	p0 =	sne.s32 s28, $0x4800;
	s28 =	sadd.s32 $0x15400, s26  }
0x8a: {  	[spmem:s1] =	stream.indirect.scatter.add.f32 [tilespmem:s18], [sflag:$0x3], $0x80, s28, s17, $0xb8;
	[tilespmem:$0x1E800] =	vst v63  }
0x8b: {  	_ =	swait.ge [sflag:s14], $0x4000  }
0x8c: {  	[sflag:s14] =	ssyncset.done $0x0  }
0x8d: {  	[sflag:s14] =	ssyncadd.s32 $0xFFFFC000  }
0x8e: {  	_ =	swait.ge [sflag:s21], $0x4000  }
0x8f: {  	[sflag:s21] =	ssyncset.done $0x0  }
0x90: {  	s28 =	sadd.s32 $0x14100, s26;
	[sflag:s21] =	ssyncadd.s32 $0xFFFFC000  }
0x91: {  	[tilespmem:s18], [sflag:$0x1] =	stream.indirect.gather [hbm4b:s4+s17], $0x80, s28, s17, $0xb8;
	[tilespmem:$0x1E800] =	vst v63  }
0x92: {  	s26 =	sadd.s32 $0x15480, s26  }
0x93: {  	[spmem:s1] =	stream.indirect.scatter.add.f32 [tilespmem:s20], [sflag:$0x3], $0x80, s26, s17, $0xb8;
	[tilespmem:$0x1E800] =	vst v63  }
.Ltmp1:
0x94: {  	_ =	swait.ge [sflag:s14], $0x4000;
	(pc) =	sbr.rel @p0 .LBB2_4-.Ltmp1, $4  }
0x95: {  	[sflag:s14] =	ssyncset.done $0x0  }
0x96: {  	[sflag:s14] =	ssyncadd.s32 $0xFFFFC000  }
0x97: {  	_ =	swait.ge [sflag:s19], $0x4000  }
0x98: {  	s28 =	smov.u32 s31;
	s26 =	sshra.s32 s30, $0x2;
	[sflag:s19] =	ssyncset.done $0x0  }
0x99: {  	s28 =	sadd.s32 $0x14080, s26;
	[sflag:s19] =	ssyncadd.s32 $0xFFFFC000  }
0x9a: {  	[tilespmem:s20], [sflag:$0x2] =	stream.indirect.gather [hbm4b:s4+s17], $0x80, s28, s17, $0xb8;
	[tilespmem:$0x1E800] =	vst v63  }
0x9b: {  	s29 =	sadd.s32 $0x15400, s26  }
0x9c: {  	[spmem:s1] =	stream.indirect.scatter.add.f32 [tilespmem:s18], [sflag:$0x3], $0x80, s29, s17, $0xb8;
	[tilespmem:$0x1E800] =	vst v63  }
0x9d: {  	_ =	swait.ge [sflag:s14], $0x4000  }
0x9e: {  	[sflag:s14] =	ssyncset.done $0x0  }
0x9f: {  	[sflag:s14] =	ssyncadd.s32 $0xFFFFC000  }
0xa0: {  	_ =	swait.ge [sflag:s21], $0x4000  }
0xa1: {  	[sflag:s21] =	ssyncset.done $0x0  }
0xa2: {  	s30 =	sadd.s32 $0x14100, s26;
	[sflag:s21] =	ssyncadd.s32 $0xFFFFC000  }
0xa3: {  	[tilespmem:s18], [sflag:$0x1] =	stream.indirect.gather [hbm4b:s4+s17], $0x80, s30, s17, $0xb8;
	[tilespmem:$0x1E800] =	vst v63  }
0xa4: {  	s31 =	sadd.s32 $0x15480, s26  }
0xa5: {  	[spmem:s1] =	stream.indirect.scatter.add.f32 [tilespmem:s20], [sflag:$0x3], $0x80, s31, s17, $0xb8;
	[tilespmem:$0x1E800] =	vst v63  }
0xa6: {  	_ =	swait.ge [sflag:s14], $0x4000  }
0xa7: {  	[sflag:s14] =	ssyncset.done $0x0  }
0xa8: {  	[sflag:s14] =	ssyncadd.s32 $0xFFFFC000  }
0xa9: {  	_ =	swait.ge [sflag:s19], $0x4000  }
0xaa: {  	[sflag:s19] =	ssyncset.done $0x0  }
0xab: {  	[sflag:s19] =	ssyncadd.s32 $0xFFFFC000  }
0xac: {  	[tilespmem:s20], [sflag:$0x2] =	stream.indirect.gather [hbm4b:s4+s17], $0x80, s22, s17, $0xb8;
	[tilespmem:$0x1E800] =	vst v63  }
0xad: {  	_ = 	snop  }
0xae: {  	[spmem:s1] =	stream.indirect.scatter.add.f32 [tilespmem:s18], [sflag:$0x3], $0x80, s23, s17, $0xb8;
	[tilespmem:$0x1E800] =	vst v63  }
0xaf: {  	_ =	swait.ge [sflag:s14], $0x4000  }
0xb0: {  	[sflag:s14] =	ssyncset.done $0x0  }
0xb1: {  	[sflag:s14] =	ssyncadd.s32 $0xFFFFC000  }
0xb2: {  	_ =	swait.ge [sflag:s21], $0x4000  }
0xb3: {  	[sflag:s21] =	ssyncset.done $0x0  }
0xb4: {  	[sflag:s21] =	ssyncadd.s32 $0xFFFFC000  }
0xb5: {  	[spmem:s1] =	stream.indirect.scatter.add.f32 [tilespmem:s20], [sflag:$0x3], $0x80, s24, s17, $0xb8;
	[tilespmem:$0x1E800] =	vst v63  }
0xb6: {  	_ =	swait.ge [sflag:s14], $0x4000  }
0xb7: {  	s25 =	sadd.s32 $0x1, s25;
	[sflag:s14] =	ssyncset.done $0x0  }
0xb8: {  	p0 =	sne.s32 s25, s8;
	[sflag:s14] =	ssyncadd.s32 $0xFFFFC000  }
.Ltmp2:
0xb9: {  	[bflag:$0x0] =	sbarrier.arrive $0xFFFF;
	(pc) =	sbr.rel @p0 .LBB2_1-.Ltmp2, $4  }
0xba: {  	[hbm:s7], [sflag:s6] =	dma.local [spmem:s13], $0x2800  }
0xbb: {  	_ =	swait.ge [sflag:s14], $0x2800  }
0xbc: {  	[sflag:s14] =	ssyncset.done $0x0  }
0xbd: {  	[sflag:s14] =	ssyncadd.s32 $0xFFFFD800  }
0xbe: {  	_ =	sfence.sel $0x180000  }
0xbf: {  	[bflag:$0x0] =	sbarrier.arrive $0xFFFF  }
0xc0: {  	p0 =	sne.s32 s2, $0x0;
	_ =	strace $0x90000050  }
0xc1: {  	s0 =	sadd.s32 @!p0 $0x100000, s0;
	[bflag:$0x2] =	sbarrier.arrive $0xFFFF  }
0xc2: {  	[sflag:s0] =	ssyncadd.tile.s32 @!p0 $0x1;
	_ =	shalt  }
.Lfunc_end2:
_tile_overlayer_lowered:
.L_overlay_start_2:
0xc3: {  	(tag) =	ssettag $0x2  }
0xc4: {  	s0 =	rddreg [dreg:$0x0];
	s2 =	stileid.u32  }
0xc5: {  	s1 =	rddreg [dreg:$0x1];
	p0 =	sne.s32 s2, $0x0  }
0xc6: {  	s3 =	rddreg [dreg:$0x2];
	[bflag:$0x3] =	sbarrier.arrive $0xFFFF;
	s2 =	simm.s32 @!p0 $0x1C03  }
0xc7: {  	[timem:s3], [sflag:s2] =	dma.local @!p0 [hbm:s0], s1  }
0xc8: {  	s0 =	simm.s32 @!p0 $0x3  }
0xc9: {  	_ =	swait.ge @!p0 [sflag:s0], s1  }
0xca: {  	s1 =	ssub.s32 @!p0 $0x0, s1;
	[sflag:s0] =	ssyncset.done @!p0 $0x0  }
0xcb: {  	[sflag:s0] =	ssyncadd.s32 @!p0 s1  }
0xcc: {  	[bflag:$0x3] =	sbarrier.arrive $0xFFFF  }
0xcd: {  	_ =	shalt  }

</sc_bundles>
